<compile_context>
chip_gen: v7x
topology: tpu7x:2x2x1
jax: 0.10.2.dev20260603
libtpu: 0.0.44.dev20260713+nightly
codegen_flags: <defaults>
</compile_context>

<pallas_src>
import functools

import numpy as np
import jax
import jax.numpy as jnp
from jax import lax
from jax.experimental import pallas as pl
from jax.experimental.pallas import tpu as pltpu
from jax.experimental.pallas import tpu_sc as plsc

SIZE = 2048
BATCH = 16
ZDIM = 128
MDEPTH = 11
NROWS = BATCH * SIZE
NV = SIZE // 16
ECAP = 16
EOUT = 128
ZSTAR = float(np.uint32(0x34B17219).view(np.float32))
IMIN = np.int32(-(2 ** 31))


def _make_chain():
    mesh = plsc.VectorSubcoreMesh(core_axis_name="c", subcore_axis_name="s")
    info = plsc.get_sparse_core_info()

    @functools.partial(
        pl.kernel, mesh=mesh,
        out_type=[
            jax.ShapeDtypeStruct((BATCH, SIZE), jnp.float32),
            jax.ShapeDtypeStruct((BATCH, SIZE), jnp.int32),
            jax.ShapeDtypeStruct((BATCH, EOUT), jnp.int32),
            jax.ShapeDtypeStruct((BATCH, EOUT), jnp.int32),
            jax.ShapeDtypeStruct((BATCH, EOUT), jnp.float32),
        ],
        compiler_params=pltpu.CompilerParams(needs_layout_passes=False),
        scratch_types=[
            pltpu.VMEM((SIZE,), jnp.float32),
            pltpu.VMEM((SIZE,), jnp.float32),
            pltpu.VMEM((SIZE,), jnp.float32),
            pltpu.VMEM((SIZE,), jnp.int32),
            pltpu.VMEM((SIZE,), jnp.int32),
            pltpu.VMEM((SIZE // 2,), jnp.float32),
            pltpu.VMEM((SIZE,), jnp.int32),
            pltpu.VMEM((SIZE,), jnp.int32),
            pltpu.VMEM((SIZE,), jnp.int32),
            pltpu.VMEM((SIZE,), jnp.int32),
            pltpu.VMEM((SIZE + 16,), jnp.int32),
            pltpu.VMEM((SIZE + 16,), jnp.int32),
            pltpu.VMEM((SIZE + 16,), jnp.float32),
            pltpu.SemaphoreType.DMA,
        ],
    )
    def chain(keys_hbm, keys_out, src_out, tgt_out, esrc_out, ew_out,
              kin, newk, S, inclL, inclB, piv_buf, cbuf,
              dest, rows_buf, srcb, ltgt, lsrc, lw, sem):
        wid = lax.axis_index("s") * info.num_cores + lax.axis_index("c")
        IOTA = lax.iota(jnp.int32, 16)

        @pl.when(wid < BATCH)
        def _body():
            b = wid
            boff = b * SIZE
            pltpu.sync_copy(keys_hbm.at[b], kin)

            def seg_scan(v, carry, c, log2seg, segm1):
                base = v * 16
                lanes = IOTA + base
                incl_l = plsc.cumsum(c)
                sstart = lanes - (lanes & segm1)
                sstart_local = jnp.maximum(sstart - base, 0)
                pidx = sstart_local - 1
                g = incl_l[jnp.maximum(pidx, 0)]
                g = jnp.where(pidx >= 0, g, 0)
                incl_f = incl_l - g + jnp.where(sstart < base, carry, 0)
                inclB[pl.ds(base, 16)] = incl_f
                carry_new = incl_f[jnp.full((16,), 15, jnp.int32)]
                return incl_f, carry_new

            def sort_blocks(log2seg):
                seg = lax.shift_left(jnp.int32(1), log2seg)

                @pl.when(log2seg >= 4)
                def _big():
                    def phase0(v, _):
                        S[pl.ds(v * 16, 16)] = jnp.sort(kin[pl.ds(v * 16, 16)])
                        return 0

                    lax.fori_loop(0, NV, phase0, 0)

                    def comparator(u_vr, w_vr):
                        a = S[pl.ds(u_vr * 16, 16)]
                        b = S[pl.ds(w_vr * 16, 16)]
                        br = lax.rev(b, (0,))
                        mn = jnp.minimum(a, br)
                        mx = jnp.maximum(a, br)
                        S[pl.ds(u_vr * 16, 16)] = jnp.sort(mn)
                        S[pl.ds(w_vr * 16, 16)] = jnp.sort(mx)

                    def level(j, _):
                        R = lax.shift_left(jnp.int32(1), j)

                        def mirror(p0, _):
                            for p in (p0, p0 + 32):
                                g = lax.shift_right_logical(p, j)
                                t = p & (R - 1)
                                comparator(g * 2 * R + t,
                                           g * 2 * R + 2 * R - 1 - t)
                            return 0

                        lax.fori_loop(0, 32, mirror, 0)

                        def stage(sd, _):
                            log2d = j - 1 - sd
                            D = lax.shift_left(jnp.int32(1), log2d)

                            def comp(p0, _):
                                for p in (p0, p0 + 32):
                                    u_vr = (lax.shift_left(
                                        lax.shift_right_logical(p, log2d),
                                        log2d + 1)) | (p & (D - 1))
                                    comparator(u_vr, u_vr + D)
                                return 0

                            lax.fori_loop(0, 32, comp, 0)
                            return 0

                        lax.fori_loop(0, j, stage, 0)
                        return 0

                    lax.fori_loop(0, log2seg - 4, level, 0)

                @pl.when(log2seg < 4)
                def _small():
                    def vloop(v, _):
                        base = v * 16

                        def kloop(kk, xc):
                            k = lax.shift_left(jnp.int32(1), kk)

                            def jloop(sd, x2):
                                jv = lax.shift_left(jnp.int32(1),
                                                    kk - 1 - sd)
                                newk[pl.ds(base, 16)] = x2
                                p = plsc.load_gather(
                                    newk, [base + (IOTA ^ jv)])
                                lowlane = (IOTA & jv) == 0
                                asc = ((IOTA & k) == 0) | (k == seg)
                                keep_min = lowlane == asc
                                return jnp.where(keep_min,
                                                 jnp.minimum(x2, p),
                                                 jnp.maximum(x2, p))

                            return lax.fori_loop(0, kk, jloop, xc)

                        xs = lax.fori_loop(1, log2seg + 1, kloop,
                                           kin[pl.ds(base, 16)])
                        S[pl.ds(base, 16)] = xs
                        newk[pl.ds(base, 16)] = jnp.zeros((16,), jnp.float32)
                        return 0

                    lax.fori_loop(0, NV, vloop, 0)

            def init_body(v, _):
                dest[pl.ds(v * 16, 16)] = IOTA + v * 16
                newk[pl.ds(v * 16, 16)] = jnp.zeros((16,), jnp.float32)
                return 0

            lax.fori_loop(0, NV, init_body, 0)

            def layer(d, flag):
                log2seg = 11 - d
                seg = lax.shift_left(jnp.int32(1), log2seg)
                segm1 = seg - 1
                half = lax.shift_right_logical(seg, 1)
                nb = lax.shift_right_logical(jnp.int32(SIZE), log2seg)

                @pl.when(flag > 0)
                def _():
                    sort_blocks(log2seg)

                def piv_body(g, _):
                    j = IOTA + g * 16
                    jc = jnp.minimum(j, nb - 1)
                    i1 = jc * seg + half - 1
                    m1 = plsc.load_gather(S, [i1])
                    m2 = plsc.load_gather(S, [i1 + 1])
                    piv_buf[pl.ds(g * 16, 16)] = (m1 + m2) * 0.5
                    return 0

                lax.fori_loop(0, (nb + 15) >> 4, piv_body, 0)

                def csweep(v, carry):
                    cprev, flagv = carry
                    base = v * 16
                    lanes = IOTA + base
                    kv = kin[pl.ds(base, 16)]
                    pe = plsc.load_gather(
                        piv_buf, [lax.shift_right_logical(lanes, log2seg)])
                    t = (kv - pe) * 10.0
                    c = jnp.where(t >= ZSTAR, jnp.int32(1), jnp.int32(0))
                    cbuf[pl.ds(base, 16)] = c
                    incl_f, carry_new = seg_scan(v, cprev, c, log2seg, segm1)
                    endm = ((lanes + 1) & segm1) == 0
                    degen = endm & (incl_f != half)
                    flagv = flagv | jnp.where(degen, 1, 0)
                    return carry_new, flagv

                zero16 = jnp.zeros((16,), jnp.int32)
                _, flagv = lax.fori_loop(0, NV, csweep, (zero16, zero16))
                flag_new = jnp.where(jnp.max(flagv) > 0,
                                     jnp.int32(1), jnp.int32(0))

                def rsweep(v, _):
                    base = v * 16
                    lanes = IOTA + base
                    c = cbuf[pl.ds(base, 16)]
                    incl_f = inclB[pl.ds(base, 16)]
                    sstart = lanes - (lanes & segm1)
                    ones_b = incl_f - c
                    zeros_b = (lanes - sstart) - ones_b
                    rows = sstart + jnp.where(c == 1, half + ones_b, zeros_b)
                    rows_buf[pl.ds(base, 16)] = rows
                    kv = kin[pl.ds(base, 16)]
                    plsc.addupdate_scatter(newk, [rows], kv, mask=c == 0)
                    plsc.addupdate_scatter(newk, [rows], kv, mask=c == 1)
                    return 0

                lax.fori_loop(0, NV, rsweep, 0)

                def copy_body(v, _):
                    kin[pl.ds(v * 16, 16)] = newk[pl.ds(v * 16, 16)]
                    newk[pl.ds(v * 16, 16)] = jnp.zeros((16,), jnp.float32)
                    dv = dest[pl.ds(v * 16, 16)]
                    dest[pl.ds(v * 16, 16)] = plsc.load_gather(rows_buf, [dv])
                    return 0

                lax.fori_loop(0, NV, copy_body, 0)
                return flag_new

            lax.fori_loop(0, MDEPTH, layer, jnp.int32(1))

            def sinit(v, _):
                srcb[pl.ds(v * 16, 16)] = jnp.full((16,), -1, jnp.int32)
                return 0

            lax.fori_loop(0, NV, sinit, 0)

            def sinv(v, _):
                dv = dest[pl.ds(v * 16, 16)]
                plsc.store_scatter(srcb, [dv], IOTA + v * 16)
                return 0

            lax.fori_loop(0, NV, sinv, 0)

            def linit(v, _):
                ltgt[pl.ds(v * 16, 16)] = jnp.zeros((16,), jnp.int32)
                lsrc[pl.ds(v * 16, 16)] = jnp.zeros((16,), jnp.int32)
                lw[pl.ds(v * 16, 16)] = jnp.zeros((16,), jnp.float32)
                return 0

            lax.fori_loop(0, NV + 1, linit, 0)

            def plan_sweep(v, off):
                base = v * 16
                lanes = IOTA + base
                rep = srcb[pl.ds(base, 16)]
                repc = jnp.clip(rep, 0, SIZE - 1)
                dchk = plsc.load_gather(dest, [repc])
                bad = (rep < 0) | (dchk != lanes)
                srcf = jnp.where(rep < 0, jnp.int32(0), repc)
                rows_buf[pl.ds(base, 16)] = srcf + boff
                plsc.store_compressed(ltgt.at[pl.ds(off, 16)],
                                      lanes + boff, mask=bad)
                plsc.store_compressed(lsrc.at[pl.ds(off, 16)],
                                      srcf + boff, mask=bad)
                plsc.store_compressed(lw.at[pl.ds(off, 16)],
                                      jnp.full((16,), -1.0, jnp.float32),
                                      mask=bad)
                off = off + jnp.max(plsc.all_reduce_population_count(bad))
                dv = dest[pl.ds(base, 16)]
                repi = plsc.load_gather(srcb, [dv])
                ex = repi != lanes
                plsc.store_compressed(ltgt.at[pl.ds(off, 16)], dv + boff, mask=ex)
                plsc.store_compressed(lsrc.at[pl.ds(off, 16)],
                                      lanes + boff, mask=ex)
                plsc.store_compressed(lw.at[pl.ds(off, 16)],
                                      jnp.full((16,), 1.0, jnp.float32),
                                      mask=ex)
                off = off + jnp.max(plsc.all_reduce_population_count(ex))
                return off

            lax.fori_loop(0, NV, plan_sweep, jnp.int32(0))

            pltpu.sync_copy(kin, keys_out.at[b])
            pltpu.sync_copy(rows_buf, src_out.at[b])
            pltpu.sync_copy(ltgt.at[pl.ds(0, EOUT)], tgt_out.at[b])
            pltpu.sync_copy(lsrc.at[pl.ds(0, EOUT)], esrc_out.at[b])
            pltpu.sync_copy(lw.at[pl.ds(0, EOUT)], ew_out.at[b])

    return chain


def _make_apply():
    info = plsc.get_sparse_core_info()
    nw = info.num_cores * info.num_subcores
    rows_per_w = NROWS // nw
    chunk = 512
    nchunks = rows_per_w // chunk
    iw = 128
    nsub = chunk // iw
    mesh = plsc.VectorSubcoreMesh(core_axis_name="c", subcore_axis_name="s")

    @functools.partial(
        pl.kernel, mesh=mesh,
        out_type=jax.ShapeDtypeStruct((NROWS, ZDIM), jnp.float32),
        compiler_params=pltpu.CompilerParams(needs_layout_passes=False),
        scratch_types=[
            pltpu.VMEM((rows_per_w // iw, iw), jnp.int32),
            pltpu.VMEM((chunk, ZDIM), jnp.float32),
            pltpu.VMEM((EOUT,), jnp.int32),
            pltpu.VMEM((EOUT,), jnp.int32),
            pltpu.VMEM((EOUT,), jnp.float32),
            pltpu.VMEM((ECAP, ZDIM), jnp.float32),
            pltpu.SemaphoreType.DMA,
        ],
    )
    def apply_kernel(x_hbm, src_hbm, tgt_hbm, esrc_hbm, ew_hbm, out_hbm,
                     idx_v, rows_v, tgt_v, esrc_v, ew_v, ext_v, sem):
        wid = lax.axis_index("s") * info.num_cores + lax.axis_index("c")
        base = pl.multiple_of(wid * rows_per_w, rows_per_w)
        bt = wid // (SIZE // rows_per_w)
        pltpu.sync_copy(tgt_hbm.at[bt], tgt_v)
        pltpu.sync_copy(esrc_hbm.at[bt], esrc_v)
        pltpu.sync_copy(ew_hbm.at[bt], ew_v)
        pltpu.async_copy(x_hbm.at[esrc_v.at[pl.ds(0, ECAP)]], ext_v, sem).wait()
        pltpu.sync_copy(
            src_hbm.at[pl.ds(pl.multiple_of(base // iw, 8), rows_per_w // iw)],
            idx_v)
        for ci in range(nchunks):
            cbase = pl.multiple_of(base + ci * chunk, chunk)
            copies = [
                pltpu.async_copy(x_hbm.at[idx_v.at[ci * nsub + j]],
                                 rows_v.at[pl.ds(j * iw, iw)], sem)
                for j in range(nsub)
            ]
            for c in copies:
                c.wait()

            cb_vec = jnp.full((16,), cbase, jnp.int32)

            def fix(e, carry):
                e_idx = jnp.full((16,), e, jnp.int32)
                t_vec = plsc.load_gather(tgt_v, [e_idx])
                w_vec = plsc.load_gather(ew_v, [e_idx])
                loc = t_vec - cb_vec
                inside = (loc >= 0) & (loc < chunk)
                wm = jnp.where(inside, w_vec, jnp.zeros((16,), jnp.float32))
                locc = jnp.clip(loc, 0, chunk - 1)
                for kk in range(ZDIM // 16):
                    col = lax.iota(jnp.int32, 16) + (16 * kk)
                    v = plsc.load_gather(ext_v, [e_idx, col])
                    plsc.addupdate_scatter(rows_v, [locc, col], wm * v)
                return carry

            lax.fori_loop(0, ECAP, fix, 0)
            pltpu.sync_copy(rows_v, out_hbm.at[pl.ds(cbase, chunk)])

    return apply_kernel


_chain = _make_chain()
_apply = _make_apply()


def kernel(x, keys):
    out_k, srcg, tgt, esrc, ew = _chain(keys)
    x_flat = x.reshape(NROWS, ZDIM)
    out = _apply(x_flat, srcg.reshape(NROWS // 128, 128), tgt, esrc, ew)
    return out.reshape(x.shape), out_k

# --- scband reference (transcript-rebuilt; emitter-appended) ---
"""Pipeline reference for scband-sort-layer-56281251447202 (READ-ONLY COPY).

The authoritative reference and input builder live on the scoring server;
editing this copy changes nothing except your own understanding.
"""

import jax, jax.numpy as jnp
import numpy as np

SIZE = 2048
BATCH = 16
ZDIM = 128
CERTAINTY = 10.0
MDEPTH = int(np.log2(SIZE))


def setup_inputs(seed: int = 0):
    key = jax.random.key(seed)
    k1, k2 = jax.random.split(key)
    return {
        "x": jax.random.normal(k1, (BATCH, SIZE, ZDIM), dtype=jnp.float32),
        "keys": jax.random.normal(k2, (BATCH, SIZE), dtype=jnp.float32),
    }


def _median(v):
    # mean of the two middle elements of the sorted vector (matches torch `median` helper)
    s = v.shape[-1]
    sv = jnp.sort(v, axis=-1)
    return sv[..., s // 2 - 1:s // 2 + 1].mean(axis=-1)


def _split_indices(choices, depth, s):
    # Reconstruction of util.split: at `depth`, the sequence is divided into 2**depth
    # sections; each element moves to the top (choice 0) or bottom (choice 1) half of its
    # section, keeping relative order intact (stable partition via exclusive cumsum).
    b = choices.shape[0]
    k = 2 ** depth
    sec = s // k
    half = sec // 2
    c = choices.reshape(b, k, sec).astype(jnp.int32)
    ones_before = jnp.cumsum(c, axis=-1) - c  # exclusive cumsum of ones
    pos = jnp.broadcast_to(jnp.arange(sec)[None, None, :], c.shape)
    zeros_before = pos - ones_before
    local = jnp.where(c == 0, zeros_before, half + ones_before)
    sec_start = (jnp.arange(k) * sec)[None, :, None]
    return (local + sec_start).reshape(b, s)


def _scatter_rows(rows, vals, x):
    # util.batchmm with a batch of sparse (s, s) matrices whose entries sit at
    # (row=target, col=source=arange(s)) with value `vals`: out[b, row] += vals * x[b, col].
    b, s = rows.shape
    bidx = jnp.broadcast_to(jnp.arange(b)[:, None], (b, s))
    out = jnp.zeros_like(x)
    if x.ndim == 3:
        return out.at[bidx, rows].add(vals[..., None] * x)
    return out.at[bidx, rows].add(vals * x)


def _forward(x, keys):
    b, s, z = x.shape
    cur_x, cur_k = x, keys
    for d in range(MDEPTH):
        nb = 2 ** d
        sec = s // nb
        buckets = cur_k.reshape(b * nb, sec)
        piv = _median(buckets)
        piv = jnp.broadcast_to(piv[:, None], (b * nb, sec)).reshape(b, s)
        offset = jax.nn.sigmoid((cur_k - piv) * CERTAINTY)
        choices = jnp.round(offset)
        rows = jax.lax.stop_gradient(_split_indices(choices, d, s))
        # additional=0 -> n=1 sample; probs / probs.sum(dim=n) == exactly 1.0 everywhere
        vals = jnp.ones((b, s), dtype=cur_x.dtype)
        cur_x = _scatter_rows(rows, vals, cur_x)
        cur_k = _scatter_rows(rows, vals, cur_k)
    return cur_x, cur_k


def reference(x, keys):
    return _forward(x, keys)

if __name__ == "__main__":
    import jax
    _d = setup_inputs()
    print(jax.jit(kernel)(*tuple(_d.values())))

</pallas_src>

<mosaic_0001>
#map = affine_map<(d0, d1) -> (0, 0)>
module attributes {stable_mosaic.version = 14 : i64} {
  func.func @apply_kernel(%arg0: i32, %arg1: i32, %arg2: memref<32768x128xf32, #tpu.memory_space<hbm>>, %arg3: memref<256x128xi32, #tpu.memory_space<hbm>>, %arg4: memref<16x128xi32, #tpu.memory_space<hbm>>, %arg5: memref<16x128xi32, #tpu.memory_space<hbm>>, %arg6: memref<16x128xf32, #tpu.memory_space<hbm>>, %arg7: memref<32768x128xf32, #tpu.memory_space<hbm>>, %arg8: memref<8x128xi32, #tpu.memory_space<vmem>>, %arg9: memref<512x128xf32, #tpu.memory_space<vmem>>, %arg10: memref<128xi32, #tpu.memory_space<vmem>>, %arg11: memref<128xi32, #tpu.memory_space<vmem>>, %arg12: memref<128xf32, #tpu.memory_space<vmem>>, %arg13: memref<16x128xf32, #tpu.memory_space<vmem>>, %arg14: memref<!tpu.dma_semaphore, #tpu.memory_space<semaphore_mem>>) attributes {dimension_semantics = [#tpu.dimension_semantics<core_parallel>, #tpu.dimension_semantics<subcore_parallel>], iteration_bounds = array<i64: 2, 16>, scalar_prefetch = 0 : i64, scratch_operands = 7 : i64, tpu.core_type = #tpu.core_type<sc_vector_subcore>, window_params = [{transform_indices = #map}, {transform_indices = #map}, {transform_indices = #map}, {transform_indices = #map}, {transform_indices = #map}, {transform_indices = #map}]} {
    %mul3A = arith.constant 2 : i32
    %mul3A_0 = arith.muli %arg1, %mul3A : i32
    %add3A = arith.addi %mul3A_0, %arg0 : i32
    %mul3A_1 = arith.constant 1024 : i32
    %mul3A_2 = arith.muli %add3A, %mul3A_1 : i32
    %multiple_of3A = tpu.assume_multiple %mul3A_2, 1024 : i32
    %jit3A = arith.constant 2 : i32
    %div3A = arith.divsi %add3A, %jit3A : i32
    %sign3A = arith.constant 0 : i32
    %sign3A_3 = arith.cmpi sgt, %add3A, %sign3A : i32
    %sign3A_4 = arith.extui %sign3A_3 : i1 to i32
    %sign3A_5 = arith.constant 0 : i32
    %sign3A_6 = arith.cmpi slt, %add3A, %sign3A_5 : i32
    %sign3A_7 = arith.extui %sign3A_6 : i1 to i32
    %sign3A_8 = arith.subi %sign3A_4, %sign3A_7 : i32
    %sign3A_9 = arith.constant 0 : i32
    %sign3A_10 = arith.cmpi sgt, %jit3A, %sign3A_9 : i32
    %sign3A_11 = arith.extui %sign3A_10 : i1 to i32
    %sign3A_12 = arith.constant 0 : i32
    %sign3A_13 = arith.cmpi slt, %jit3A, %sign3A_12 : i32
    %sign3A_14 = arith.extui %sign3A_13 : i1 to i32
    %sign3A_15 = arith.subi %sign3A_11, %sign3A_14 : i32
    %ne3A = arith.cmpi ne, %sign3A_8, %sign3A_15 : i32
    %rem3A = arith.remsi %add3A, %jit3A : i32
    %ne3A_16 = arith.constant 0 : i32
    %ne3A_17 = arith.cmpi ne, %rem3A, %ne3A_16 : i32
    %and3A = arith.andi %ne3A, %ne3A_17 : i1
    %sub3A = arith.constant 1 : i32
    %sub3A_18 = arith.subi %div3A, %sub3A : i32
    %select_n3A = arith.select %and3A, %sub3A_18, %div3A : i32
    "tpu.region"() ({
      %run_scoped3A = tpu.sem_alloc : memref<!tpu.dma_semaphore, #tpu.memory_space<semaphore_mem>>
      %dma_start3A_230 = arith.constant 0 : i32
      %dma_start3A_231 = tpu.memref_slice %arg4[%select_n3A, %dma_start3A_230] : memref<16x128xi32, #tpu.memory_space<hbm>> -> memref<1x128xi32, #tpu.memory_space<hbm>>
      %dma_start3A_232 = tpu.memref_squeeze %dma_start3A_231 : memref<1x128xi32, #tpu.memory_space<hbm>> -> memref<128xi32, #tpu.memory_space<hbm>>
      %dma_start3A_233 = arith.constant 0 : i32
      %dma_start3A_234 = tpu.memref_slice %arg4[%select_n3A, %dma_start3A_233] : memref<16x128xi32, #tpu.memory_space<hbm>> -> memref<1x128xi32, #tpu.memory_space<hbm>>
      %dma_start3A_235 = tpu.memref_squeeze %dma_start3A_234 : memref<1x128xi32, #tpu.memory_space<hbm>> -> memref<128xi32, #tpu.memory_space<hbm>>
      tpu.enqueue_dma source(%dma_start3A_235 : memref<128xi32, #tpu.memory_space<hbm>>) target(%arg10 : memref<128xi32, #tpu.memory_space<vmem>>) target_semaphore(%run_scoped3A : memref<!tpu.dma_semaphore, #tpu.memory_space<semaphore_mem>>)
      %dma_wait3A_236 = arith.constant 0 : i32
      %dma_wait3A_237 = tpu.memref_slice %arg4[%select_n3A, %dma_wait3A_236] : memref<16x128xi32, #tpu.memory_space<hbm>> -> memref<1x128xi32, #tpu.memory_space<hbm>>
      %dma_wait3A_238 = tpu.memref_squeeze %dma_wait3A_237 : memref<1x128xi32, #tpu.memory_space<hbm>> -> memref<128xi32, #tpu.memory_space<hbm>>
      %dma_wait3A_239 = arith.constant 0 : i32
      %dma_wait3A_240 = tpu.memref_slice %arg4[%select_n3A, %dma_wait3A_239] : memref<16x128xi32, #tpu.memory_space<hbm>> -> memref<1x128xi32, #tpu.memory_space<hbm>>
      %dma_wait3A_241 = tpu.memref_squeeze %dma_wait3A_240 : memref<1x128xi32, #tpu.memory_space<hbm>> -> memref<128xi32, #tpu.memory_space<hbm>>
      tpu.wait_dma2 semaphore(%run_scoped3A : memref<!tpu.dma_semaphore, #tpu.memory_space<semaphore_mem>>) src(%dma_wait3A_241 : memref<128xi32, #tpu.memory_space<hbm>>) dst(%arg10 : memref<128xi32, #tpu.memory_space<vmem>>)
      tpu.yield
    }) : () -> ()
    "tpu.region"() ({
      %run_scoped3A = tpu.sem_alloc : memref<!tpu.dma_semaphore, #tpu.memory_space<semaphore_mem>>
      %dma_start3A_230 = arith.constant 0 : i32
      %dma_start3A_231 = tpu.memref_slice %arg5[%select_n3A, %dma_start3A_230] : memref<16x128xi32, #tpu.memory_space<hbm>> -> memref<1x128xi32, #tpu.memory_space<hbm>>
      %dma_start3A_232 = tpu.memref_squeeze %dma_start3A_231 : memref<1x128xi32, #tpu.memory_space<hbm>> -> memref<128xi32, #tpu.memory_space<hbm>>
      %dma_start3A_233 = arith.constant 0 : i32
      %dma_start3A_234 = tpu.memref_slice %arg5[%select_n3A, %dma_start3A_233] : memref<16x128xi32, #tpu.memory_space<hbm>> -> memref<1x128xi32, #tpu.memory_space<hbm>>
      %dma_start3A_235 = tpu.memref_squeeze %dma_start3A_234 : memref<1x128xi32, #tpu.memory_space<hbm>> -> memref<128xi32, #tpu.memory_space<hbm>>
      tpu.enqueue_dma source(%dma_start3A_235 : memref<128xi32, #tpu.memory_space<hbm>>) target(%arg11 : memref<128xi32, #tpu.memory_space<vmem>>) target_semaphore(%run_scoped3A : memref<!tpu.dma_semaphore, #tpu.memory_space<semaphore_mem>>)
      %dma_wait3A_236 = arith.constant 0 : i32
      %dma_wait3A_237 = tpu.memref_slice %arg5[%select_n3A, %dma_wait3A_236] : memref<16x128xi32, #tpu.memory_space<hbm>> -> memref<1x128xi32, #tpu.memory_space<hbm>>
      %dma_wait3A_238 = tpu.memref_squeeze %dma_wait3A_237 : memref<1x128xi32, #tpu.memory_space<hbm>> -> memref<128xi32, #tpu.memory_space<hbm>>
      %dma_wait3A_239 = arith.constant 0 : i32
      %dma_wait3A_240 = tpu.memref_slice %arg5[%select_n3A, %dma_wait3A_239] : memref<16x128xi32, #tpu.memory_space<hbm>> -> memref<1x128xi32, #tpu.memory_space<hbm>>
      %dma_wait3A_241 = tpu.memref_squeeze %dma_wait3A_240 : memref<1x128xi32, #tpu.memory_space<hbm>> -> memref<128xi32, #tpu.memory_space<hbm>>
      tpu.wait_dma2 semaphore(%run_scoped3A : memref<!tpu.dma_semaphore, #tpu.memory_space<semaphore_mem>>) src(%dma_wait3A_241 : memref<128xi32, #tpu.memory_space<hbm>>) dst(%arg11 : memref<128xi32, #tpu.memory_space<vmem>>)
      tpu.yield
    }) : () -> ()
    "tpu.region"() ({
      %run_scoped3A = tpu.sem_alloc : memref<!tpu.dma_semaphore, #tpu.memory_space<semaphore_mem>>
      %dma_start3A_230 = arith.constant 0 : i32
      %dma_start3A_231 = tpu.memref_slice %arg6[%select_n3A, %dma_start3A_230] : memref<16x128xf32, #tpu.memory_space<hbm>> -> memref<1x128xf32, #tpu.memory_space<hbm>>
      %dma_start3A_232 = tpu.memref_squeeze %dma_start3A_231 : memref<1x128xf32, #tpu.memory_space<hbm>> -> memref<128xf32, #tpu.memory_space<hbm>>
      %dma_start3A_233 = arith.constant 0 : i32
      %dma_start3A_234 = tpu.memref_slice %arg6[%select_n3A, %dma_start3A_233] : memref<16x128xf32, #tpu.memory_space<hbm>> -> memref<1x128xf32, #tpu.memory_space<hbm>>
      %dma_start3A_235 = tpu.memref_squeeze %dma_start3A_234 : memref<1x128xf32, #tpu.memory_space<hbm>> -> memref<128xf32, #tpu.memory_space<hbm>>
      tpu.enqueue_dma source(%dma_start3A_235 : memref<128xf32, #tpu.memory_space<hbm>>) target(%arg12 : memref<128xf32, #tpu.memory_space<vmem>>) target_semaphore(%run_scoped3A : memref<!tpu.dma_semaphore, #tpu.memory_space<semaphore_mem>>)
      %dma_wait3A_236 = arith.constant 0 : i32
      %dma_wait3A_237 = tpu.memref_slice %arg6[%select_n3A, %dma_wait3A_236] : memref<16x128xf32, #tpu.memory_space<hbm>> -> memref<1x128xf32, #tpu.memory_space<hbm>>
      %dma_wait3A_238 = tpu.memref_squeeze %dma_wait3A_237 : memref<1x128xf32, #tpu.memory_space<hbm>> -> memref<128xf32, #tpu.memory_space<hbm>>
      %dma_wait3A_239 = arith.constant 0 : i32
      %dma_wait3A_240 = tpu.memref_slice %arg6[%select_n3A, %dma_wait3A_239] : memref<16x128xf32, #tpu.memory_space<hbm>> -> memref<1x128xf32, #tpu.memory_space<hbm>>
      %dma_wait3A_241 = tpu.memref_squeeze %dma_wait3A_240 : memref<1x128xf32, #tpu.memory_space<hbm>> -> memref<128xf32, #tpu.memory_space<hbm>>
      tpu.wait_dma2 semaphore(%run_scoped3A : memref<!tpu.dma_semaphore, #tpu.memory_space<semaphore_mem>>) src(%dma_wait3A_241 : memref<128xf32, #tpu.memory_space<hbm>>) dst(%arg12 : memref<128xf32, #tpu.memory_space<vmem>>)
      tpu.yield
    }) : () -> ()
    %dma_start3A = arith.constant 0 : i32
    %dma_start3A_19 = tpu.memref_slice %arg11[%dma_start3A] : memref<128xi32, #tpu.memory_space<vmem>> -> memref<16xi32, #tpu.memory_space<vmem>>
    %dma_start3A_20 = arith.constant 0 : i32
    %dma_start3A_21 = arith.constant 0 : i32
    %dma_start3A_22 = tpu.memref_slice %arg2[%dma_start3A_20, %dma_start3A_21] : memref<32768x128xf32, #tpu.memory_space<hbm>> -> memref<32768x128xf32, #tpu.memory_space<hbm>>
    tpu.enqueue_indirect_dma source(%dma_start3A_22 : memref<32768x128xf32, #tpu.memory_space<hbm>>) target(%arg13 : memref<16x128xf32, #tpu.memory_space<vmem>>) offsets(%dma_start3A_19 : memref<16xi32, #tpu.memory_space<vmem>>) semaphore(%arg14 : memref<!tpu.dma_semaphore, #tpu.memory_space<semaphore_mem>>)
    %dma_wait3A = arith.constant 0 : i32
    %dma_wait3A_23 = tpu.memref_slice %arg11[%dma_wait3A] : memref<128xi32, #tpu.memory_space<vmem>> -> memref<16xi32, #tpu.memory_space<vmem>>
    %dma_wait3A_24 = arith.constant 0 : i32
    %dma_wait3A_25 = arith.constant 0 : i32
    %dma_wait3A_26 = tpu.memref_slice %arg2[%dma_wait3A_24, %dma_wait3A_25] : memref<32768x128xf32, #tpu.memory_space<hbm>> -> memref<32768x128xf32, #tpu.memory_space<hbm>>
    tpu.wait_indirect_dma semaphore(%arg14 : memref<!tpu.dma_semaphore, #tpu.memory_space<semaphore_mem>>) src(%dma_wait3A_26 : memref<32768x128xf32, #tpu.memory_space<hbm>>) dst(%arg13 : memref<16x128xf32, #tpu.memory_space<vmem>>)
    %jit3A_27 = arith.constant 128 : i32
    %div3A_28 = arith.divsi %multiple_of3A, %jit3A_27 : i32
    %sign3A_29 = arith.constant 0 : i32
    %sign3A_30 = arith.cmpi sgt, %multiple_of3A, %sign3A_29 : i32
    %sign3A_31 = arith.extui %sign3A_30 : i1 to i32
    %sign3A_32 = arith.constant 0 : i32
    %sign3A_33 = arith.cmpi slt, %multiple_of3A, %sign3A_32 : i32
    %sign3A_34 = arith.extui %sign3A_33 : i1 to i32
    %sign3A_35 = arith.subi %sign3A_31, %sign3A_34 : i32
    %sign3A_36 = arith.constant 0 : i32
    %sign3A_37 = arith.cmpi sgt, %jit3A_27, %sign3A_36 : i32
    %sign3A_38 = arith.extui %sign3A_37 : i1 to i32
    %sign3A_39 = arith.constant 0 : i32
    %sign3A_40 = arith.cmpi slt, %jit3A_27, %sign3A_39 : i32
    %sign3A_41 = arith.extui %sign3A_40 : i1 to i32
    %sign3A_42 = arith.subi %sign3A_38, %sign3A_41 : i32
    %ne3A_43 = arith.cmpi ne, %sign3A_35, %sign3A_42 : i32
    %rem3A_44 = arith.remsi %multiple_of3A, %jit3A_27 : i32
    %ne3A_45 = arith.constant 0 : i32
    %ne3A_46 = arith.cmpi ne, %rem3A_44, %ne3A_45 : i32
    %and3A_47 = arith.andi %ne3A_43, %ne3A_46 : i1
    %sub3A_48 = arith.constant 1 : i32
    %sub3A_49 = arith.subi %div3A_28, %sub3A_48 : i32
    %select_n3A_50 = arith.select %and3A_47, %sub3A_49, %div3A_28 : i32
    %multiple_of3A_51 = tpu.assume_multiple %select_n3A_50, 8 : i32
    "tpu.region"() ({
      %run_scoped3A = tpu.sem_alloc : memref<!tpu.dma_semaphore, #tpu.memory_space<semaphore_mem>>
      %dma_start3A_230 = arith.constant 0 : i32
      %dma_start3A_231 = tpu.memref_slice %arg3[%multiple_of3A_51, %dma_start3A_230] : memref<256x128xi32, #tpu.memory_space<hbm>> -> memref<8x128xi32, #tpu.memory_space<hbm>>
      %dma_start3A_232 = arith.constant 0 : i32
      %dma_start3A_233 = tpu.memref_slice %arg3[%multiple_of3A_51, %dma_start3A_232] : memref<256x128xi32, #tpu.memory_space<hbm>> -> memref<8x128xi32, #tpu.memory_space<hbm>>
      tpu.enqueue_dma source(%dma_start3A_233 : memref<8x128xi32, #tpu.memory_space<hbm>>) target(%arg8 : memref<8x128xi32, #tpu.memory_space<vmem>>) target_semaphore(%run_scoped3A : memref<!tpu.dma_semaphore, #tpu.memory_space<semaphore_mem>>)
      %dma_wait3A_234 = arith.constant 0 : i32
      %dma_wait3A_235 = tpu.memref_slice %arg3[%multiple_of3A_51, %dma_wait3A_234] : memref<256x128xi32, #tpu.memory_space<hbm>> -> memref<8x128xi32, #tpu.memory_space<hbm>>
      %dma_wait3A_236 = arith.constant 0 : i32
      %dma_wait3A_237 = tpu.memref_slice %arg3[%multiple_of3A_51, %dma_wait3A_236] : memref<256x128xi32, #tpu.memory_space<hbm>> -> memref<8x128xi32, #tpu.memory_space<hbm>>
      tpu.wait_dma2 semaphore(%run_scoped3A : memref<!tpu.dma_semaphore, #tpu.memory_space<semaphore_mem>>) src(%dma_wait3A_237 : memref<8x128xi32, #tpu.memory_space<hbm>>) dst(%arg8 : memref<8x128xi32, #tpu.memory_space<vmem>>)
      tpu.yield
    }) : () -> ()
    %add3A_52 = arith.constant 0 : i32
    %add3A_53 = arith.addi %multiple_of3A, %add3A_52 : i32
    %multiple_of3A_54 = tpu.assume_multiple %add3A_53, 512 : i32
    %dma_start3A_55 = arith.constant 0 : i32
    %dma_start3A_56 = arith.constant 0 : i32
    %dma_start3A_57 = arith.constant 0 : i32
    %dma_start3A_58 = tpu.memref_slice %arg9[%dma_start3A_56, %dma_start3A_57] : memref<512x128xf32, #tpu.memory_space<vmem>> -> memref<128x128xf32, #tpu.memory_space<vmem>>
    %dma_start3A_59 = arith.constant 0 : i32
    %dma_start3A_60 = tpu.memref_slice %arg8[%dma_start3A_55, %dma_start3A_59] : memref<8x128xi32, #tpu.memory_space<vmem>> -> memref<1x128xi32, #tpu.memory_space<vmem>>
    %dma_start3A_61 = tpu.memref_squeeze %dma_start3A_60 : memref<1x128xi32, #tpu.memory_space<vmem>> -> memref<128xi32, #tpu.memory_space<vmem>>
    %dma_start3A_62 = arith.constant 0 : i32
    %dma_start3A_63 = arith.constant 0 : i32
    %dma_start3A_64 = tpu.memref_slice %arg2[%dma_start3A_62, %dma_start3A_63] : memref<32768x128xf32, #tpu.memory_space<hbm>> -> memref<32768x128xf32, #tpu.memory_space<hbm>>
    tpu.enqueue_indirect_dma source(%dma_start3A_64 : memref<32768x128xf32, #tpu.memory_space<hbm>>) target(%dma_start3A_58 : memref<128x128xf32, #tpu.memory_space<vmem>>) offsets(%dma_start3A_61 : memref<128xi32, #tpu.memory_space<vmem>>) semaphore(%arg14 : memref<!tpu.dma_semaphore, #tpu.memory_space<semaphore_mem>>)
    %dma_start3A_65 = arith.constant 1 : i32
    %dma_start3A_66 = arith.constant 128 : i32
    %dma_start3A_67 = arith.constant 0 : i32
    %dma_start3A_68 = tpu.memref_slice %arg9[%dma_start3A_66, %dma_start3A_67] : memref<512x128xf32, #tpu.memory_space<vmem>> -> memref<128x128xf32, #tpu.memory_space<vmem>>
    %dma_start3A_69 = arith.constant 0 : i32
    %dma_start3A_70 = tpu.memref_slice %arg8[%dma_start3A_65, %dma_start3A_69] : memref<8x128xi32, #tpu.memory_space<vmem>> -> memref<1x128xi32, #tpu.memory_space<vmem>>
    %dma_start3A_71 = tpu.memref_squeeze %dma_start3A_70 : memref<1x128xi32, #tpu.memory_space<vmem>> -> memref<128xi32, #tpu.memory_space<vmem>>
    %dma_start3A_72 = arith.constant 0 : i32
    %dma_start3A_73 = arith.constant 0 : i32
    %dma_start3A_74 = tpu.memref_slice %arg2[%dma_start3A_72, %dma_start3A_73] : memref<32768x128xf32, #tpu.memory_space<hbm>> -> memref<32768x128xf32, #tpu.memory_space<hbm>>
    tpu.enqueue_indirect_dma source(%dma_start3A_74 : memref<32768x128xf32, #tpu.memory_space<hbm>>) target(%dma_start3A_68 : memref<128x128xf32, #tpu.memory_space<vmem>>) offsets(%dma_start3A_71 : memref<128xi32, #tpu.memory_space<vmem>>) semaphore(%arg14 : memref<!tpu.dma_semaphore, #tpu.memory_space<semaphore_mem>>)
    %dma_start3A_75 = arith.constant 2 : i32
    %dma_start3A_76 = arith.constant 256 : i32
    %dma_start3A_77 = arith.constant 0 : i32
    %dma_start3A_78 = tpu.memref_slice %arg9[%dma_start3A_76, %dma_start3A_77] : memref<512x128xf32, #tpu.memory_space<vmem>> -> memref<128x128xf32, #tpu.memory_space<vmem>>
    %dma_start3A_79 = arith.constant 0 : i32
    %dma_start3A_80 = tpu.memref_slice %arg8[%dma_start3A_75, %dma_start3A_79] : memref<8x128xi32, #tpu.memory_space<vmem>> -> memref<1x128xi32, #tpu.memory_space<vmem>>
    %dma_start3A_81 = tpu.memref_squeeze %dma_start3A_80 : memref<1x128xi32, #tpu.memory_space<vmem>> -> memref<128xi32, #tpu.memory_space<vmem>>
    %dma_start3A_82 = arith.constant 0 : i32
    %dma_start3A_83 = arith.constant 0 : i32
    %dma_start3A_84 = tpu.memref_slice %arg2[%dma_start3A_82, %dma_start3A_83] : memref<32768x128xf32, #tpu.memory_space<hbm>> -> memref<32768x128xf32, #tpu.memory_space<hbm>>
    tpu.enqueue_indirect_dma source(%dma_start3A_84 : memref<32768x128xf32, #tpu.memory_space<hbm>>) target(%dma_start3A_78 : memref<128x128xf32, #tpu.memory_space<vmem>>) offsets(%dma_start3A_81 : memref<128xi32, #tpu.memory_space<vmem>>) semaphore(%arg14 : memref<!tpu.dma_semaphore, #tpu.memory_space<semaphore_mem>>)
    %dma_start3A_85 = arith.constant 3 : i32
    %dma_start3A_86 = arith.constant 384 : i32
    %dma_start3A_87 = arith.constant 0 : i32
    %dma_start3A_88 = tpu.memref_slice %arg9[%dma_start3A_86, %dma_start3A_87] : memref<512x128xf32, #tpu.memory_space<vmem>> -> memref<128x128xf32, #tpu.memory_space<vmem>>
    %dma_start3A_89 = arith.constant 0 : i32
    %dma_start3A_90 = tpu.memref_slice %arg8[%dma_start3A_85, %dma_start3A_89] : memref<8x128xi32, #tpu.memory_space<vmem>> -> memref<1x128xi32, #tpu.memory_space<vmem>>
    %dma_start3A_91 = tpu.memref_squeeze %dma_start3A_90 : memref<1x128xi32, #tpu.memory_space<vmem>> -> memref<128xi32, #tpu.memory_space<vmem>>
    %dma_start3A_92 = arith.constant 0 : i32
    %dma_start3A_93 = arith.constant 0 : i32
    %dma_start3A_94 = tpu.memref_slice %arg2[%dma_start3A_92, %dma_start3A_93] : memref<32768x128xf32, #tpu.memory_space<hbm>> -> memref<32768x128xf32, #tpu.memory_space<hbm>>
    tpu.enqueue_indirect_dma source(%dma_start3A_94 : memref<32768x128xf32, #tpu.memory_space<hbm>>) target(%dma_start3A_88 : memref<128x128xf32, #tpu.memory_space<vmem>>) offsets(%dma_start3A_91 : memref<128xi32, #tpu.memory_space<vmem>>) semaphore(%arg14 : memref<!tpu.dma_semaphore, #tpu.memory_space<semaphore_mem>>)
    %dma_wait3A_95 = arith.constant 0 : i32
    %dma_wait3A_96 = arith.constant 0 : i32
    %dma_wait3A_97 = arith.constant 0 : i32
    %dma_wait3A_98 = tpu.memref_slice %arg9[%dma_wait3A_96, %dma_wait3A_97] : memref<512x128xf32, #tpu.memory_space<vmem>> -> memref<128x128xf32, #tpu.memory_space<vmem>>
    %dma_wait3A_99 = arith.constant 0 : i32
    %dma_wait3A_100 = tpu.memref_slice %arg8[%dma_wait3A_95, %dma_wait3A_99] : memref<8x128xi32, #tpu.memory_space<vmem>> -> memref<1x128xi32, #tpu.memory_space<vmem>>
    %dma_wait3A_101 = tpu.memref_squeeze %dma_wait3A_100 : memref<1x128xi32, #tpu.memory_space<vmem>> -> memref<128xi32, #tpu.memory_space<vmem>>
    %dma_wait3A_102 = arith.constant 0 : i32
    %dma_wait3A_103 = arith.constant 0 : i32
    %dma_wait3A_104 = tpu.memref_slice %arg2[%dma_wait3A_102, %dma_wait3A_103] : memref<32768x128xf32, #tpu.memory_space<hbm>> -> memref<32768x128xf32, #tpu.memory_space<hbm>>
    tpu.wait_indirect_dma semaphore(%arg14 : memref<!tpu.dma_semaphore, #tpu.memory_space<semaphore_mem>>) src(%dma_wait3A_104 : memref<32768x128xf32, #tpu.memory_space<hbm>>) dst(%dma_wait3A_98 : memref<128x128xf32, #tpu.memory_space<vmem>>)
    %dma_wait3A_105 = arith.constant 1 : i32
    %dma_wait3A_106 = arith.constant 128 : i32
    %dma_wait3A_107 = arith.constant 0 : i32
    %dma_wait3A_108 = tpu.memref_slice %arg9[%dma_wait3A_106, %dma_wait3A_107] : memref<512x128xf32, #tpu.memory_space<vmem>> -> memref<128x128xf32, #tpu.memory_space<vmem>>
    %dma_wait3A_109 = arith.constant 0 : i32
    %dma_wait3A_110 = tpu.memref_slice %arg8[%dma_wait3A_105, %dma_wait3A_109] : memref<8x128xi32, #tpu.memory_space<vmem>> -> memref<1x128xi32, #tpu.memory_space<vmem>>
    %dma_wait3A_111 = tpu.memref_squeeze %dma_wait3A_110 : memref<1x128xi32, #tpu.memory_space<vmem>> -> memref<128xi32, #tpu.memory_space<vmem>>
    %dma_wait3A_112 = arith.constant 0 : i32
    %dma_wait3A_113 = arith.constant 0 : i32
    %dma_wait3A_114 = tpu.memref_slice %arg2[%dma_wait3A_112, %dma_wait3A_113] : memref<32768x128xf32, #tpu.memory_space<hbm>> -> memref<32768x128xf32, #tpu.memory_space<hbm>>
    tpu.wait_indirect_dma semaphore(%arg14 : memref<!tpu.dma_semaphore, #tpu.memory_space<semaphore_mem>>) src(%dma_wait3A_114 : memref<32768x128xf32, #tpu.memory_space<hbm>>) dst(%dma_wait3A_108 : memref<128x128xf32, #tpu.memory_space<vmem>>)
    %dma_wait3A_115 = arith.constant 2 : i32
    %dma_wait3A_116 = arith.constant 256 : i32
    %dma_wait3A_117 = arith.constant 0 : i32
    %dma_wait3A_118 = tpu.memref_slice %arg9[%dma_wait3A_116, %dma_wait3A_117] : memref<512x128xf32, #tpu.memory_space<vmem>> -> memref<128x128xf32, #tpu.memory_space<vmem>>
    %dma_wait3A_119 = arith.constant 0 : i32
    %dma_wait3A_120 = tpu.memref_slice %arg8[%dma_wait3A_115, %dma_wait3A_119] : memref<8x128xi32, #tpu.memory_space<vmem>> -> memref<1x128xi32, #tpu.memory_space<vmem>>
    %dma_wait3A_121 = tpu.memref_squeeze %dma_wait3A_120 : memref<1x128xi32, #tpu.memory_space<vmem>> -> memref<128xi32, #tpu.memory_space<vmem>>
    %dma_wait3A_122 = arith.constant 0 : i32
    %dma_wait3A_123 = arith.constant 0 : i32
    %dma_wait3A_124 = tpu.memref_slice %arg2[%dma_wait3A_122, %dma_wait3A_123] : memref<32768x128xf32, #tpu.memory_space<hbm>> -> memref<32768x128xf32, #tpu.memory_space<hbm>>
    tpu.wait_indirect_dma semaphore(%arg14 : memref<!tpu.dma_semaphore, #tpu.memory_space<semaphore_mem>>) src(%dma_wait3A_124 : memref<32768x128xf32, #tpu.memory_space<hbm>>) dst(%dma_wait3A_118 : memref<128x128xf32, #tpu.memory_space<vmem>>)
    %dma_wait3A_125 = arith.constant 3 : i32
    %dma_wait3A_126 = arith.constant 384 : i32
    %dma_wait3A_127 = arith.constant 0 : i32
    %dma_wait3A_128 = tpu.memref_slice %arg9[%dma_wait3A_126, %dma_wait3A_127] : memref<512x128xf32, #tpu.memory_space<vmem>> -> memref<128x128xf32, #tpu.memory_space<vmem>>
    %dma_wait3A_129 = arith.constant 0 : i32
    %dma_wait3A_130 = tpu.memref_slice %arg8[%dma_wait3A_125, %dma_wait3A_129] : memref<8x128xi32, #tpu.memory_space<vmem>> -> memref<1x128xi32, #tpu.memory_space<vmem>>
    %dma_wait3A_131 = tpu.memref_squeeze %dma_wait3A_130 : memref<1x128xi32, #tpu.memory_space<vmem>> -> memref<128xi32, #tpu.memory_space<vmem>>
    %dma_wait3A_132 = arith.constant 0 : i32
    %dma_wait3A_133 = arith.constant 0 : i32
    %dma_wait3A_134 = tpu.memref_slice %arg2[%dma_wait3A_132, %dma_wait3A_133] : memref<32768x128xf32, #tpu.memory_space<hbm>> -> memref<32768x128xf32, #tpu.memory_space<hbm>>
    tpu.wait_indirect_dma semaphore(%arg14 : memref<!tpu.dma_semaphore, #tpu.memory_space<semaphore_mem>>) src(%dma_wait3A_134 : memref<32768x128xf32, #tpu.memory_space<hbm>>) dst(%dma_wait3A_128 : memref<128x128xf32, #tpu.memory_space<vmem>>)
    %broadcast_in_dim3A = vector.broadcast %multiple_of3A_54 : i32 to vector<16xi32>
    %scan3A = arith.constant 0 : i32
    %scan3A_135 = arith.constant 0 : i32
    %scan3A_136 = arith.constant 16 : i32
    %scan3A_137 = arith.addi %scan3A_135, %scan3A_136 : i32
    %scan3A_138 = arith.constant 1 : i32
    scf.for %scan3A_230 = %scan3A_135 to %scan3A_137 step %scan3A_138  : i32 {
      %broadcast_in_dim3A_231 = vector.broadcast %scan3A_230 : i32 to vector<16xi32>
      %gather3A = tpu.vector_load_idx %arg10[%broadcast_in_dim3A_231] : memref<128xi32, #tpu.memory_space<vmem>>[vector<16xi32>], vector<16xi32>,
      %gather3A_232 = tpu.vector_load_idx %arg12[%broadcast_in_dim3A_231] : memref<128xf32, #tpu.memory_space<vmem>>[vector<16xi32>], vector<16xf32>,
      %sub3A_233 = arith.subi %gather3A, %broadcast_in_dim3A : vector<16xi32>
      %ge3A = arith.constant 0 : i32
      %ge3A_234 = vector.broadcast %ge3A : i32 to vector<16xi32>
      %ge3A_235 = arith.cmpi sge, %sub3A_233, %ge3A_234 : vector<16xi32>
      %lt3A = arith.constant 512 : i32
      %lt3A_236 = vector.broadcast %lt3A : i32 to vector<16xi32>
      %lt3A_237 = arith.cmpi slt, %sub3A_233, %lt3A_236 : vector<16xi32>
      %and3A_238 = arith.andi %ge3A_235, %lt3A_237 : vector<16xi1>
      %broadcast_in_dim3A_239 = arith.constant 0.000000e+00 : f32
      %broadcast_in_dim3A_240 = vector.broadcast %broadcast_in_dim3A_239 : f32 to vector<16xf32>
      %select_n3A_241 = arith.select %and3A_238, %gather3A_232, %broadcast_in_dim3A_240 : vector<16xi1>, vector<16xf32>
      %jit3A_242 = arith.constant 0 : i32
      %jit3A_243 = arith.constant 511 : i32
      %max3A = vector.broadcast %jit3A_242 : i32 to vector<16xi32>
      %max3A_244 = arith.maxsi %max3A, %sub3A_233 : vector<16xi32>
      %min3A = vector.broadcast %jit3A_243 : i32 to vector<16xi32>
      %min3A_245 = arith.minsi %min3A, %max3A_244 : vector<16xi32>
      %iota3A = tpu.iota {dimensions = array<i32: 0>} : vector<16xi32>
      %add3A_246 = arith.constant 0 : i32
      %add3A_247 = vector.broadcast %add3A_246 : i32 to vector<16xi32>
      %add3A_248 = arith.addi %iota3A, %add3A_247 : vector<16xi32>
      %gather3A_249 = tpu.vector_load_idx %arg13[%broadcast_in_dim3A_231, %add3A_248] : memref<16x128xf32, #tpu.memory_space<vmem>>[vector<16xi32>, vector<16xi32>], vector<16xf32>,
      %mul3A_250 = arith.mulf %select_n3A_241, %gather3A_249 : vector<16xf32>
      tpu.vector_store_idx %arg9[%min3A_245, %add3A_248], %mul3A_250 {add = true} : memref<512x128xf32, #tpu.memory_space<vmem>>[vector<16xi32>, vector<16xi32>], vector<16xf32>,
      %iota3A_251 = tpu.iota {dimensions = array<i32: 0>} : vector<16xi32>
      %add3A_252 = arith.constant 16 : i32
      %add3A_253 = vector.broadcast %add3A_252 : i32 to vector<16xi32>
      %add3A_254 = arith.addi %iota3A_251, %add3A_253 : vector<16xi32>
      %gather3A_255 = tpu.vector_load_idx %arg13[%broadcast_in_dim3A_231, %add3A_254] : memref<16x128xf32, #tpu.memory_space<vmem>>[vector<16xi32>, vector<16xi32>], vector<16xf32>,
      %mul3A_256 = arith.mulf %select_n3A_241, %gather3A_255 : vector<16xf32>
      tpu.vector_store_idx %arg9[%min3A_245, %add3A_254], %mul3A_256 {add = true} : memref<512x128xf32, #tpu.memory_space<vmem>>[vector<16xi32>, vector<16xi32>], vector<16xf32>,
      %iota3A_257 = tpu.iota {dimensions = array<i32: 0>} : vector<16xi32>
      %add3A_258 = arith.constant 32 : i32
      %add3A_259 = vector.broadcast %add3A_258 : i32 to vector<16xi32>
      %add3A_260 = arith.addi %iota3A_257, %add3A_259 : vector<16xi32>
      %gather3A_261 = tpu.vector_load_idx %arg13[%broadcast_in_dim3A_231, %add3A_260] : memref<16x128xf32, #tpu.memory_space<vmem>>[vector<16xi32>, vector<16xi32>], vector<16xf32>,
      %mul3A_262 = arith.mulf %select_n3A_241, %gather3A_261 : vector<16xf32>
      tpu.vector_store_idx %arg9[%min3A_245, %add3A_260], %mul3A_262 {add = true} : memref<512x128xf32, #tpu.memory_space<vmem>>[vector<16xi32>, vector<16xi32>], vector<16xf32>,
      %iota3A_263 = tpu.iota {dimensions = array<i32: 0>} : vector<16xi32>
      %add3A_264 = arith.constant 48 : i32
      %add3A_265 = vector.broadcast %add3A_264 : i32 to vector<16xi32>
      %add3A_266 = arith.addi %iota3A_263, %add3A_265 : vector<16xi32>
      %gather3A_267 = tpu.vector_load_idx %arg13[%broadcast_in_dim3A_231, %add3A_266] : memref<16x128xf32, #tpu.memory_space<vmem>>[vector<16xi32>, vector<16xi32>], vector<16xf32>,
      %mul3A_268 = arith.mulf %select_n3A_241, %gather3A_267 : vector<16xf32>
      tpu.vector_store_idx %arg9[%min3A_245, %add3A_266], %mul3A_268 {add = true} : memref<512x128xf32, #tpu.memory_space<vmem>>[vector<16xi32>, vector<16xi32>], vector<16xf32>,
      %iota3A_269 = tpu.iota {dimensions = array<i32: 0>} : vector<16xi32>
      %add3A_270 = arith.constant 64 : i32
      %add3A_271 = vector.broadcast %add3A_270 : i32 to vector<16xi32>
      %add3A_272 = arith.addi %iota3A_269, %add3A_271 : vector<16xi32>
      %gather3A_273 = tpu.vector_load_idx %arg13[%broadcast_in_dim3A_231, %add3A_272] : memref<16x128xf32, #tpu.memory_space<vmem>>[vector<16xi32>, vector<16xi32>], vector<16xf32>,
      %mul3A_274 = arith.mulf %select_n3A_241, %gather3A_273 : vector<16xf32>
      tpu.vector_store_idx %arg9[%min3A_245, %add3A_272], %mul3A_274 {add = true} : memref<512x128xf32, #tpu.memory_space<vmem>>[vector<16xi32>, vector<16xi32>], vector<16xf32>,
      %iota3A_275 = tpu.iota {dimensions = array<i32: 0>} : vector<16xi32>
      %add3A_276 = arith.constant 80 : i32
      %add3A_277 = vector.broadcast %add3A_276 : i32 to vector<16xi32>
      %add3A_278 = arith.addi %iota3A_275, %add3A_277 : vector<16xi32>
      %gather3A_279 = tpu.vector_load_idx %arg13[%broadcast_in_dim3A_231, %add3A_278] : memref<16x128xf32, #tpu.memory_space<vmem>>[vector<16xi32>, vector<16xi32>], vector<16xf32>,
      %mul3A_280 = arith.mulf %select_n3A_241, %gather3A_279 : vector<16xf32>
      tpu.vector_store_idx %arg9[%min3A_245, %add3A_278], %mul3A_280 {add = true} : memref<512x128xf32, #tpu.memory_space<vmem>>[vector<16xi32>, vector<16xi32>], vector<16xf32>,
      %iota3A_281 = tpu.iota {dimensions = array<i32: 0>} : vector<16xi32>
      %add3A_282 = arith.constant 96 : i32
      %add3A_283 = vector.broadcast %add3A_282 : i32 to vector<16xi32>
      %add3A_284 = arith.addi %iota3A_281, %add3A_283 : vector<16xi32>
      %gather3A_285 = tpu.vector_load_idx %arg13[%broadcast_in_dim3A_231, %add3A_284] : memref<16x128xf32, #tpu.memory_space<vmem>>[vector<16xi32>, vector<16xi32>], vector<16xf32>,
      %mul3A_286 = arith.mulf %select_n3A_241, %gather3A_285 : vector<16xf32>
      tpu.vector_store_idx %arg9[%min3A_245, %add3A_284], %mul3A_286 {add = true} : memref<512x128xf32, #tpu.memory_space<vmem>>[vector<16xi32>, vector<16xi32>], vector<16xf32>,
      %iota3A_287 = tpu.iota {dimensions = array<i32: 0>} : vector<16xi32>
      %add3A_288 = arith.constant 112 : i32
      %add3A_289 = vector.broadcast %add3A_288 : i32 to vector<16xi32>
      %add3A_290 = arith.addi %iota3A_287, %add3A_289 : vector<16xi32>
      %gather3A_291 = tpu.vector_load_idx %arg13[%broadcast_in_dim3A_231, %add3A_290] : memref<16x128xf32, #tpu.memory_space<vmem>>[vector<16xi32>, vector<16xi32>], vector<16xf32>,
      %mul3A_292 = arith.mulf %select_n3A_241, %gather3A_291 : vector<16xf32>
      tpu.vector_store_idx %arg9[%min3A_245, %add3A_290], %mul3A_292 {add = true} : memref<512x128xf32, #tpu.memory_space<vmem>>[vector<16xi32>, vector<16xi32>], vector<16xf32>,
    }
    %scan3A_139 = arith.constant 16 : i32
    "tpu.region"() ({
      %run_scoped3A = tpu.sem_alloc : memref<!tpu.dma_semaphore, #tpu.memory_space<semaphore_mem>>
      %dma_start3A_230 = arith.constant 0 : i32
      %dma_start3A_231 = tpu.memref_slice %arg7[%multiple_of3A_54, %dma_start3A_230] : memref<32768x128xf32, #tpu.memory_space<hbm>> -> memref<512x128xf32, #tpu.memory_space<hbm>>
      %dma_start3A_232 = arith.constant 0 : i32
      %dma_start3A_233 = tpu.memref_slice %arg7[%multiple_of3A_54, %dma_start3A_232] : memref<32768x128xf32, #tpu.memory_space<hbm>> -> memref<512x128xf32, #tpu.memory_space<hbm>>
      tpu.enqueue_dma source(%arg9 : memref<512x128xf32, #tpu.memory_space<vmem>>) target(%dma_start3A_233 : memref<512x128xf32, #tpu.memory_space<hbm>>) target_semaphore(%run_scoped3A : memref<!tpu.dma_semaphore, #tpu.memory_space<semaphore_mem>>)
      %dma_wait3A_234 = arith.constant 0 : i32
      %dma_wait3A_235 = tpu.memref_slice %arg7[%multiple_of3A_54, %dma_wait3A_234] : memref<32768x128xf32, #tpu.memory_space<hbm>> -> memref<512x128xf32, #tpu.memory_space<hbm>>
      %dma_wait3A_236 = arith.constant 0 : i32
      %dma_wait3A_237 = tpu.memref_slice %arg7[%multiple_of3A_54, %dma_wait3A_236] : memref<32768x128xf32, #tpu.memory_space<hbm>> -> memref<512x128xf32, #tpu.memory_space<hbm>>
      tpu.wait_dma2 semaphore(%run_scoped3A : memref<!tpu.dma_semaphore, #tpu.memory_space<semaphore_mem>>) src(%arg9 : memref<512x128xf32, #tpu.memory_space<vmem>>) dst(%dma_wait3A_237 : memref<512x128xf32, #tpu.memory_space<hbm>>)
      tpu.yield
    }) : () -> ()
    %add3A_140 = arith.constant 512 : i32
    %add3A_141 = arith.addi %multiple_of3A, %add3A_140 : i32
    %multiple_of3A_142 = tpu.assume_multiple %add3A_141, 512 : i32
    %dma_start3A_143 = arith.constant 4 : i32
    %dma_start3A_144 = arith.constant 0 : i32
    %dma_start3A_145 = arith.constant 0 : i32
    %dma_start3A_146 = tpu.memref_slice %arg9[%dma_start3A_144, %dma_start3A_145] : memref<512x128xf32, #tpu.memory_space<vmem>> -> memref<128x128xf32, #tpu.memory_space<vmem>>
    %dma_start3A_147 = arith.constant 0 : i32
    %dma_start3A_148 = tpu.memref_slice %arg8[%dma_start3A_143, %dma_start3A_147] : memref<8x128xi32, #tpu.memory_space<vmem>> -> memref<1x128xi32, #tpu.memory_space<vmem>>
    %dma_start3A_149 = tpu.memref_squeeze %dma_start3A_148 : memref<1x128xi32, #tpu.memory_space<vmem>> -> memref<128xi32, #tpu.memory_space<vmem>>
    %dma_start3A_150 = arith.constant 0 : i32
    %dma_start3A_151 = arith.constant 0 : i32
    %dma_start3A_152 = tpu.memref_slice %arg2[%dma_start3A_150, %dma_start3A_151] : memref<32768x128xf32, #tpu.memory_space<hbm>> -> memref<32768x128xf32, #tpu.memory_space<hbm>>
    tpu.enqueue_indirect_dma source(%dma_start3A_152 : memref<32768x128xf32, #tpu.memory_space<hbm>>) target(%dma_start3A_146 : memref<128x128xf32, #tpu.memory_space<vmem>>) offsets(%dma_start3A_149 : memref<128xi32, #tpu.memory_space<vmem>>) semaphore(%arg14 : memref<!tpu.dma_semaphore, #tpu.memory_space<semaphore_mem>>)
    %dma_start3A_153 = arith.constant 5 : i32
    %dma_start3A_154 = arith.constant 128 : i32
    %dma_start3A_155 = arith.constant 0 : i32
    %dma_start3A_156 = tpu.memref_slice %arg9[%dma_start3A_154, %dma_start3A_155] : memref<512x128xf32, #tpu.memory_space<vmem>> -> memref<128x128xf32, #tpu.memory_space<vmem>>
    %dma_start3A_157 = arith.constant 0 : i32
    %dma_start3A_158 = tpu.memref_slice %arg8[%dma_start3A_153, %dma_start3A_157] : memref<8x128xi32, #tpu.memory_space<vmem>> -> memref<1x128xi32, #tpu.memory_space<vmem>>
    %dma_start3A_159 = tpu.memref_squeeze %dma_start3A_158 : memref<1x128xi32, #tpu.memory_space<vmem>> -> memref<128xi32, #tpu.memory_space<vmem>>
    %dma_start3A_160 = arith.constant 0 : i32
    %dma_start3A_161 = arith.constant 0 : i32
    %dma_start3A_162 = tpu.memref_slice %arg2[%dma_start3A_160, %dma_start3A_161] : memref<32768x128xf32, #tpu.memory_space<hbm>> -> memref<32768x128xf32, #tpu.memory_space<hbm>>
    tpu.enqueue_indirect_dma source(%dma_start3A_162 : memref<32768x128xf32, #tpu.memory_space<hbm>>) target(%dma_start3A_156 : memref<128x128xf32, #tpu.memory_space<vmem>>) offsets(%dma_start3A_159 : memref<128xi32, #tpu.memory_space<vmem>>) semaphore(%arg14 : memref<!tpu.dma_semaphore, #tpu.memory_space<semaphore_mem>>)
    %dma_start3A_163 = arith.constant 6 : i32
    %dma_start3A_164 = arith.constant 256 : i32
    %dma_start3A_165 = arith.constant 0 : i32
    %dma_start3A_166 = tpu.memref_slice %arg9[%dma_start3A_164, %dma_start3A_165] : memref<512x128xf32, #tpu.memory_space<vmem>> -> memref<128x128xf32, #tpu.memory_space<vmem>>
    %dma_start3A_167 = arith.constant 0 : i32
    %dma_start3A_168 = tpu.memref_slice %arg8[%dma_start3A_163, %dma_start3A_167] : memref<8x128xi32, #tpu.memory_space<vmem>> -> memref<1x128xi32, #tpu.memory_space<vmem>>
    %dma_start3A_169 = tpu.memref_squeeze %dma_start3A_168 : memref<1x128xi32, #tpu.memory_space<vmem>> -> memref<128xi32, #tpu.memory_space<vmem>>
    %dma_start3A_170 = arith.constant 0 : i32
    %dma_start3A_171 = arith.constant 0 : i32
    %dma_start3A_172 = tpu.memref_slice %arg2[%dma_start3A_170, %dma_start3A_171] : memref<32768x128xf32, #tpu.memory_space<hbm>> -> memref<32768x128xf32, #tpu.memory_space<hbm>>
    tpu.enqueue_indirect_dma source(%dma_start3A_172 : memref<32768x128xf32, #tpu.memory_space<hbm>>) target(%dma_start3A_166 : memref<128x128xf32, #tpu.memory_space<vmem>>) offsets(%dma_start3A_169 : memref<128xi32, #tpu.memory_space<vmem>>) semaphore(%arg14 : memref<!tpu.dma_semaphore, #tpu.memory_space<semaphore_mem>>)
    %dma_start3A_173 = arith.constant 7 : i32
    %dma_start3A_174 = arith.constant 384 : i32
    %dma_start3A_175 = arith.constant 0 : i32
    %dma_start3A_176 = tpu.memref_slice %arg9[%dma_start3A_174, %dma_start3A_175] : memref<512x128xf32, #tpu.memory_space<vmem>> -> memref<128x128xf32, #tpu.memory_space<vmem>>
    %dma_start3A_177 = arith.constant 0 : i32
    %dma_start3A_178 = tpu.memref_slice %arg8[%dma_start3A_173, %dma_start3A_177] : memref<8x128xi32, #tpu.memory_space<vmem>> -> memref<1x128xi32, #tpu.memory_space<vmem>>
    %dma_start3A_179 = tpu.memref_squeeze %dma_start3A_178 : memref<1x128xi32, #tpu.memory_space<vmem>> -> memref<128xi32, #tpu.memory_space<vmem>>
    %dma_start3A_180 = arith.constant 0 : i32
    %dma_start3A_181 = arith.constant 0 : i32
    %dma_start3A_182 = tpu.memref_slice %arg2[%dma_start3A_180, %dma_start3A_181] : memref<32768x128xf32, #tpu.memory_space<hbm>> -> memref<32768x128xf32, #tpu.memory_space<hbm>>
    tpu.enqueue_indirect_dma source(%dma_start3A_182 : memref<32768x128xf32, #tpu.memory_space<hbm>>) target(%dma_start3A_176 : memref<128x128xf32, #tpu.memory_space<vmem>>) offsets(%dma_start3A_179 : memref<128xi32, #tpu.memory_space<vmem>>) semaphore(%arg14 : memref<!tpu.dma_semaphore, #tpu.memory_space<semaphore_mem>>)
    %dma_wait3A_183 = arith.constant 4 : i32
    %dma_wait3A_184 = arith.constant 0 : i32
    %dma_wait3A_185 = arith.constant 0 : i32
    %dma_wait3A_186 = tpu.memref_slice %arg9[%dma_wait3A_184, %dma_wait3A_185] : memref<512x128xf32, #tpu.memory_space<vmem>> -> memref<128x128xf32, #tpu.memory_space<vmem>>
    %dma_wait3A_187 = arith.constant 0 : i32
    %dma_wait3A_188 = tpu.memref_slice %arg8[%dma_wait3A_183, %dma_wait3A_187] : memref<8x128xi32, #tpu.memory_space<vmem>> -> memref<1x128xi32, #tpu.memory_space<vmem>>
    %dma_wait3A_189 = tpu.memref_squeeze %dma_wait3A_188 : memref<1x128xi32, #tpu.memory_space<vmem>> -> memref<128xi32, #tpu.memory_space<vmem>>
    %dma_wait3A_190 = arith.constant 0 : i32
    %dma_wait3A_191 = arith.constant 0 : i32
    %dma_wait3A_192 = tpu.memref_slice %arg2[%dma_wait3A_190, %dma_wait3A_191] : memref<32768x128xf32, #tpu.memory_space<hbm>> -> memref<32768x128xf32, #tpu.memory_space<hbm>>
    tpu.wait_indirect_dma semaphore(%arg14 : memref<!tpu.dma_semaphore, #tpu.memory_space<semaphore_mem>>) src(%dma_wait3A_192 : memref<32768x128xf32, #tpu.memory_space<hbm>>) dst(%dma_wait3A_186 : memref<128x128xf32, #tpu.memory_space<vmem>>)
    %dma_wait3A_193 = arith.constant 5 : i32
    %dma_wait3A_194 = arith.constant 128 : i32
    %dma_wait3A_195 = arith.constant 0 : i32
    %dma_wait3A_196 = tpu.memref_slice %arg9[%dma_wait3A_194, %dma_wait3A_195] : memref<512x128xf32, #tpu.memory_space<vmem>> -> memref<128x128xf32, #tpu.memory_space<vmem>>
    %dma_wait3A_197 = arith.constant 0 : i32
    %dma_wait3A_198 = tpu.memref_slice %arg8[%dma_wait3A_193, %dma_wait3A_197] : memref<8x128xi32, #tpu.memory_space<vmem>> -> memref<1x128xi32, #tpu.memory_space<vmem>>
    %dma_wait3A_199 = tpu.memref_squeeze %dma_wait3A_198 : memref<1x128xi32, #tpu.memory_space<vmem>> -> memref<128xi32, #tpu.memory_space<vmem>>
    %dma_wait3A_200 = arith.constant 0 : i32
    %dma_wait3A_201 = arith.constant 0 : i32
    %dma_wait3A_202 = tpu.memref_slice %arg2[%dma_wait3A_200, %dma_wait3A_201] : memref<32768x128xf32, #tpu.memory_space<hbm>> -> memref<32768x128xf32, #tpu.memory_space<hbm>>
    tpu.wait_indirect_dma semaphore(%arg14 : memref<!tpu.dma_semaphore, #tpu.memory_space<semaphore_mem>>) src(%dma_wait3A_202 : memref<32768x128xf32, #tpu.memory_space<hbm>>) dst(%dma_wait3A_196 : memref<128x128xf32, #tpu.memory_space<vmem>>)
    %dma_wait3A_203 = arith.constant 6 : i32
    %dma_wait3A_204 = arith.constant 256 : i32
    %dma_wait3A_205 = arith.constant 0 : i32
    %dma_wait3A_206 = tpu.memref_slice %arg9[%dma_wait3A_204, %dma_wait3A_205] : memref<512x128xf32, #tpu.memory_space<vmem>> -> memref<128x128xf32, #tpu.memory_space<vmem>>
    %dma_wait3A_207 = arith.constant 0 : i32
    %dma_wait3A_208 = tpu.memref_slice %arg8[%dma_wait3A_203, %dma_wait3A_207] : memref<8x128xi32, #tpu.memory_space<vmem>> -> memref<1x128xi32, #tpu.memory_space<vmem>>
    %dma_wait3A_209 = tpu.memref_squeeze %dma_wait3A_208 : memref<1x128xi32, #tpu.memory_space<vmem>> -> memref<128xi32, #tpu.memory_space<vmem>>
    %dma_wait3A_210 = arith.constant 0 : i32
    %dma_wait3A_211 = arith.constant 0 : i32
    %dma_wait3A_212 = tpu.memref_slice %arg2[%dma_wait3A_210, %dma_wait3A_211] : memref<32768x128xf32, #tpu.memory_space<hbm>> -> memref<32768x128xf32, #tpu.memory_space<hbm>>
    tpu.wait_indirect_dma semaphore(%arg14 : memref<!tpu.dma_semaphore, #tpu.memory_space<semaphore_mem>>) src(%dma_wait3A_212 : memref<32768x128xf32, #tpu.memory_space<hbm>>) dst(%dma_wait3A_206 : memref<128x128xf32, #tpu.memory_space<vmem>>)
    %dma_wait3A_213 = arith.constant 7 : i32
    %dma_wait3A_214 = arith.constant 384 : i32
    %dma_wait3A_215 = arith.constant 0 : i32
    %dma_wait3A_216 = tpu.memref_slice %arg9[%dma_wait3A_214, %dma_wait3A_215] : memref<512x128xf32, #tpu.memory_space<vmem>> -> memref<128x128xf32, #tpu.memory_space<vmem>>
    %dma_wait3A_217 = arith.constant 0 : i32
    %dma_wait3A_218 = tpu.memref_slice %arg8[%dma_wait3A_213, %dma_wait3A_217] : memref<8x128xi32, #tpu.memory_space<vmem>> -> memref<1x128xi32, #tpu.memory_space<vmem>>
    %dma_wait3A_219 = tpu.memref_squeeze %dma_wait3A_218 : memref<1x128xi32, #tpu.memory_space<vmem>> -> memref<128xi32, #tpu.memory_space<vmem>>
    %dma_wait3A_220 = arith.constant 0 : i32
    %dma_wait3A_221 = arith.constant 0 : i32
    %dma_wait3A_222 = tpu.memref_slice %arg2[%dma_wait3A_220, %dma_wait3A_221] : memref<32768x128xf32, #tpu.memory_space<hbm>> -> memref<32768x128xf32, #tpu.memory_space<hbm>>
    tpu.wait_indirect_dma semaphore(%arg14 : memref<!tpu.dma_semaphore, #tpu.memory_space<semaphore_mem>>) src(%dma_wait3A_222 : memref<32768x128xf32, #tpu.memory_space<hbm>>) dst(%dma_wait3A_216 : memref<128x128xf32, #tpu.memory_space<vmem>>)
    %broadcast_in_dim3A_223 = vector.broadcast %multiple_of3A_142 : i32 to vector<16xi32>
    %scan3A_224 = arith.constant 0 : i32
    %scan3A_225 = arith.constant 0 : i32
    %scan3A_226 = arith.constant 16 : i32
    %scan3A_227 = arith.addi %scan3A_225, %scan3A_226 : i32
    %scan3A_228 = arith.constant 1 : i32
    scf.for %scan3A_230 = %scan3A_225 to %scan3A_227 step %scan3A_228  : i32 {
      %broadcast_in_dim3A_231 = vector.broadcast %scan3A_230 : i32 to vector<16xi32>
      %gather3A = tpu.vector_load_idx %arg10[%broadcast_in_dim3A_231] : memref<128xi32, #tpu.memory_space<vmem>>[vector<16xi32>], vector<16xi32>,
      %gather3A_232 = tpu.vector_load_idx %arg12[%broadcast_in_dim3A_231] : memref<128xf32, #tpu.memory_space<vmem>>[vector<16xi32>], vector<16xf32>,
      %sub3A_233 = arith.subi %gather3A, %broadcast_in_dim3A_223 : vector<16xi32>
      %ge3A = arith.constant 0 : i32
      %ge3A_234 = vector.broadcast %ge3A : i32 to vector<16xi32>
      %ge3A_235 = arith.cmpi sge, %sub3A_233, %ge3A_234 : vector<16xi32>
      %lt3A = arith.constant 512 : i32
      %lt3A_236 = vector.broadcast %lt3A : i32 to vector<16xi32>
      %lt3A_237 = arith.cmpi slt, %sub3A_233, %lt3A_236 : vector<16xi32>
      %and3A_238 = arith.andi %ge3A_235, %lt3A_237 : vector<16xi1>
      %broadcast_in_dim3A_239 = arith.constant 0.000000e+00 : f32
      %broadcast_in_dim3A_240 = vector.broadcast %broadcast_in_dim3A_239 : f32 to vector<16xf32>
      %select_n3A_241 = arith.select %and3A_238, %gather3A_232, %broadcast_in_dim3A_240 : vector<16xi1>, vector<16xf32>
      %jit3A_242 = arith.constant 0 : i32
      %jit3A_243 = arith.constant 511 : i32
      %max3A = vector.broadcast %jit3A_242 : i32 to vector<16xi32>
      %max3A_244 = arith.maxsi %max3A, %sub3A_233 : vector<16xi32>
      %min3A = vector.broadcast %jit3A_243 : i32 to vector<16xi32>
      %min3A_245 = arith.minsi %min3A, %max3A_244 : vector<16xi32>
      %iota3A = tpu.iota {dimensions = array<i32: 0>} : vector<16xi32>
      %add3A_246 = arith.constant 0 : i32
      %add3A_247 = vector.broadcast %add3A_246 : i32 to vector<16xi32>
      %add3A_248 = arith.addi %iota3A, %add3A_247 : vector<16xi32>
      %gather3A_249 = tpu.vector_load_idx %arg13[%broadcast_in_dim3A_231, %add3A_248] : memref<16x128xf32, #tpu.memory_space<vmem>>[vector<16xi32>, vector<16xi32>], vector<16xf32>,
      %mul3A_250 = arith.mulf %select_n3A_241, %gather3A_249 : vector<16xf32>
      tpu.vector_store_idx %arg9[%min3A_245, %add3A_248], %mul3A_250 {add = true} : memref<512x128xf32, #tpu.memory_space<vmem>>[vector<16xi32>, vector<16xi32>], vector<16xf32>,
      %iota3A_251 = tpu.iota {dimensions = array<i32: 0>} : vector<16xi32>
      %add3A_252 = arith.constant 16 : i32
      %add3A_253 = vector.broadcast %add3A_252 : i32 to vector<16xi32>
      %add3A_254 = arith.addi %iota3A_251, %add3A_253 : vector<16xi32>
      %gather3A_255 = tpu.vector_load_idx %arg13[%broadcast_in_dim3A_231, %add3A_254] : memref<16x128xf32, #tpu.memory_space<vmem>>[vector<16xi32>, vector<16xi32>], vector<16xf32>,
      %mul3A_256 = arith.mulf %select_n3A_241, %gather3A_255 : vector<16xf32>
      tpu.vector_store_idx %arg9[%min3A_245, %add3A_254], %mul3A_256 {add = true} : memref<512x128xf32, #tpu.memory_space<vmem>>[vector<16xi32>, vector<16xi32>], vector<16xf32>,
      %iota3A_257 = tpu.iota {dimensions = array<i32: 0>} : vector<16xi32>
      %add3A_258 = arith.constant 32 : i32
      %add3A_259 = vector.broadcast %add3A_258 : i32 to vector<16xi32>
      %add3A_260 = arith.addi %iota3A_257, %add3A_259 : vector<16xi32>
      %gather3A_261 = tpu.vector_load_idx %arg13[%broadcast_in_dim3A_231, %add3A_260] : memref<16x128xf32, #tpu.memory_space<vmem>>[vector<16xi32>, vector<16xi32>], vector<16xf32>,
      %mul3A_262 = arith.mulf %select_n3A_241, %gather3A_261 : vector<16xf32>
      tpu.vector_store_idx %arg9[%min3A_245, %add3A_260], %mul3A_262 {add = true} : memref<512x128xf32, #tpu.memory_space<vmem>>[vector<16xi32>, vector<16xi32>], vector<16xf32>,
      %iota3A_263 = tpu.iota {dimensions = array<i32: 0>} : vector<16xi32>
      %add3A_264 = arith.constant 48 : i32
      %add3A_265 = vector.broadcast %add3A_264 : i32 to vector<16xi32>
      %add3A_266 = arith.addi %iota3A_263, %add3A_265 : vector<16xi32>
      %gather3A_267 = tpu.vector_load_idx %arg13[%broadcast_in_dim3A_231, %add3A_266] : memref<16x128xf32, #tpu.memory_space<vmem>>[vector<16xi32>, vector<16xi32>], vector<16xf32>,
      %mul3A_268 = arith.mulf %select_n3A_241, %gather3A_267 : vector<16xf32>
      tpu.vector_store_idx %arg9[%min3A_245, %add3A_266], %mul3A_268 {add = true} : memref<512x128xf32, #tpu.memory_space<vmem>>[vector<16xi32>, vector<16xi32>], vector<16xf32>,
      %iota3A_269 = tpu.iota {dimensions = array<i32: 0>} : vector<16xi32>
      %add3A_270 = arith.constant 64 : i32
      %add3A_271 = vector.broadcast %add3A_270 : i32 to vector<16xi32>
      %add3A_272 = arith.addi %iota3A_269, %add3A_271 : vector<16xi32>
      %gather3A_273 = tpu.vector_load_idx %arg13[%broadcast_in_dim3A_231, %add3A_272] : memref<16x128xf32, #tpu.memory_space<vmem>>[vector<16xi32>, vector<16xi32>], vector<16xf32>,
      %mul3A_274 = arith.mulf %select_n3A_241, %gather3A_273 : vector<16xf32>
      tpu.vector_store_idx %arg9[%min3A_245, %add3A_272], %mul3A_274 {add = true} : memref<512x128xf32, #tpu.memory_space<vmem>>[vector<16xi32>, vector<16xi32>], vector<16xf32>,
      %iota3A_275 = tpu.iota {dimensions = array<i32: 0>} : vector<16xi32>
      %add3A_276 = arith.constant 80 : i32
      %add3A_277 = vector.broadcast %add3A_276 : i32 to vector<16xi32>
      %add3A_278 = arith.addi %iota3A_275, %add3A_277 : vector<16xi32>
      %gather3A_279 = tpu.vector_load_idx %arg13[%broadcast_in_dim3A_231, %add3A_278] : memref<16x128xf32, #tpu.memory_space<vmem>>[vector<16xi32>, vector<16xi32>], vector<16xf32>,
      %mul3A_280 = arith.mulf %select_n3A_241, %gather3A_279 : vector<16xf32>
      tpu.vector_store_idx %arg9[%min3A_245, %add3A_278], %mul3A_280 {add = true} : memref<512x128xf32, #tpu.memory_space<vmem>>[vector<16xi32>, vector<16xi32>], vector<16xf32>,
      %iota3A_281 = tpu.iota {dimensions = array<i32: 0>} : vector<16xi32>
      %add3A_282 = arith.constant 96 : i32
      %add3A_283 = vector.broadcast %add3A_282 : i32 to vector<16xi32>
      %add3A_284 = arith.addi %iota3A_281, %add3A_283 : vector<16xi32>
      %gather3A_285 = tpu.vector_load_idx %arg13[%broadcast_in_dim3A_231, %add3A_284] : memref<16x128xf32, #tpu.memory_space<vmem>>[vector<16xi32>, vector<16xi32>], vector<16xf32>,
      %mul3A_286 = arith.mulf %select_n3A_241, %gather3A_285 : vector<16xf32>
      tpu.vector_store_idx %arg9[%min3A_245, %add3A_284], %mul3A_286 {add = true} : memref<512x128xf32, #tpu.memory_space<vmem>>[vector<16xi32>, vector<16xi32>], vector<16xf32>,
      %iota3A_287 = tpu.iota {dimensions = array<i32: 0>} : vector<16xi32>
      %add3A_288 = arith.constant 112 : i32
      %add3A_289 = vector.broadcast %add3A_288 : i32 to vector<16xi32>
      %add3A_290 = arith.addi %iota3A_287, %add3A_289 : vector<16xi32>
      %gather3A_291 = tpu.vector_load_idx %arg13[%broadcast_in_dim3A_231, %add3A_290] : memref<16x128xf32, #tpu.memory_space<vmem>>[vector<16xi32>, vector<16xi32>], vector<16xf32>,
      %mul3A_292 = arith.mulf %select_n3A_241, %gather3A_291 : vector<16xf32>
      tpu.vector_store_idx %arg9[%min3A_245, %add3A_290], %mul3A_292 {add = true} : memref<512x128xf32, #tpu.memory_space<vmem>>[vector<16xi32>, vector<16xi32>], vector<16xf32>,
    }
    %scan3A_229 = arith.constant 16 : i32
    "tpu.region"() ({
      %run_scoped3A = tpu.sem_alloc : memref<!tpu.dma_semaphore, #tpu.memory_space<semaphore_mem>>
      %dma_start3A_230 = arith.constant 0 : i32
      %dma_start3A_231 = tpu.memref_slice %arg7[%multiple_of3A_142, %dma_start3A_230] : memref<32768x128xf32, #tpu.memory_space<hbm>> -> memref<512x128xf32, #tpu.memory_space<hbm>>
      %dma_start3A_232 = arith.constant 0 : i32
      %dma_start3A_233 = tpu.memref_slice %arg7[%multiple_of3A_142, %dma_start3A_232] : memref<32768x128xf32, #tpu.memory_space<hbm>> -> memref<512x128xf32, #tpu.memory_space<hbm>>
      tpu.enqueue_dma source(%arg9 : memref<512x128xf32, #tpu.memory_space<vmem>>) target(%dma_start3A_233 : memref<512x128xf32, #tpu.memory_space<hbm>>) target_semaphore(%run_scoped3A : memref<!tpu.dma_semaphore, #tpu.memory_space<semaphore_mem>>)
      %dma_wait3A_234 = arith.constant 0 : i32
      %dma_wait3A_235 = tpu.memref_slice %arg7[%multiple_of3A_142, %dma_wait3A_234] : memref<32768x128xf32, #tpu.memory_space<hbm>> -> memref<512x128xf32, #tpu.memory_space<hbm>>
      %dma_wait3A_236 = arith.constant 0 : i32
      %dma_wait3A_237 = tpu.memref_slice %arg7[%multiple_of3A_142, %dma_wait3A_236] : memref<32768x128xf32, #tpu.memory_space<hbm>> -> memref<512x128xf32, #tpu.memory_space<hbm>>
      tpu.wait_dma2 semaphore(%run_scoped3A : memref<!tpu.dma_semaphore, #tpu.memory_space<semaphore_mem>>) src(%arg9 : memref<512x128xf32, #tpu.memory_space<vmem>>) dst(%dma_wait3A_237 : memref<512x128xf32, #tpu.memory_space<hbm>>)
      tpu.yield
    }) : () -> ()
    return
  }
}

#map = affine_map<(d0, d1) -> (0, 0)>
module attributes {stable_mosaic.version = 14 : i64} {
  func.func @chain(%arg0: i32, %arg1: i32, %arg2: memref<16x2048xf32, #tpu.memory_space<hbm>>, %arg3: memref<16x2048xf32, #tpu.memory_space<hbm>>, %arg4: memref<16x2048xi32, #tpu.memory_space<hbm>>, %arg5: memref<16x128xi32, #tpu.memory_space<hbm>>, %arg6: memref<16x128xi32, #tpu.memory_space<hbm>>, %arg7: memref<16x128xf32, #tpu.memory_space<hbm>>, %arg8: memref<2048xf32, #tpu.memory_space<vmem>>, %arg9: memref<2048xf32, #tpu.memory_space<vmem>>, %arg10: memref<2048xf32, #tpu.memory_space<vmem>>, %arg11: memref<2048xi32, #tpu.memory_space<vmem>>, %arg12: memref<2048xi32, #tpu.memory_space<vmem>>, %arg13: memref<1024xf32, #tpu.memory_space<vmem>>, %arg14: memref<2048xi32, #tpu.memory_space<vmem>>, %arg15: memref<2048xi32, #tpu.memory_space<vmem>>, %arg16: memref<2048xi32, #tpu.memory_space<vmem>>, %arg17: memref<2048xi32, #tpu.memory_space<vmem>>, %arg18: memref<2064xi32, #tpu.memory_space<vmem>>, %arg19: memref<2064xi32, #tpu.memory_space<vmem>>, %arg20: memref<2064xf32, #tpu.memory_space<vmem>>, %arg21: memref<!tpu.dma_semaphore, #tpu.memory_space<semaphore_mem>>) attributes {dimension_semantics = [#tpu.dimension_semantics<core_parallel>, #tpu.dimension_semantics<subcore_parallel>], iteration_bounds = array<i64: 2, 16>, scalar_prefetch = 0 : i64, scratch_operands = 14 : i64, tpu.core_type = #tpu.core_type<sc_vector_subcore>, window_params = [{transform_indices = #map}, {transform_indices = #map}, {transform_indices = #map}, {transform_indices = #map}, {transform_indices = #map}, {transform_indices = #map}]} {
    %mul3A = arith.constant 2 : i32
    %mul3A_0 = arith.muli %arg1, %mul3A : i32
    %add3A = arith.addi %mul3A_0, %arg0 : i32
    %iota3A = tpu.iota {dimensions = array<i32: 0>} : vector<16xi32>
    %lt3A = arith.constant 16 : i32
    %lt3A_1 = arith.cmpi slt, %add3A, %lt3A : i32
    %convert_element_type3A = arith.extui %lt3A_1 : i1 to i32
    %cond3A = arith.constant 0 : i32
    %cond3A_2 = arith.cmpi ne, %convert_element_type3A, %cond3A : i32
    scf.if %cond3A_2 {
      %mul3A_3 = arith.constant 2048 : i32
      %mul3A_4 = arith.muli %add3A, %mul3A_3 : i32
      "tpu.region"() ({
        %run_scoped3A = tpu.sem_alloc : memref<!tpu.dma_semaphore, #tpu.memory_space<semaphore_mem>>
        %dma_start3A = arith.constant 0 : i32
        %dma_start3A_46 = tpu.memref_slice %arg2[%add3A, %dma_start3A] : memref<16x2048xf32, #tpu.memory_space<hbm>> -> memref<1x2048xf32, #tpu.memory_space<hbm>>
        %dma_start3A_47 = tpu.memref_squeeze %dma_start3A_46 : memref<1x2048xf32, #tpu.memory_space<hbm>> -> memref<2048xf32, #tpu.memory_space<hbm>>
        %dma_start3A_48 = arith.constant 0 : i32
        %dma_start3A_49 = tpu.memref_slice %arg2[%add3A, %dma_start3A_48] : memref<16x2048xf32, #tpu.memory_space<hbm>> -> memref<1x2048xf32, #tpu.memory_space<hbm>>
        %dma_start3A_50 = tpu.memref_squeeze %dma_start3A_49 : memref<1x2048xf32, #tpu.memory_space<hbm>> -> memref<2048xf32, #tpu.memory_space<hbm>>
        tpu.enqueue_dma source(%dma_start3A_50 : memref<2048xf32, #tpu.memory_space<hbm>>) target(%arg8 : memref<2048xf32, #tpu.memory_space<vmem>>) target_semaphore(%run_scoped3A : memref<!tpu.dma_semaphore, #tpu.memory_space<semaphore_mem>>)
        %dma_wait3A = arith.constant 0 : i32
        %dma_wait3A_51 = tpu.memref_slice %arg2[%add3A, %dma_wait3A] : memref<16x2048xf32, #tpu.memory_space<hbm>> -> memref<1x2048xf32, #tpu.memory_space<hbm>>
        %dma_wait3A_52 = tpu.memref_squeeze %dma_wait3A_51 : memref<1x2048xf32, #tpu.memory_space<hbm>> -> memref<2048xf32, #tpu.memory_space<hbm>>
        %dma_wait3A_53 = arith.constant 0 : i32
        %dma_wait3A_54 = tpu.memref_slice %arg2[%add3A, %dma_wait3A_53] : memref<16x2048xf32, #tpu.memory_space<hbm>> -> memref<1x2048xf32, #tpu.memory_space<hbm>>
        %dma_wait3A_55 = tpu.memref_squeeze %dma_wait3A_54 : memref<1x2048xf32, #tpu.memory_space<hbm>> -> memref<2048xf32, #tpu.memory_space<hbm>>
        tpu.wait_dma2 semaphore(%run_scoped3A : memref<!tpu.dma_semaphore, #tpu.memory_space<semaphore_mem>>) src(%dma_wait3A_55 : memref<2048xf32, #tpu.memory_space<hbm>>) dst(%arg8 : memref<2048xf32, #tpu.memory_space<vmem>>)
        tpu.yield
      }) : () -> ()
      %scan3A = arith.constant 0 : i32
      %scan3A_5 = arith.constant 0 : i32
      %scan3A_6 = arith.constant 128 : i32
      %scan3A_7 = arith.addi %scan3A_5, %scan3A_6 : i32
      %scan3A_8 = arith.constant 1 : i32
      %scan3A_9 = scf.for %scan3A_46 = %scan3A_5 to %scan3A_7 step %scan3A_8 iter_args(%scan3A_47 = %scan3A) -> (i32)  : i32 {
        %mul3A_48 = arith.constant 16 : i32
        %mul3A_49 = arith.muli %scan3A_46, %mul3A_48 : i32
        %add3A_50 = vector.broadcast %mul3A_49 : i32 to vector<16xi32>
        %add3A_51 = arith.addi %iota3A, %add3A_50 : vector<16xi32>
        %mul3A_52 = arith.constant 16 : i32
        %mul3A_53 = arith.muli %scan3A_46, %mul3A_52 : i32
        %swap3A = arith.index_cast %mul3A_53 : i32 to index
        %swap3A_54 = tpu.vector_load %arg15[%swap3A] {strides = array<i32>} : memref<2048xi32, #tpu.memory_space<vmem>>, vector<16xi32>,
        tpu.vector_store %arg15[%swap3A], %add3A_51 {strides = array<i32>} : memref<2048xi32, #tpu.memory_space<vmem>>, vector<16xi32>,
        %broadcast_in_dim3A = arith.constant 0.000000e+00 : f32
        %broadcast_in_dim3A_55 = vector.broadcast %broadcast_in_dim3A : f32 to vector<16xf32>
        %mul3A_56 = arith.constant 16 : i32
        %mul3A_57 = arith.muli %scan3A_46, %mul3A_56 : i32
        %swap3A_58 = arith.index_cast %mul3A_57 : i32 to index
        %swap3A_59 = tpu.vector_load %arg9[%swap3A_58] {strides = array<i32>} : memref<2048xf32, #tpu.memory_space<vmem>>, vector<16xf32>,
        tpu.vector_store %arg9[%swap3A_58], %broadcast_in_dim3A_55 {strides = array<i32>} : memref<2048xf32, #tpu.memory_space<vmem>>, vector<16xf32>,
        %scan3A_60 = arith.constant 0 : i32
        scf.yield %scan3A_60 : i32
      }
      %scan3A_10 = arith.constant 128 : i32
      %scan3A_11 = arith.constant 1 : i32
      %scan3A_12 = arith.constant 0 : i32
      %scan3A_13 = arith.constant 11 : i32
      %scan3A_14 = arith.addi %scan3A_12, %scan3A_13 : i32
      %scan3A_15 = arith.constant 1 : i32
      %scan3A_16 = scf.for %scan3A_46 = %scan3A_12 to %scan3A_14 step %scan3A_15 iter_args(%scan3A_47 = %scan3A_11) -> (i32)  : i32 {
        %sub3A = arith.constant 11 : i32
        %sub3A_48 = arith.subi %sub3A, %scan3A_46 : i32
        %shift_left3A = arith.constant 1 : i32
        %shift_left3A_49 = arith.shli %shift_left3A, %sub3A_48 : i32
        %sub3A_50 = arith.constant 1 : i32
        %sub3A_51 = arith.subi %shift_left3A_49, %sub3A_50 : i32
        %shift_right_logical3A = arith.constant 1 : i32
        %shift_right_logical3A_52 = arith.shrui %shift_left3A_49, %shift_right_logical3A : i32
        %shift_right_logical3A_53 = arith.constant 2048 : i32
        %shift_right_logical3A_54 = arith.shrui %shift_right_logical3A_53, %sub3A_48 : i32
        %gt3A = arith.constant 0 : i32
        %gt3A_55 = arith.cmpi sgt, %scan3A_47, %gt3A : i32
        %convert_element_type3A_56 = arith.extui %gt3A_55 : i1 to i32
        %cond3A_57 = arith.constant 0 : i32
        %cond3A_58 = arith.cmpi ne, %convert_element_type3A_56, %cond3A_57 : i32
        scf.if %cond3A_58 {
          %shift_left3A_104 = arith.constant 1 : i32
          %shift_left3A_105 = arith.shli %shift_left3A_104, %sub3A_48 : i32
          %ge3A = arith.constant 4 : i32
          %ge3A_106 = arith.cmpi sge, %sub3A_48, %ge3A : i32
          %convert_element_type3A_107 = arith.extui %ge3A_106 : i1 to i32
          %cond3A_108 = arith.constant 0 : i32
          %cond3A_109 = arith.cmpi ne, %convert_element_type3A_107, %cond3A_108 : i32
          scf.if %cond3A_109 {
            %scan3A_115 = arith.constant 0 : i32
            %scan3A_116 = arith.constant 0 : i32
            %scan3A_117 = arith.constant 128 : i32
            %scan3A_118 = arith.addi %scan3A_116, %scan3A_117 : i32
            %scan3A_119 = arith.constant 1 : i32
            %scan3A_120 = scf.for %scan3A_136 = %scan3A_116 to %scan3A_118 step %scan3A_119 iter_args(%scan3A_137 = %scan3A_115) -> (i32)  : i32 {
              %mul3A_138 = arith.constant 16 : i32
              %mul3A_139 = arith.muli %scan3A_136, %mul3A_138 : i32
              %get3A = arith.index_cast %mul3A_139 : i32 to index
              %get3A_140 = tpu.vector_load %arg8[%get3A] {strides = array<i32>} : memref<2048xf32, #tpu.memory_space<vmem>>, vector<16xf32>,
              %sort3A = arith.constant dense<true> : vector<16xi1>
              %sort3A_141, %sort3A_142, %sort3A_143 = tpu.sort %get3A_140, %get3A_140 masked %sort3A : (vector<16xf32>, vector<16xf32>, vector<16xi1>) -> (vector<16xi1>, vector<16xf32>, vector<16xf32>)
              %mul3A_144 = arith.constant 16 : i32
              %mul3A_145 = arith.muli %scan3A_136, %mul3A_144 : i32
              %swap3A = arith.index_cast %mul3A_145 : i32 to index
              %swap3A_146 = tpu.vector_load %arg10[%swap3A] {strides = array<i32>} : memref<2048xf32, #tpu.memory_space<vmem>>, vector<16xf32>,
              tpu.vector_store %arg10[%swap3A], %sort3A_142 {strides = array<i32>} : memref<2048xf32, #tpu.memory_space<vmem>>, vector<16xf32>,
              %scan3A_147 = arith.constant 0 : i32
              scf.yield %scan3A_147 : i32
            }
            %scan3A_121 = arith.constant 128 : i32
            %sub3A_122 = arith.constant 4 : i32
            %sub3A_123 = arith.subi %sub3A_48, %sub3A_122 : i32
            %while3A_124 = arith.constant 0 : i32
            %while3A_125 = arith.constant 0 : i32
            %while3A_126 = arith.subi %sub3A_123, %while3A_124 : i32
            %while3A_127 = arith.addi %while3A_124, %while3A_126 : i32
            %while3A_128 = arith.constant 1 : i32
            %while3A_129 = arith.divsi %while3A_126, %while3A_128 : i32
            %while3A_130 = arith.muli %while3A_129, %while3A_128 : i32
            %while3A_131 = arith.addi %while3A_124, %while3A_130 : i32
            %while3A_132 = arith.constant 1 : i32
            %while3A_133 = scf.for %while3A_136 = %while3A_124 to %while3A_131 step %while3A_132 iter_args(%while3A_137 = %while3A_125) -> (i32)  : i32 {
              %shift_left3A_138 = arith.constant 1 : i32
              %shift_left3A_139 = arith.shli %shift_left3A_138, %while3A_136 : i32
              %scan3A_140 = arith.constant 0 : i32
              %scan3A_141 = arith.constant 0 : i32
              %scan3A_142 = arith.constant 32 : i32
              %scan3A_143 = arith.addi %scan3A_141, %scan3A_142 : i32
              %scan3A_144 = arith.constant 1 : i32
              %scan3A_145 = scf.for %scan3A_160 = %scan3A_141 to %scan3A_143 step %scan3A_144 iter_args(%scan3A_161 = %scan3A_140) -> (i32)  : i32 {
                %add3A_162 = arith.constant 32 : i32
                %add3A_163 = arith.addi %scan3A_160, %add3A_162 : i32
                %shift_right_logical3A_164 = arith.shrui %scan3A_160, %while3A_136 : i32
                %sub3A_165 = arith.constant 1 : i32
                %sub3A_166 = arith.subi %shift_left3A_139, %sub3A_165 : i32
                %and3A = arith.andi %scan3A_160, %sub3A_166 : i32
                %mul3A_167 = arith.constant 2 : i32
                %mul3A_168 = arith.muli %shift_right_logical3A_164, %mul3A_167 : i32
                %mul3A_169 = arith.muli %mul3A_168, %shift_left3A_139 : i32
                %add3A_170 = arith.addi %mul3A_169, %and3A : i32
                %mul3A_171 = arith.constant 2 : i32
                %mul3A_172 = arith.muli %shift_right_logical3A_164, %mul3A_171 : i32
                %mul3A_173 = arith.muli %mul3A_172, %shift_left3A_139 : i32
                %mul3A_174 = arith.constant 2 : i32
                %mul3A_175 = arith.muli %mul3A_174, %shift_left3A_139 : i32
                %add3A_176 = arith.addi %mul3A_173, %mul3A_175 : i32
                %sub3A_177 = arith.constant 1 : i32
                %sub3A_178 = arith.subi %add3A_176, %sub3A_177 : i32
                %sub3A_179 = arith.subi %sub3A_178, %and3A : i32
                %mul3A_180 = arith.constant 16 : i32
                %mul3A_181 = arith.muli %add3A_170, %mul3A_180 : i32
                %get3A = arith.index_cast %mul3A_181 : i32 to index
                %get3A_182 = tpu.vector_load %arg10[%get3A] {strides = array<i32>} : memref<2048xf32, #tpu.memory_space<vmem>>, vector<16xf32>,
                %mul3A_183 = arith.constant 16 : i32
                %mul3A_184 = arith.muli %sub3A_179, %mul3A_183 : i32
                %get3A_185 = arith.index_cast %mul3A_184 : i32 to index
                %get3A_186 = tpu.vector_load %arg10[%get3A_185] {strides = array<i32>} : memref<2048xf32, #tpu.memory_space<vmem>>, vector<16xf32>,
                %rev3A = arith.constant 15 : i32
                %rev3A_187 = vector.broadcast %rev3A : i32 to vector<16xi32>
                %rev3A_188 = tpu.iota {dimensions = array<i32: 0>} : vector<16xi32>
                %rev3A_189 = arith.subi %rev3A_187, %rev3A_188 : vector<16xi32>
                %rev3A_190 = tpu.dynamic_gather %get3A_186[%rev3A_189] in [0] : vector<16xf32>, vector<16xi32> -> vector<16xf32>
                %min3A = arith.minimumf %get3A_182, %rev3A_190 : vector<16xf32>
                %max3A = arith.maximumf %get3A_182, %rev3A_190 : vector<16xf32>
                %sort3A = arith.constant dense<true> : vector<16xi1>
                %sort3A_191, %sort3A_192, %sort3A_193 = tpu.sort %min3A, %min3A masked %sort3A : (vector<16xf32>, vector<16xf32>, vector<16xi1>) -> (vector<16xi1>, vector<16xf32>, vector<16xf32>)
                %mul3A_194 = arith.constant 16 : i32
                %mul3A_195 = arith.muli %add3A_170, %mul3A_194 : i32
                %swap3A = arith.index_cast %mul3A_195 : i32 to index
                %swap3A_196 = tpu.vector_load %arg10[%swap3A] {strides = array<i32>} : memref<2048xf32, #tpu.memory_space<vmem>>, vector<16xf32>,
                tpu.vector_store %arg10[%swap3A], %sort3A_192 {strides = array<i32>} : memref<2048xf32, #tpu.memory_space<vmem>>, vector<16xf32>,
                %sort3A_197 = arith.constant dense<true> : vector<16xi1>
                %sort3A_198, %sort3A_199, %sort3A_200 = tpu.sort %max3A, %max3A masked %sort3A_197 : (vector<16xf32>, vector<16xf32>, vector<16xi1>) -> (vector<16xi1>, vector<16xf32>, vector<16xf32>)
                %mul3A_201 = arith.constant 16 : i32
                %mul3A_202 = arith.muli %sub3A_179, %mul3A_201 : i32
                %swap3A_203 = arith.index_cast %mul3A_202 : i32 to index
                %swap3A_204 = tpu.vector_load %arg10[%swap3A_203] {strides = array<i32>} : memref<2048xf32, #tpu.memory_space<vmem>>, vector<16xf32>,
                tpu.vector_store %arg10[%swap3A_203], %sort3A_199 {strides = array<i32>} : memref<2048xf32, #tpu.memory_space<vmem>>, vector<16xf32>,
                %shift_right_logical3A_205 = arith.shrui %add3A_163, %while3A_136 : i32
                %sub3A_206 = arith.constant 1 : i32
                %sub3A_207 = arith.subi %shift_left3A_139, %sub3A_206 : i32
                %and3A_208 = arith.andi %add3A_163, %sub3A_207 : i32
                %mul3A_209 = arith.constant 2 : i32
                %mul3A_210 = arith.muli %shift_right_logical3A_205, %mul3A_209 : i32
                %mul3A_211 = arith.muli %mul3A_210, %shift_left3A_139 : i32
                %add3A_212 = arith.addi %mul3A_211, %and3A_208 : i32
                %mul3A_213 = arith.constant 2 : i32
                %mul3A_214 = arith.muli %shift_right_logical3A_205, %mul3A_213 : i32
                %mul3A_215 = arith.muli %mul3A_214, %shift_left3A_139 : i32
                %mul3A_216 = arith.constant 2 : i32
                %mul3A_217 = arith.muli %mul3A_216, %shift_left3A_139 : i32
                %add3A_218 = arith.addi %mul3A_215, %mul3A_217 : i32
                %sub3A_219 = arith.constant 1 : i32
                %sub3A_220 = arith.subi %add3A_218, %sub3A_219 : i32
                %sub3A_221 = arith.subi %sub3A_220, %and3A_208 : i32
                %mul3A_222 = arith.constant 16 : i32
                %mul3A_223 = arith.muli %add3A_212, %mul3A_222 : i32
                %get3A_224 = arith.index_cast %mul3A_223 : i32 to index
                %get3A_225 = tpu.vector_load %arg10[%get3A_224] {strides = array<i32>} : memref<2048xf32, #tpu.memory_space<vmem>>, vector<16xf32>,
                %mul3A_226 = arith.constant 16 : i32
                %mul3A_227 = arith.muli %sub3A_221, %mul3A_226 : i32
                %get3A_228 = arith.index_cast %mul3A_227 : i32 to index
                %get3A_229 = tpu.vector_load %arg10[%get3A_228] {strides = array<i32>} : memref<2048xf32, #tpu.memory_space<vmem>>, vector<16xf32>,
                %rev3A_230 = arith.constant 15 : i32
                %rev3A_231 = vector.broadcast %rev3A_230 : i32 to vector<16xi32>
                %rev3A_232 = tpu.iota {dimensions = array<i32: 0>} : vector<16xi32>
                %rev3A_233 = arith.subi %rev3A_231, %rev3A_232 : vector<16xi32>
                %rev3A_234 = tpu.dynamic_gather %get3A_229[%rev3A_233] in [0] : vector<16xf32>, vector<16xi32> -> vector<16xf32>
                %min3A_235 = arith.minimumf %get3A_225, %rev3A_234 : vector<16xf32>
                %max3A_236 = arith.maximumf %get3A_225, %rev3A_234 : vector<16xf32>
                %sort3A_237 = arith.constant dense<true> : vector<16xi1>
                %sort3A_238, %sort3A_239, %sort3A_240 = tpu.sort %min3A_235, %min3A_235 masked %sort3A_237 : (vector<16xf32>, vector<16xf32>, vector<16xi1>) -> (vector<16xi1>, vector<16xf32>, vector<16xf32>)
                %mul3A_241 = arith.constant 16 : i32
                %mul3A_242 = arith.muli %add3A_212, %mul3A_241 : i32
                %swap3A_243 = arith.index_cast %mul3A_242 : i32 to index
                %swap3A_244 = tpu.vector_load %arg10[%swap3A_243] {strides = array<i32>} : memref<2048xf32, #tpu.memory_space<vmem>>, vector<16xf32>,
                tpu.vector_store %arg10[%swap3A_243], %sort3A_239 {strides = array<i32>} : memref<2048xf32, #tpu.memory_space<vmem>>, vector<16xf32>,
                %sort3A_245 = arith.constant dense<true> : vector<16xi1>
                %sort3A_246, %sort3A_247, %sort3A_248 = tpu.sort %max3A_236, %max3A_236 masked %sort3A_245 : (vector<16xf32>, vector<16xf32>, vector<16xi1>) -> (vector<16xi1>, vector<16xf32>, vector<16xf32>)
                %mul3A_249 = arith.constant 16 : i32
                %mul3A_250 = arith.muli %sub3A_221, %mul3A_249 : i32
                %swap3A_251 = arith.index_cast %mul3A_250 : i32 to index
                %swap3A_252 = tpu.vector_load %arg10[%swap3A_251] {strides = array<i32>} : memref<2048xf32, #tpu.memory_space<vmem>>, vector<16xf32>,
                tpu.vector_store %arg10[%swap3A_251], %sort3A_247 {strides = array<i32>} : memref<2048xf32, #tpu.memory_space<vmem>>, vector<16xf32>,
                %scan3A_253 = arith.constant 0 : i32
                scf.yield %scan3A_253 : i32
              }
              %scan3A_146 = arith.constant 32 : i32
              %while3A_147 = arith.constant 0 : i32
              %while3A_148 = arith.constant 0 : i32
              %while3A_149 = arith.subi %while3A_136, %while3A_147 : i32
              %while3A_150 = arith.addi %while3A_147, %while3A_149 : i32
              %while3A_151 = arith.constant 1 : i32
              %while3A_152 = arith.divsi %while3A_149, %while3A_151 : i32
              %while3A_153 = arith.muli %while3A_152, %while3A_151 : i32
              %while3A_154 = arith.addi %while3A_147, %while3A_153 : i32
              %while3A_155 = arith.constant 1 : i32
              %while3A_156 = scf.for %while3A_160 = %while3A_147 to %while3A_154 step %while3A_155 iter_args(%while3A_161 = %while3A_148) -> (i32)  : i32 {
                %sub3A_162 = arith.constant 1 : i32
                %sub3A_163 = arith.subi %while3A_136, %sub3A_162 : i32
                %sub3A_164 = arith.subi %sub3A_163, %while3A_160 : i32
                %shift_left3A_165 = arith.constant 1 : i32
                %shift_left3A_166 = arith.shli %shift_left3A_165, %sub3A_164 : i32
                %scan3A_167 = arith.constant 0 : i32
                %scan3A_168 = arith.constant 0 : i32
                %scan3A_169 = arith.constant 32 : i32
                %scan3A_170 = arith.addi %scan3A_168, %scan3A_169 : i32
                %scan3A_171 = arith.constant 1 : i32
                %scan3A_172 = scf.for %scan3A_175 = %scan3A_168 to %scan3A_170 step %scan3A_171 iter_args(%scan3A_176 = %scan3A_167) -> (i32)  : i32 {
                  %add3A_177 = arith.constant 32 : i32
                  %add3A_178 = arith.addi %scan3A_175, %add3A_177 : i32
                  %shift_right_logical3A_179 = arith.shrui %scan3A_175, %sub3A_164 : i32
                  %add3A_180 = arith.constant 1 : i32
                  %add3A_181 = arith.addi %sub3A_164, %add3A_180 : i32
                  %shift_left3A_182 = arith.shli %shift_right_logical3A_179, %add3A_181 : i32
                  %sub3A_183 = arith.constant 1 : i32
                  %sub3A_184 = arith.subi %shift_left3A_166, %sub3A_183 : i32
                  %and3A = arith.andi %scan3A_175, %sub3A_184 : i32
                  %or3A = arith.ori %shift_left3A_182, %and3A : i32
                  %add3A_185 = arith.addi %or3A, %shift_left3A_166 : i32
                  %mul3A_186 = arith.constant 16 : i32
                  %mul3A_187 = arith.muli %or3A, %mul3A_186 : i32
                  %get3A = arith.index_cast %mul3A_187 : i32 to index
                  %get3A_188 = tpu.vector_load %arg10[%get3A] {strides = array<i32>} : memref<2048xf32, #tpu.memory_space<vmem>>, vector<16xf32>,
                  %mul3A_189 = arith.constant 16 : i32
                  %mul3A_190 = arith.muli %add3A_185, %mul3A_189 : i32
                  %get3A_191 = arith.index_cast %mul3A_190 : i32 to index
                  %get3A_192 = tpu.vector_load %arg10[%get3A_191] {strides = array<i32>} : memref<2048xf32, #tpu.memory_space<vmem>>, vector<16xf32>,
                  %rev3A = arith.constant 15 : i32
                  %rev3A_193 = vector.broadcast %rev3A : i32 to vector<16xi32>
                  %rev3A_194 = tpu.iota {dimensions = array<i32: 0>} : vector<16xi32>
                  %rev3A_195 = arith.subi %rev3A_193, %rev3A_194 : vector<16xi32>
                  %rev3A_196 = tpu.dynamic_gather %get3A_192[%rev3A_195] in [0] : vector<16xf32>, vector<16xi32> -> vector<16xf32>
                  %min3A = arith.minimumf %get3A_188, %rev3A_196 : vector<16xf32>
                  %max3A = arith.maximumf %get3A_188, %rev3A_196 : vector<16xf32>
                  %sort3A = arith.constant dense<true> : vector<16xi1>
                  %sort3A_197, %sort3A_198, %sort3A_199 = tpu.sort %min3A, %min3A masked %sort3A : (vector<16xf32>, vector<16xf32>, vector<16xi1>) -> (vector<16xi1>, vector<16xf32>, vector<16xf32>)
                  %mul3A_200 = arith.constant 16 : i32
                  %mul3A_201 = arith.muli %or3A, %mul3A_200 : i32
                  %swap3A = arith.index_cast %mul3A_201 : i32 to index
                  %swap3A_202 = tpu.vector_load %arg10[%swap3A] {strides = array<i32>} : memref<2048xf32, #tpu.memory_space<vmem>>, vector<16xf32>,
                  tpu.vector_store %arg10[%swap3A], %sort3A_198 {strides = array<i32>} : memref<2048xf32, #tpu.memory_space<vmem>>, vector<16xf32>,
                  %sort3A_203 = arith.constant dense<true> : vector<16xi1>
                  %sort3A_204, %sort3A_205, %sort3A_206 = tpu.sort %max3A, %max3A masked %sort3A_203 : (vector<16xf32>, vector<16xf32>, vector<16xi1>) -> (vector<16xi1>, vector<16xf32>, vector<16xf32>)
                  %mul3A_207 = arith.constant 16 : i32
                  %mul3A_208 = arith.muli %add3A_185, %mul3A_207 : i32
                  %swap3A_209 = arith.index_cast %mul3A_208 : i32 to index
                  %swap3A_210 = tpu.vector_load %arg10[%swap3A_209] {strides = array<i32>} : memref<2048xf32, #tpu.memory_space<vmem>>, vector<16xf32>,
                  tpu.vector_store %arg10[%swap3A_209], %sort3A_205 {strides = array<i32>} : memref<2048xf32, #tpu.memory_space<vmem>>, vector<16xf32>,
                  %shift_right_logical3A_211 = arith.shrui %add3A_178, %sub3A_164 : i32
                  %add3A_212 = arith.constant 1 : i32
                  %add3A_213 = arith.addi %sub3A_164, %add3A_212 : i32
                  %shift_left3A_214 = arith.shli %shift_right_logical3A_211, %add3A_213 : i32
                  %sub3A_215 = arith.constant 1 : i32
                  %sub3A_216 = arith.subi %shift_left3A_166, %sub3A_215 : i32
                  %and3A_217 = arith.andi %add3A_178, %sub3A_216 : i32
                  %or3A_218 = arith.ori %shift_left3A_214, %and3A_217 : i32
                  %add3A_219 = arith.addi %or3A_218, %shift_left3A_166 : i32
                  %mul3A_220 = arith.constant 16 : i32
                  %mul3A_221 = arith.muli %or3A_218, %mul3A_220 : i32
                  %get3A_222 = arith.index_cast %mul3A_221 : i32 to index
                  %get3A_223 = tpu.vector_load %arg10[%get3A_222] {strides = array<i32>} : memref<2048xf32, #tpu.memory_space<vmem>>, vector<16xf32>,
                  %mul3A_224 = arith.constant 16 : i32
                  %mul3A_225 = arith.muli %add3A_219, %mul3A_224 : i32
                  %get3A_226 = arith.index_cast %mul3A_225 : i32 to index
                  %get3A_227 = tpu.vector_load %arg10[%get3A_226] {strides = array<i32>} : memref<2048xf32, #tpu.memory_space<vmem>>, vector<16xf32>,
                  %rev3A_228 = arith.constant 15 : i32
                  %rev3A_229 = vector.broadcast %rev3A_228 : i32 to vector<16xi32>
                  %rev3A_230 = tpu.iota {dimensions = array<i32: 0>} : vector<16xi32>
                  %rev3A_231 = arith.subi %rev3A_229, %rev3A_230 : vector<16xi32>
                  %rev3A_232 = tpu.dynamic_gather %get3A_227[%rev3A_231] in [0] : vector<16xf32>, vector<16xi32> -> vector<16xf32>
                  %min3A_233 = arith.minimumf %get3A_223, %rev3A_232 : vector<16xf32>
                  %max3A_234 = arith.maximumf %get3A_223, %rev3A_232 : vector<16xf32>
                  %sort3A_235 = arith.constant dense<true> : vector<16xi1>
                  %sort3A_236, %sort3A_237, %sort3A_238 = tpu.sort %min3A_233, %min3A_233 masked %sort3A_235 : (vector<16xf32>, vector<16xf32>, vector<16xi1>) -> (vector<16xi1>, vector<16xf32>, vector<16xf32>)
                  %mul3A_239 = arith.constant 16 : i32
                  %mul3A_240 = arith.muli %or3A_218, %mul3A_239 : i32
                  %swap3A_241 = arith.index_cast %mul3A_240 : i32 to index
                  %swap3A_242 = tpu.vector_load %arg10[%swap3A_241] {strides = array<i32>} : memref<2048xf32, #tpu.memory_space<vmem>>, vector<16xf32>,
                  tpu.vector_store %arg10[%swap3A_241], %sort3A_237 {strides = array<i32>} : memref<2048xf32, #tpu.memory_space<vmem>>, vector<16xf32>,
                  %sort3A_243 = arith.constant dense<true> : vector<16xi1>
                  %sort3A_244, %sort3A_245, %sort3A_246 = tpu.sort %max3A_234, %max3A_234 masked %sort3A_243 : (vector<16xf32>, vector<16xf32>, vector<16xi1>) -> (vector<16xi1>, vector<16xf32>, vector<16xf32>)
                  %mul3A_247 = arith.constant 16 : i32
                  %mul3A_248 = arith.muli %add3A_219, %mul3A_247 : i32
                  %swap3A_249 = arith.index_cast %mul3A_248 : i32 to index
                  %swap3A_250 = tpu.vector_load %arg10[%swap3A_249] {strides = array<i32>} : memref<2048xf32, #tpu.memory_space<vmem>>, vector<16xf32>,
                  tpu.vector_store %arg10[%swap3A_249], %sort3A_245 {strides = array<i32>} : memref<2048xf32, #tpu.memory_space<vmem>>, vector<16xf32>,
                  %scan3A_251 = arith.constant 0 : i32
                  scf.yield %scan3A_251 : i32
                }
                %scan3A_173 = arith.constant 32 : i32
                %while3A_174 = arith.constant 0 : i32
                scf.yield %while3A_174 : i32
              }
              %while3A_157 = arith.constant 1 : i32
              %while3A_158 = scf.for %while3A_160 = %while3A_154 to %while3A_150 step %while3A_157 iter_args(%while3A_161 = %while3A_156) -> (i32)  : i32 {
                %sub3A_162 = arith.constant 1 : i32
                %sub3A_163 = arith.subi %while3A_136, %sub3A_162 : i32
                %sub3A_164 = arith.subi %sub3A_163, %while3A_160 : i32
                %shift_left3A_165 = arith.constant 1 : i32
                %shift_left3A_166 = arith.shli %shift_left3A_165, %sub3A_164 : i32
                %scan3A_167 = arith.constant 0 : i32
                %scan3A_168 = arith.constant 0 : i32
                %scan3A_169 = arith.constant 32 : i32
                %scan3A_170 = arith.addi %scan3A_168, %scan3A_169 : i32
                %scan3A_171 = arith.constant 1 : i32
                %scan3A_172 = scf.for %scan3A_175 = %scan3A_168 to %scan3A_170 step %scan3A_171 iter_args(%scan3A_176 = %scan3A_167) -> (i32)  : i32 {
                  %add3A_177 = arith.constant 32 : i32
                  %add3A_178 = arith.addi %scan3A_175, %add3A_177 : i32
                  %shift_right_logical3A_179 = arith.shrui %scan3A_175, %sub3A_164 : i32
                  %add3A_180 = arith.constant 1 : i32
                  %add3A_181 = arith.addi %sub3A_164, %add3A_180 : i32
                  %shift_left3A_182 = arith.shli %shift_right_logical3A_179, %add3A_181 : i32
                  %sub3A_183 = arith.constant 1 : i32
                  %sub3A_184 = arith.subi %shift_left3A_166, %sub3A_183 : i32
                  %and3A = arith.andi %scan3A_175, %sub3A_184 : i32
                  %or3A = arith.ori %shift_left3A_182, %and3A : i32
                  %add3A_185 = arith.addi %or3A, %shift_left3A_166 : i32
                  %mul3A_186 = arith.constant 16 : i32
                  %mul3A_187 = arith.muli %or3A, %mul3A_186 : i32
                  %get3A = arith.index_cast %mul3A_187 : i32 to index
                  %get3A_188 = tpu.vector_load %arg10[%get3A] {strides = array<i32>} : memref<2048xf32, #tpu.memory_space<vmem>>, vector<16xf32>,
                  %mul3A_189 = arith.constant 16 : i32
                  %mul3A_190 = arith.muli %add3A_185, %mul3A_189 : i32
                  %get3A_191 = arith.index_cast %mul3A_190 : i32 to index
                  %get3A_192 = tpu.vector_load %arg10[%get3A_191] {strides = array<i32>} : memref<2048xf32, #tpu.memory_space<vmem>>, vector<16xf32>,
                  %rev3A = arith.constant 15 : i32
                  %rev3A_193 = vector.broadcast %rev3A : i32 to vector<16xi32>
                  %rev3A_194 = tpu.iota {dimensions = array<i32: 0>} : vector<16xi32>
                  %rev3A_195 = arith.subi %rev3A_193, %rev3A_194 : vector<16xi32>
                  %rev3A_196 = tpu.dynamic_gather %get3A_192[%rev3A_195] in [0] : vector<16xf32>, vector<16xi32> -> vector<16xf32>
                  %min3A = arith.minimumf %get3A_188, %rev3A_196 : vector<16xf32>
                  %max3A = arith.maximumf %get3A_188, %rev3A_196 : vector<16xf32>
                  %sort3A = arith.constant dense<true> : vector<16xi1>
                  %sort3A_197, %sort3A_198, %sort3A_199 = tpu.sort %min3A, %min3A masked %sort3A : (vector<16xf32>, vector<16xf32>, vector<16xi1>) -> (vector<16xi1>, vector<16xf32>, vector<16xf32>)
                  %mul3A_200 = arith.constant 16 : i32
                  %mul3A_201 = arith.muli %or3A, %mul3A_200 : i32
                  %swap3A = arith.index_cast %mul3A_201 : i32 to index
                  %swap3A_202 = tpu.vector_load %arg10[%swap3A] {strides = array<i32>} : memref<2048xf32, #tpu.memory_space<vmem>>, vector<16xf32>,
                  tpu.vector_store %arg10[%swap3A], %sort3A_198 {strides = array<i32>} : memref<2048xf32, #tpu.memory_space<vmem>>, vector<16xf32>,
                  %sort3A_203 = arith.constant dense<true> : vector<16xi1>
                  %sort3A_204, %sort3A_205, %sort3A_206 = tpu.sort %max3A, %max3A masked %sort3A_203 : (vector<16xf32>, vector<16xf32>, vector<16xi1>) -> (vector<16xi1>, vector<16xf32>, vector<16xf32>)
                  %mul3A_207 = arith.constant 16 : i32
                  %mul3A_208 = arith.muli %add3A_185, %mul3A_207 : i32
                  %swap3A_209 = arith.index_cast %mul3A_208 : i32 to index
                  %swap3A_210 = tpu.vector_load %arg10[%swap3A_209] {strides = array<i32>} : memref<2048xf32, #tpu.memory_space<vmem>>, vector<16xf32>,
                  tpu.vector_store %arg10[%swap3A_209], %sort3A_205 {strides = array<i32>} : memref<2048xf32, #tpu.memory_space<vmem>>, vector<16xf32>,
                  %shift_right_logical3A_211 = arith.shrui %add3A_178, %sub3A_164 : i32
                  %add3A_212 = arith.constant 1 : i32
                  %add3A_213 = arith.addi %sub3A_164, %add3A_212 : i32
                  %shift_left3A_214 = arith.shli %shift_right_logical3A_211, %add3A_213 : i32
                  %sub3A_215 = arith.constant 1 : i32
                  %sub3A_216 = arith.subi %shift_left3A_166, %sub3A_215 : i32
                  %and3A_217 = arith.andi %add3A_178, %sub3A_216 : i32
                  %or3A_218 = arith.ori %shift_left3A_214, %and3A_217 : i32
                  %add3A_219 = arith.addi %or3A_218, %shift_left3A_166 : i32
                  %mul3A_220 = arith.constant 16 : i32
                  %mul3A_221 = arith.muli %or3A_218, %mul3A_220 : i32
                  %get3A_222 = arith.index_cast %mul3A_221 : i32 to index
                  %get3A_223 = tpu.vector_load %arg10[%get3A_222] {strides = array<i32>} : memref<2048xf32, #tpu.memory_space<vmem>>, vector<16xf32>,
                  %mul3A_224 = arith.constant 16 : i32
                  %mul3A_225 = arith.muli %add3A_219, %mul3A_224 : i32
                  %get3A_226 = arith.index_cast %mul3A_225 : i32 to index
                  %get3A_227 = tpu.vector_load %arg10[%get3A_226] {strides = array<i32>} : memref<2048xf32, #tpu.memory_space<vmem>>, vector<16xf32>,
                  %rev3A_228 = arith.constant 15 : i32
                  %rev3A_229 = vector.broadcast %rev3A_228 : i32 to vector<16xi32>
                  %rev3A_230 = tpu.iota {dimensions = array<i32: 0>} : vector<16xi32>
                  %rev3A_231 = arith.subi %rev3A_229, %rev3A_230 : vector<16xi32>
                  %rev3A_232 = tpu.dynamic_gather %get3A_227[%rev3A_231] in [0] : vector<16xf32>, vector<16xi32> -> vector<16xf32>
                  %min3A_233 = arith.minimumf %get3A_223, %rev3A_232 : vector<16xf32>
                  %max3A_234 = arith.maximumf %get3A_223, %rev3A_232 : vector<16xf32>
                  %sort3A_235 = arith.constant dense<true> : vector<16xi1>
                  %sort3A_236, %sort3A_237, %sort3A_238 = tpu.sort %min3A_233, %min3A_233 masked %sort3A_235 : (vector<16xf32>, vector<16xf32>, vector<16xi1>) -> (vector<16xi1>, vector<16xf32>, vector<16xf32>)
                  %mul3A_239 = arith.constant 16 : i32
                  %mul3A_240 = arith.muli %or3A_218, %mul3A_239 : i32
                  %swap3A_241 = arith.index_cast %mul3A_240 : i32 to index
                  %swap3A_242 = tpu.vector_load %arg10[%swap3A_241] {strides = array<i32>} : memref<2048xf32, #tpu.memory_space<vmem>>, vector<16xf32>,
                  tpu.vector_store %arg10[%swap3A_241], %sort3A_237 {strides = array<i32>} : memref<2048xf32, #tpu.memory_space<vmem>>, vector<16xf32>,
                  %sort3A_243 = arith.constant dense<true> : vector<16xi1>
                  %sort3A_244, %sort3A_245, %sort3A_246 = tpu.sort %max3A_234, %max3A_234 masked %sort3A_243 : (vector<16xf32>, vector<16xf32>, vector<16xi1>) -> (vector<16xi1>, vector<16xf32>, vector<16xf32>)
                  %mul3A_247 = arith.constant 16 : i32
                  %mul3A_248 = arith.muli %add3A_219, %mul3A_247 : i32
                  %swap3A_249 = arith.index_cast %mul3A_248 : i32 to index
                  %swap3A_250 = tpu.vector_load %arg10[%swap3A_249] {strides = array<i32>} : memref<2048xf32, #tpu.memory_space<vmem>>, vector<16xf32>,
                  tpu.vector_store %arg10[%swap3A_249], %sort3A_245 {strides = array<i32>} : memref<2048xf32, #tpu.memory_space<vmem>>, vector<16xf32>,
                  %scan3A_251 = arith.constant 0 : i32
                  scf.yield %scan3A_251 : i32
                }
                %scan3A_173 = arith.constant 32 : i32
                %while3A_174 = arith.constant 0 : i32
                scf.yield %while3A_174 : i32
              }
              %while3A_159 = arith.constant 0 : i32
              scf.yield %while3A_159 : i32
            }
            %while3A_134 = arith.constant 1 : i32
            %while3A_135 = scf.for %while3A_136 = %while3A_131 to %while3A_127 step %while3A_134 iter_args(%while3A_137 = %while3A_133) -> (i32)  : i32 {
              %shift_left3A_138 = arith.constant 1 : i32
              %shift_left3A_139 = arith.shli %shift_left3A_138, %while3A_136 : i32
              %scan3A_140 = arith.constant 0 : i32
              %scan3A_141 = arith.constant 0 : i32
              %scan3A_142 = arith.constant 32 : i32
              %scan3A_143 = arith.addi %scan3A_141, %scan3A_142 : i32
              %scan3A_144 = arith.constant 1 : i32
              %scan3A_145 = scf.for %scan3A_160 = %scan3A_141 to %scan3A_143 step %scan3A_144 iter_args(%scan3A_161 = %scan3A_140) -> (i32)  : i32 {
                %add3A_162 = arith.constant 32 : i32
                %add3A_163 = arith.addi %scan3A_160, %add3A_162 : i32
                %shift_right_logical3A_164 = arith.shrui %scan3A_160, %while3A_136 : i32
                %sub3A_165 = arith.constant 1 : i32
                %sub3A_166 = arith.subi %shift_left3A_139, %sub3A_165 : i32
                %and3A = arith.andi %scan3A_160, %sub3A_166 : i32
                %mul3A_167 = arith.constant 2 : i32
                %mul3A_168 = arith.muli %shift_right_logical3A_164, %mul3A_167 : i32
                %mul3A_169 = arith.muli %mul3A_168, %shift_left3A_139 : i32
                %add3A_170 = arith.addi %mul3A_169, %and3A : i32
                %mul3A_171 = arith.constant 2 : i32
                %mul3A_172 = arith.muli %shift_right_logical3A_164, %mul3A_171 : i32
                %mul3A_173 = arith.muli %mul3A_172, %shift_left3A_139 : i32
                %mul3A_174 = arith.constant 2 : i32
                %mul3A_175 = arith.muli %mul3A_174, %shift_left3A_139 : i32
                %add3A_176 = arith.addi %mul3A_173, %mul3A_175 : i32
                %sub3A_177 = arith.constant 1 : i32
                %sub3A_178 = arith.subi %add3A_176, %sub3A_177 : i32
                %sub3A_179 = arith.subi %sub3A_178, %and3A : i32
                %mul3A_180 = arith.constant 16 : i32
                %mul3A_181 = arith.muli %add3A_170, %mul3A_180 : i32
                %get3A = arith.index_cast %mul3A_181 : i32 to index
                %get3A_182 = tpu.vector_load %arg10[%get3A] {strides = array<i32>} : memref<2048xf32, #tpu.memory_space<vmem>>, vector<16xf32>,
                %mul3A_183 = arith.constant 16 : i32
                %mul3A_184 = arith.muli %sub3A_179, %mul3A_183 : i32
                %get3A_185 = arith.index_cast %mul3A_184 : i32 to index
                %get3A_186 = tpu.vector_load %arg10[%get3A_185] {strides = array<i32>} : memref<2048xf32, #tpu.memory_space<vmem>>, vector<16xf32>,
                %rev3A = arith.constant 15 : i32
                %rev3A_187 = vector.broadcast %rev3A : i32 to vector<16xi32>
                %rev3A_188 = tpu.iota {dimensions = array<i32: 0>} : vector<16xi32>
                %rev3A_189 = arith.subi %rev3A_187, %rev3A_188 : vector<16xi32>
                %rev3A_190 = tpu.dynamic_gather %get3A_186[%rev3A_189] in [0] : vector<16xf32>, vector<16xi32> -> vector<16xf32>
                %min3A = arith.minimumf %get3A_182, %rev3A_190 : vector<16xf32>
                %max3A = arith.maximumf %get3A_182, %rev3A_190 : vector<16xf32>
                %sort3A = arith.constant dense<true> : vector<16xi1>
                %sort3A_191, %sort3A_192, %sort3A_193 = tpu.sort %min3A, %min3A masked %sort3A : (vector<16xf32>, vector<16xf32>, vector<16xi1>) -> (vector<16xi1>, vector<16xf32>, vector<16xf32>)
                %mul3A_194 = arith.constant 16 : i32
                %mul3A_195 = arith.muli %add3A_170, %mul3A_194 : i32
                %swap3A = arith.index_cast %mul3A_195 : i32 to index
                %swap3A_196 = tpu.vector_load %arg10[%swap3A] {strides = array<i32>} : memref<2048xf32, #tpu.memory_space<vmem>>, vector<16xf32>,
                tpu.vector_store %arg10[%swap3A], %sort3A_192 {strides = array<i32>} : memref<2048xf32, #tpu.memory_space<vmem>>, vector<16xf32>,
                %sort3A_197 = arith.constant dense<true> : vector<16xi1>
                %sort3A_198, %sort3A_199, %sort3A_200 = tpu.sort %max3A, %max3A masked %sort3A_197 : (vector<16xf32>, vector<16xf32>, vector<16xi1>) -> (vector<16xi1>, vector<16xf32>, vector<16xf32>)
                %mul3A_201 = arith.constant 16 : i32
                %mul3A_202 = arith.muli %sub3A_179, %mul3A_201 : i32
                %swap3A_203 = arith.index_cast %mul3A_202 : i32 to index
                %swap3A_204 = tpu.vector_load %arg10[%swap3A_203] {strides = array<i32>} : memref<2048xf32, #tpu.memory_space<vmem>>, vector<16xf32>,
                tpu.vector_store %arg10[%swap3A_203], %sort3A_199 {strides = array<i32>} : memref<2048xf32, #tpu.memory_space<vmem>>, vector<16xf32>,
                %shift_right_logical3A_205 = arith.shrui %add3A_163, %while3A_136 : i32
                %sub3A_206 = arith.constant 1 : i32
                %sub3A_207 = arith.subi %shift_left3A_139, %sub3A_206 : i32
                %and3A_208 = arith.andi %add3A_163, %sub3A_207 : i32
                %mul3A_209 = arith.constant 2 : i32
                %mul3A_210 = arith.muli %shift_right_logical3A_205, %mul3A_209 : i32
                %mul3A_211 = arith.muli %mul3A_210, %shift_left3A_139 : i32
                %add3A_212 = arith.addi %mul3A_211, %and3A_208 : i32
                %mul3A_213 = arith.constant 2 : i32
                %mul3A_214 = arith.muli %shift_right_logical3A_205, %mul3A_213 : i32
                %mul3A_215 = arith.muli %mul3A_214, %shift_left3A_139 : i32
                %mul3A_216 = arith.constant 2 : i32
                %mul3A_217 = arith.muli %mul3A_216, %shift_left3A_139 : i32
                %add3A_218 = arith.addi %mul3A_215, %mul3A_217 : i32
                %sub3A_219 = arith.constant 1 : i32
                %sub3A_220 = arith.subi %add3A_218, %sub3A_219 : i32
                %sub3A_221 = arith.subi %sub3A_220, %and3A_208 : i32
                %mul3A_222 = arith.constant 16 : i32
                %mul3A_223 = arith.muli %add3A_212, %mul3A_222 : i32
                %get3A_224 = arith.index_cast %mul3A_223 : i32 to index
                %get3A_225 = tpu.vector_load %arg10[%get3A_224] {strides = array<i32>} : memref<2048xf32, #tpu.memory_space<vmem>>, vector<16xf32>,
                %mul3A_226 = arith.constant 16 : i32
                %mul3A_227 = arith.muli %sub3A_221, %mul3A_226 : i32
                %get3A_228 = arith.index_cast %mul3A_227 : i32 to index
                %get3A_229 = tpu.vector_load %arg10[%get3A_228] {strides = array<i32>} : memref<2048xf32, #tpu.memory_space<vmem>>, vector<16xf32>,
                %rev3A_230 = arith.constant 15 : i32
                %rev3A_231 = vector.broadcast %rev3A_230 : i32 to vector<16xi32>
                %rev3A_232 = tpu.iota {dimensions = array<i32: 0>} : vector<16xi32>
                %rev3A_233 = arith.subi %rev3A_231, %rev3A_232 : vector<16xi32>
                %rev3A_234 = tpu.dynamic_gather %get3A_229[%rev3A_233] in [0] : vector<16xf32>, vector<16xi32> -> vector<16xf32>
                %min3A_235 = arith.minimumf %get3A_225, %rev3A_234 : vector<16xf32>
                %max3A_236 = arith.maximumf %get3A_225, %rev3A_234 : vector<16xf32>
                %sort3A_237 = arith.constant dense<true> : vector<16xi1>
                %sort3A_238, %sort3A_239, %sort3A_240 = tpu.sort %min3A_235, %min3A_235 masked %sort3A_237 : (vector<16xf32>, vector<16xf32>, vector<16xi1>) -> (vector<16xi1>, vector<16xf32>, vector<16xf32>)
                %mul3A_241 = arith.constant 16 : i32
                %mul3A_242 = arith.muli %add3A_212, %mul3A_241 : i32
                %swap3A_243 = arith.index_cast %mul3A_242 : i32 to index
                %swap3A_244 = tpu.vector_load %arg10[%swap3A_243] {strides = array<i32>} : memref<2048xf32, #tpu.memory_space<vmem>>, vector<16xf32>,
                tpu.vector_store %arg10[%swap3A_243], %sort3A_239 {strides = array<i32>} : memref<2048xf32, #tpu.memory_space<vmem>>, vector<16xf32>,
                %sort3A_245 = arith.constant dense<true> : vector<16xi1>
                %sort3A_246, %sort3A_247, %sort3A_248 = tpu.sort %max3A_236, %max3A_236 masked %sort3A_245 : (vector<16xf32>, vector<16xf32>, vector<16xi1>) -> (vector<16xi1>, vector<16xf32>, vector<16xf32>)
                %mul3A_249 = arith.constant 16 : i32
                %mul3A_250 = arith.muli %sub3A_221, %mul3A_249 : i32
                %swap3A_251 = arith.index_cast %mul3A_250 : i32 to index
                %swap3A_252 = tpu.vector_load %arg10[%swap3A_251] {strides = array<i32>} : memref<2048xf32, #tpu.memory_space<vmem>>, vector<16xf32>,
                tpu.vector_store %arg10[%swap3A_251], %sort3A_247 {strides = array<i32>} : memref<2048xf32, #tpu.memory_space<vmem>>, vector<16xf32>,
                %scan3A_253 = arith.constant 0 : i32
                scf.yield %scan3A_253 : i32
              }
              %scan3A_146 = arith.constant 32 : i32
              %while3A_147 = arith.constant 0 : i32
              %while3A_148 = arith.constant 0 : i32
              %while3A_149 = arith.subi %while3A_136, %while3A_147 : i32
              %while3A_150 = arith.addi %while3A_147, %while3A_149 : i32
              %while3A_151 = arith.constant 1 : i32
              %while3A_152 = arith.divsi %while3A_149, %while3A_151 : i32
              %while3A_153 = arith.muli %while3A_152, %while3A_151 : i32
              %while3A_154 = arith.addi %while3A_147, %while3A_153 : i32
              %while3A_155 = arith.constant 1 : i32
              %while3A_156 = scf.for %while3A_160 = %while3A_147 to %while3A_154 step %while3A_155 iter_args(%while3A_161 = %while3A_148) -> (i32)  : i32 {
                %sub3A_162 = arith.constant 1 : i32
                %sub3A_163 = arith.subi %while3A_136, %sub3A_162 : i32
                %sub3A_164 = arith.subi %sub3A_163, %while3A_160 : i32
                %shift_left3A_165 = arith.constant 1 : i32
                %shift_left3A_166 = arith.shli %shift_left3A_165, %sub3A_164 : i32
                %scan3A_167 = arith.constant 0 : i32
                %scan3A_168 = arith.constant 0 : i32
                %scan3A_169 = arith.constant 32 : i32
                %scan3A_170 = arith.addi %scan3A_168, %scan3A_169 : i32
                %scan3A_171 = arith.constant 1 : i32
                %scan3A_172 = scf.for %scan3A_175 = %scan3A_168 to %scan3A_170 step %scan3A_171 iter_args(%scan3A_176 = %scan3A_167) -> (i32)  : i32 {
                  %add3A_177 = arith.constant 32 : i32
                  %add3A_178 = arith.addi %scan3A_175, %add3A_177 : i32
                  %shift_right_logical3A_179 = arith.shrui %scan3A_175, %sub3A_164 : i32
                  %add3A_180 = arith.constant 1 : i32
                  %add3A_181 = arith.addi %sub3A_164, %add3A_180 : i32
                  %shift_left3A_182 = arith.shli %shift_right_logical3A_179, %add3A_181 : i32
                  %sub3A_183 = arith.constant 1 : i32
                  %sub3A_184 = arith.subi %shift_left3A_166, %sub3A_183 : i32
                  %and3A = arith.andi %scan3A_175, %sub3A_184 : i32
                  %or3A = arith.ori %shift_left3A_182, %and3A : i32
                  %add3A_185 = arith.addi %or3A, %shift_left3A_166 : i32
                  %mul3A_186 = arith.constant 16 : i32
                  %mul3A_187 = arith.muli %or3A, %mul3A_186 : i32
                  %get3A = arith.index_cast %mul3A_187 : i32 to index
                  %get3A_188 = tpu.vector_load %arg10[%get3A] {strides = array<i32>} : memref<2048xf32, #tpu.memory_space<vmem>>, vector<16xf32>,
                  %mul3A_189 = arith.constant 16 : i32
                  %mul3A_190 = arith.muli %add3A_185, %mul3A_189 : i32
                  %get3A_191 = arith.index_cast %mul3A_190 : i32 to index
                  %get3A_192 = tpu.vector_load %arg10[%get3A_191] {strides = array<i32>} : memref<2048xf32, #tpu.memory_space<vmem>>, vector<16xf32>,
                  %rev3A = arith.constant 15 : i32
                  %rev3A_193 = vector.broadcast %rev3A : i32 to vector<16xi32>
                  %rev3A_194 = tpu.iota {dimensions = array<i32: 0>} : vector<16xi32>
                  %rev3A_195 = arith.subi %rev3A_193, %rev3A_194 : vector<16xi32>
                  %rev3A_196 = tpu.dynamic_gather %get3A_192[%rev3A_195] in [0] : vector<16xf32>, vector<16xi32> -> vector<16xf32>
                  %min3A = arith.minimumf %get3A_188, %rev3A_196 : vector<16xf32>
                  %max3A = arith.maximumf %get3A_188, %rev3A_196 : vector<16xf32>
                  %sort3A = arith.constant dense<true> : vector<16xi1>
                  %sort3A_197, %sort3A_198, %sort3A_199 = tpu.sort %min3A, %min3A masked %sort3A : (vector<16xf32>, vector<16xf32>, vector<16xi1>) -> (vector<16xi1>, vector<16xf32>, vector<16xf32>)
                  %mul3A_200 = arith.constant 16 : i32
                  %mul3A_201 = arith.muli %or3A, %mul3A_200 : i32
                  %swap3A = arith.index_cast %mul3A_201 : i32 to index
                  %swap3A_202 = tpu.vector_load %arg10[%swap3A] {strides = array<i32>} : memref<2048xf32, #tpu.memory_space<vmem>>, vector<16xf32>,
                  tpu.vector_store %arg10[%swap3A], %sort3A_198 {strides = array<i32>} : memref<2048xf32, #tpu.memory_space<vmem>>, vector<16xf32>,
                  %sort3A_203 = arith.constant dense<true> : vector<16xi1>
                  %sort3A_204, %sort3A_205, %sort3A_206 = tpu.sort %max3A, %max3A masked %sort3A_203 : (vector<16xf32>, vector<16xf32>, vector<16xi1>) -> (vector<16xi1>, vector<16xf32>, vector<16xf32>)
                  %mul3A_207 = arith.constant 16 : i32
                  %mul3A_208 = arith.muli %add3A_185, %mul3A_207 : i32
                  %swap3A_209 = arith.index_cast %mul3A_208 : i32 to index
                  %swap3A_210 = tpu.vector_load %arg10[%swap3A_209] {strides = array<i32>} : memref<2048xf32, #tpu.memory_space<vmem>>, vector<16xf32>,
                  tpu.vector_store %arg10[%swap3A_209], %sort3A_205 {strides = array<i32>} : memref<2048xf32, #tpu.memory_space<vmem>>, vector<16xf32>,
                  %shift_right_logical3A_211 = arith.shrui %add3A_178, %sub3A_164 : i32
                  %add3A_212 = arith.constant 1 : i32
                  %add3A_213 = arith.addi %sub3A_164, %add3A_212 : i32
                  %shift_left3A_214 = arith.shli %shift_right_logical3A_211, %add3A_213 : i32
                  %sub3A_215 = arith.constant 1 : i32
                  %sub3A_216 = arith.subi %shift_left3A_166, %sub3A_215 : i32
                  %and3A_217 = arith.andi %add3A_178, %sub3A_216 : i32
                  %or3A_218 = arith.ori %shift_left3A_214, %and3A_217 : i32
                  %add3A_219 = arith.addi %or3A_218, %shift_left3A_166 : i32
                  %mul3A_220 = arith.constant 16 : i32
                  %mul3A_221 = arith.muli %or3A_218, %mul3A_220 : i32
                  %get3A_222 = arith.index_cast %mul3A_221 : i32 to index
                  %get3A_223 = tpu.vector_load %arg10[%get3A_222] {strides = array<i32>} : memref<2048xf32, #tpu.memory_space<vmem>>, vector<16xf32>,
                  %mul3A_224 = arith.constant 16 : i32
                  %mul3A_225 = arith.muli %add3A_219, %mul3A_224 : i32
                  %get3A_226 = arith.index_cast %mul3A_225 : i32 to index
                  %get3A_227 = tpu.vector_load %arg10[%get3A_226] {strides = array<i32>} : memref<2048xf32, #tpu.memory_space<vmem>>, vector<16xf32>,
                  %rev3A_228 = arith.constant 15 : i32
                  %rev3A_229 = vector.broadcast %rev3A_228 : i32 to vector<16xi32>
                  %rev3A_230 = tpu.iota {dimensions = array<i32: 0>} : vector<16xi32>
                  %rev3A_231 = arith.subi %rev3A_229, %rev3A_230 : vector<16xi32>
                  %rev3A_232 = tpu.dynamic_gather %get3A_227[%rev3A_231] in [0] : vector<16xf32>, vector<16xi32> -> vector<16xf32>
                  %min3A_233 = arith.minimumf %get3A_223, %rev3A_232 : vector<16xf32>
                  %max3A_234 = arith.maximumf %get3A_223, %rev3A_232 : vector<16xf32>
                  %sort3A_235 = arith.constant dense<true> : vector<16xi1>
                  %sort3A_236, %sort3A_237, %sort3A_238 = tpu.sort %min3A_233, %min3A_233 masked %sort3A_235 : (vector<16xf32>, vector<16xf32>, vector<16xi1>) -> (vector<16xi1>, vector<16xf32>, vector<16xf32>)
                  %mul3A_239 = arith.constant 16 : i32
                  %mul3A_240 = arith.muli %or3A_218, %mul3A_239 : i32
                  %swap3A_241 = arith.index_cast %mul3A_240 : i32 to index
                  %swap3A_242 = tpu.vector_load %arg10[%swap3A_241] {strides = array<i32>} : memref<2048xf32, #tpu.memory_space<vmem>>, vector<16xf32>,
                  tpu.vector_store %arg10[%swap3A_241], %sort3A_237 {strides = array<i32>} : memref<2048xf32, #tpu.memory_space<vmem>>, vector<16xf32>,
                  %sort3A_243 = arith.constant dense<true> : vector<16xi1>
                  %sort3A_244, %sort3A_245, %sort3A_246 = tpu.sort %max3A_234, %max3A_234 masked %sort3A_243 : (vector<16xf32>, vector<16xf32>, vector<16xi1>) -> (vector<16xi1>, vector<16xf32>, vector<16xf32>)
                  %mul3A_247 = arith.constant 16 : i32
                  %mul3A_248 = arith.muli %add3A_219, %mul3A_247 : i32
                  %swap3A_249 = arith.index_cast %mul3A_248 : i32 to index
                  %swap3A_250 = tpu.vector_load %arg10[%swap3A_249] {strides = array<i32>} : memref<2048xf32, #tpu.memory_space<vmem>>, vector<16xf32>,
                  tpu.vector_store %arg10[%swap3A_249], %sort3A_245 {strides = array<i32>} : memref<2048xf32, #tpu.memory_space<vmem>>, vector<16xf32>,
                  %scan3A_251 = arith.constant 0 : i32
                  scf.yield %scan3A_251 : i32
                }
                %scan3A_173 = arith.constant 32 : i32
                %while3A_174 = arith.constant 0 : i32
                scf.yield %while3A_174 : i32
              }
              %while3A_157 = arith.constant 1 : i32
              %while3A_158 = scf.for %while3A_160 = %while3A_154 to %while3A_150 step %while3A_157 iter_args(%while3A_161 = %while3A_156) -> (i32)  : i32 {
                %sub3A_162 = arith.constant 1 : i32
                %sub3A_163 = arith.subi %while3A_136, %sub3A_162 : i32
                %sub3A_164 = arith.subi %sub3A_163, %while3A_160 : i32
                %shift_left3A_165 = arith.constant 1 : i32
                %shift_left3A_166 = arith.shli %shift_left3A_165, %sub3A_164 : i32
                %scan3A_167 = arith.constant 0 : i32
                %scan3A_168 = arith.constant 0 : i32
                %scan3A_169 = arith.constant 32 : i32
                %scan3A_170 = arith.addi %scan3A_168, %scan3A_169 : i32
                %scan3A_171 = arith.constant 1 : i32
                %scan3A_172 = scf.for %scan3A_175 = %scan3A_168 to %scan3A_170 step %scan3A_171 iter_args(%scan3A_176 = %scan3A_167) -> (i32)  : i32 {
                  %add3A_177 = arith.constant 32 : i32
                  %add3A_178 = arith.addi %scan3A_175, %add3A_177 : i32
                  %shift_right_logical3A_179 = arith.shrui %scan3A_175, %sub3A_164 : i32
                  %add3A_180 = arith.constant 1 : i32
                  %add3A_181 = arith.addi %sub3A_164, %add3A_180 : i32
                  %shift_left3A_182 = arith.shli %shift_right_logical3A_179, %add3A_181 : i32
                  %sub3A_183 = arith.constant 1 : i32
                  %sub3A_184 = arith.subi %shift_left3A_166, %sub3A_183 : i32
                  %and3A = arith.andi %scan3A_175, %sub3A_184 : i32
                  %or3A = arith.ori %shift_left3A_182, %and3A : i32
                  %add3A_185 = arith.addi %or3A, %shift_left3A_166 : i32
                  %mul3A_186 = arith.constant 16 : i32
                  %mul3A_187 = arith.muli %or3A, %mul3A_186 : i32
                  %get3A = arith.index_cast %mul3A_187 : i32 to index
                  %get3A_188 = tpu.vector_load %arg10[%get3A] {strides = array<i32>} : memref<2048xf32, #tpu.memory_space<vmem>>, vector<16xf32>,
                  %mul3A_189 = arith.constant 16 : i32
                  %mul3A_190 = arith.muli %add3A_185, %mul3A_189 : i32
                  %get3A_191 = arith.index_cast %mul3A_190 : i32 to index
                  %get3A_192 = tpu.vector_load %arg10[%get3A_191] {strides = array<i32>} : memref<2048xf32, #tpu.memory_space<vmem>>, vector<16xf32>,
                  %rev3A = arith.constant 15 : i32
                  %rev3A_193 = vector.broadcast %rev3A : i32 to vector<16xi32>
                  %rev3A_194 = tpu.iota {dimensions = array<i32: 0>} : vector<16xi32>
                  %rev3A_195 = arith.subi %rev3A_193, %rev3A_194 : vector<16xi32>
                  %rev3A_196 = tpu.dynamic_gather %get3A_192[%rev3A_195] in [0] : vector<16xf32>, vector<16xi32> -> vector<16xf32>
                  %min3A = arith.minimumf %get3A_188, %rev3A_196 : vector<16xf32>
                  %max3A = arith.maximumf %get3A_188, %rev3A_196 : vector<16xf32>
                  %sort3A = arith.constant dense<true> : vector<16xi1>
                  %sort3A_197, %sort3A_198, %sort3A_199 = tpu.sort %min3A, %min3A masked %sort3A : (vector<16xf32>, vector<16xf32>, vector<16xi1>) -> (vector<16xi1>, vector<16xf32>, vector<16xf32>)
                  %mul3A_200 = arith.constant 16 : i32
                  %mul3A_201 = arith.muli %or3A, %mul3A_200 : i32
                  %swap3A = arith.index_cast %mul3A_201 : i32 to index
                  %swap3A_202 = tpu.vector_load %arg10[%swap3A] {strides = array<i32>} : memref<2048xf32, #tpu.memory_space<vmem>>, vector<16xf32>,
                  tpu.vector_store %arg10[%swap3A], %sort3A_198 {strides = array<i32>} : memref<2048xf32, #tpu.memory_space<vmem>>, vector<16xf32>,
                  %sort3A_203 = arith.constant dense<true> : vector<16xi1>
                  %sort3A_204, %sort3A_205, %sort3A_206 = tpu.sort %max3A, %max3A masked %sort3A_203 : (vector<16xf32>, vector<16xf32>, vector<16xi1>) -> (vector<16xi1>, vector<16xf32>, vector<16xf32>)
                  %mul3A_207 = arith.constant 16 : i32
                  %mul3A_208 = arith.muli %add3A_185, %mul3A_207 : i32
                  %swap3A_209 = arith.index_cast %mul3A_208 : i32 to index
                  %swap3A_210 = tpu.vector_load %arg10[%swap3A_209] {strides = array<i32>} : memref<2048xf32, #tpu.memory_space<vmem>>, vector<16xf32>,
                  tpu.vector_store %arg10[%swap3A_209], %sort3A_205 {strides = array<i32>} : memref<2048xf32, #tpu.memory_space<vmem>>, vector<16xf32>,
                  %shift_right_logical3A_211 = arith.shrui %add3A_178, %sub3A_164 : i32
                  %add3A_212 = arith.constant 1 : i32
                  %add3A_213 = arith.addi %sub3A_164, %add3A_212 : i32
                  %shift_left3A_214 = arith.shli %shift_right_logical3A_211, %add3A_213 : i32
                  %sub3A_215 = arith.constant 1 : i32
                  %sub3A_216 = arith.subi %shift_left3A_166, %sub3A_215 : i32
                  %and3A_217 = arith.andi %add3A_178, %sub3A_216 : i32
                  %or3A_218 = arith.ori %shift_left3A_214, %and3A_217 : i32
                  %add3A_219 = arith.addi %or3A_218, %shift_left3A_166 : i32
                  %mul3A_220 = arith.constant 16 : i32
                  %mul3A_221 = arith.muli %or3A_218, %mul3A_220 : i32
                  %get3A_222 = arith.index_cast %mul3A_221 : i32 to index
                  %get3A_223 = tpu.vector_load %arg10[%get3A_222] {strides = array<i32>} : memref<2048xf32, #tpu.memory_space<vmem>>, vector<16xf32>,
                  %mul3A_224 = arith.constant 16 : i32
                  %mul3A_225 = arith.muli %add3A_219, %mul3A_224 : i32
                  %get3A_226 = arith.index_cast %mul3A_225 : i32 to index
                  %get3A_227 = tpu.vector_load %arg10[%get3A_226] {strides = array<i32>} : memref<2048xf32, #tpu.memory_space<vmem>>, vector<16xf32>,
                  %rev3A_228 = arith.constant 15 : i32
                  %rev3A_229 = vector.broadcast %rev3A_228 : i32 to vector<16xi32>
                  %rev3A_230 = tpu.iota {dimensions = array<i32: 0>} : vector<16xi32>
                  %rev3A_231 = arith.subi %rev3A_229, %rev3A_230 : vector<16xi32>
                  %rev3A_232 = tpu.dynamic_gather %get3A_227[%rev3A_231] in [0] : vector<16xf32>, vector<16xi32> -> vector<16xf32>
                  %min3A_233 = arith.minimumf %get3A_223, %rev3A_232 : vector<16xf32>
                  %max3A_234 = arith.maximumf %get3A_223, %rev3A_232 : vector<16xf32>
                  %sort3A_235 = arith.constant dense<true> : vector<16xi1>
                  %sort3A_236, %sort3A_237, %sort3A_238 = tpu.sort %min3A_233, %min3A_233 masked %sort3A_235 : (vector<16xf32>, vector<16xf32>, vector<16xi1>) -> (vector<16xi1>, vector<16xf32>, vector<16xf32>)
                  %mul3A_239 = arith.constant 16 : i32
                  %mul3A_240 = arith.muli %or3A_218, %mul3A_239 : i32
                  %swap3A_241 = arith.index_cast %mul3A_240 : i32 to index
                  %swap3A_242 = tpu.vector_load %arg10[%swap3A_241] {strides = array<i32>} : memref<2048xf32, #tpu.memory_space<vmem>>, vector<16xf32>,
                  tpu.vector_store %arg10[%swap3A_241], %sort3A_237 {strides = array<i32>} : memref<2048xf32, #tpu.memory_space<vmem>>, vector<16xf32>,
                  %sort3A_243 = arith.constant dense<true> : vector<16xi1>
                  %sort3A_244, %sort3A_245, %sort3A_246 = tpu.sort %max3A_234, %max3A_234 masked %sort3A_243 : (vector<16xf32>, vector<16xf32>, vector<16xi1>) -> (vector<16xi1>, vector<16xf32>, vector<16xf32>)
                  %mul3A_247 = arith.constant 16 : i32
                  %mul3A_248 = arith.muli %add3A_219, %mul3A_247 : i32
                  %swap3A_249 = arith.index_cast %mul3A_248 : i32 to index
                  %swap3A_250 = tpu.vector_load %arg10[%swap3A_249] {strides = array<i32>} : memref<2048xf32, #tpu.memory_space<vmem>>, vector<16xf32>,
                  tpu.vector_store %arg10[%swap3A_249], %sort3A_245 {strides = array<i32>} : memref<2048xf32, #tpu.memory_space<vmem>>, vector<16xf32>,
                  %scan3A_251 = arith.constant 0 : i32
                  scf.yield %scan3A_251 : i32
                }
                %scan3A_173 = arith.constant 32 : i32
                %while3A_174 = arith.constant 0 : i32
                scf.yield %while3A_174 : i32
              }
              %while3A_159 = arith.constant 0 : i32
              scf.yield %while3A_159 : i32
            }
          } else {
          }
          %lt3A_110 = arith.constant 4 : i32
          %lt3A_111 = arith.cmpi slt, %sub3A_48, %lt3A_110 : i32
          %convert_element_type3A_112 = arith.extui %lt3A_111 : i1 to i32
          %cond3A_113 = arith.constant 0 : i32
          %cond3A_114 = arith.cmpi ne, %convert_element_type3A_112, %cond3A_113 : i32
          scf.if %cond3A_114 {
            %scan3A_115 = arith.constant 0 : i32
            %scan3A_116 = arith.constant 0 : i32
            %scan3A_117 = arith.constant 128 : i32
            %scan3A_118 = arith.addi %scan3A_116, %scan3A_117 : i32
            %scan3A_119 = arith.constant 1 : i32
            %scan3A_120 = scf.for %scan3A_122 = %scan3A_116 to %scan3A_118 step %scan3A_119 iter_args(%scan3A_123 = %scan3A_115) -> (i32)  : i32 {
              %mul3A_124 = arith.constant 16 : i32
              %mul3A_125 = arith.muli %scan3A_122, %mul3A_124 : i32
              %add3A_126 = arith.constant 1 : i32
              %add3A_127 = arith.addi %sub3A_48, %add3A_126 : i32
              %get3A = arith.index_cast %mul3A_125 : i32 to index
              %get3A_128 = tpu.vector_load %arg8[%get3A] {strides = array<i32>} : memref<2048xf32, #tpu.memory_space<vmem>>, vector<16xf32>,
              %while3A_129 = arith.constant 1 : i32
              %while3A_130 = arith.subi %add3A_127, %while3A_129 : i32
              %while3A_131 = arith.addi %while3A_129, %while3A_130 : i32
              %while3A_132 = arith.constant 1 : i32
              %while3A_133 = arith.divsi %while3A_130, %while3A_132 : i32
              %while3A_134 = arith.muli %while3A_133, %while3A_132 : i32
              %while3A_135 = arith.addi %while3A_129, %while3A_134 : i32
              %while3A_136 = arith.constant 1 : i32
              %while3A_137 = scf.for %while3A_146 = %while3A_129 to %while3A_135 step %while3A_136 iter_args(%while3A_147 = %get3A_128) -> (vector<16xf32>)  : i32 {
                %shift_left3A_148 = arith.constant 1 : i32
                %shift_left3A_149 = arith.shli %shift_left3A_148, %while3A_146 : i32
                %while3A_150 = arith.constant 0 : i32
                %while3A_151 = arith.subi %while3A_146, %while3A_150 : i32
                %while3A_152 = arith.addi %while3A_150, %while3A_151 : i32
                %while3A_153 = arith.constant 1 : i32
                %while3A_154 = arith.divsi %while3A_151, %while3A_153 : i32
                %while3A_155 = arith.muli %while3A_154, %while3A_153 : i32
                %while3A_156 = arith.addi %while3A_150, %while3A_155 : i32
                %while3A_157 = arith.constant 1 : i32
                %while3A_158 = scf.for %while3A_161 = %while3A_150 to %while3A_156 step %while3A_157 iter_args(%while3A_162 = %while3A_147) -> (vector<16xf32>)  : i32 {
                  %sub3A_163 = arith.constant 1 : i32
                  %sub3A_164 = arith.subi %while3A_146, %sub3A_163 : i32
                  %sub3A_165 = arith.subi %sub3A_164, %while3A_161 : i32
                  %shift_left3A_166 = arith.constant 1 : i32
                  %shift_left3A_167 = arith.shli %shift_left3A_166, %sub3A_165 : i32
                  %swap3A_168 = arith.index_cast %mul3A_125 : i32 to index
                  %swap3A_169 = tpu.vector_load %arg9[%swap3A_168] {strides = array<i32>} : memref<2048xf32, #tpu.memory_space<vmem>>, vector<16xf32>,
                  tpu.vector_store %arg9[%swap3A_168], %while3A_162 {strides = array<i32>} : memref<2048xf32, #tpu.memory_space<vmem>>, vector<16xf32>,
                  %xor3A = vector.broadcast %shift_left3A_167 : i32 to vector<16xi32>
                  %xor3A_170 = arith.xori %iota3A, %xor3A : vector<16xi32>
                  %add3A_171 = vector.broadcast %mul3A_125 : i32 to vector<16xi32>
                  %add3A_172 = arith.addi %add3A_171, %xor3A_170 : vector<16xi32>
                  %gather3A = tpu.vector_load_idx %arg9[%add3A_172] : memref<2048xf32, #tpu.memory_space<vmem>>[vector<16xi32>], vector<16xf32>,
                  %and3A = vector.broadcast %shift_left3A_167 : i32 to vector<16xi32>
                  %and3A_173 = arith.andi %iota3A, %and3A : vector<16xi32>
                  %eq3A = arith.constant 0 : i32
                  %eq3A_174 = vector.broadcast %eq3A : i32 to vector<16xi32>
                  %eq3A_175 = arith.cmpi eq, %and3A_173, %eq3A_174 : vector<16xi32>
                  %and3A_176 = vector.broadcast %shift_left3A_149 : i32 to vector<16xi32>
                  %and3A_177 = arith.andi %iota3A, %and3A_176 : vector<16xi32>
                  %eq3A_178 = arith.constant 0 : i32
                  %eq3A_179 = vector.broadcast %eq3A_178 : i32 to vector<16xi32>
                  %eq3A_180 = arith.cmpi eq, %and3A_177, %eq3A_179 : vector<16xi32>
                  %eq3A_181 = arith.cmpi eq, %shift_left3A_149, %shift_left3A_105 : i32
                  %or3A = vector.broadcast %eq3A_181 : i1 to vector<16xi1>
                  %or3A_182 = arith.ori %eq3A_180, %or3A : vector<16xi1>
                  %eq3A_183 = arith.xori %eq3A_175, %or3A_182 : vector<16xi1>
                  %eq3A_184 = arith.constant dense<true> : vector<16xi1>
                  %eq3A_185 = arith.xori %eq3A_183, %eq3A_184 : vector<16xi1>
                  %min3A = arith.minimumf %while3A_162, %gather3A : vector<16xf32>
                  %max3A = arith.maximumf %while3A_162, %gather3A : vector<16xf32>
                  %select_n3A_186 = arith.select %eq3A_185, %min3A, %max3A : vector<16xi1>, vector<16xf32>
                  scf.yield %select_n3A_186 : vector<16xf32>
                }
                %while3A_159 = arith.constant 1 : i32
                %while3A_160 = scf.for %while3A_161 = %while3A_156 to %while3A_152 step %while3A_159 iter_args(%while3A_162 = %while3A_158) -> (vector<16xf32>)  : i32 {
                  %sub3A_163 = arith.constant 1 : i32
                  %sub3A_164 = arith.subi %while3A_146, %sub3A_163 : i32
                  %sub3A_165 = arith.subi %sub3A_164, %while3A_161 : i32
                  %shift_left3A_166 = arith.constant 1 : i32
                  %shift_left3A_167 = arith.shli %shift_left3A_166, %sub3A_165 : i32
                  %swap3A_168 = arith.index_cast %mul3A_125 : i32 to index
                  %swap3A_169 = tpu.vector_load %arg9[%swap3A_168] {strides = array<i32>} : memref<2048xf32, #tpu.memory_space<vmem>>, vector<16xf32>,
                  tpu.vector_store %arg9[%swap3A_168], %while3A_162 {strides = array<i32>} : memref<2048xf32, #tpu.memory_space<vmem>>, vector<16xf32>,
                  %xor3A = vector.broadcast %shift_left3A_167 : i32 to vector<16xi32>
                  %xor3A_170 = arith.xori %iota3A, %xor3A : vector<16xi32>
                  %add3A_171 = vector.broadcast %mul3A_125 : i32 to vector<16xi32>
                  %add3A_172 = arith.addi %add3A_171, %xor3A_170 : vector<16xi32>
                  %gather3A = tpu.vector_load_idx %arg9[%add3A_172] : memref<2048xf32, #tpu.memory_space<vmem>>[vector<16xi32>], vector<16xf32>,
                  %and3A = vector.broadcast %shift_left3A_167 : i32 to vector<16xi32>
                  %and3A_173 = arith.andi %iota3A, %and3A : vector<16xi32>
                  %eq3A = arith.constant 0 : i32
                  %eq3A_174 = vector.broadcast %eq3A : i32 to vector<16xi32>
                  %eq3A_175 = arith.cmpi eq, %and3A_173, %eq3A_174 : vector<16xi32>
                  %and3A_176 = vector.broadcast %shift_left3A_149 : i32 to vector<16xi32>
                  %and3A_177 = arith.andi %iota3A, %and3A_176 : vector<16xi32>
                  %eq3A_178 = arith.constant 0 : i32
                  %eq3A_179 = vector.broadcast %eq3A_178 : i32 to vector<16xi32>
                  %eq3A_180 = arith.cmpi eq, %and3A_177, %eq3A_179 : vector<16xi32>
                  %eq3A_181 = arith.cmpi eq, %shift_left3A_149, %shift_left3A_105 : i32
                  %or3A = vector.broadcast %eq3A_181 : i1 to vector<16xi1>
                  %or3A_182 = arith.ori %eq3A_180, %or3A : vector<16xi1>
                  %eq3A_183 = arith.xori %eq3A_175, %or3A_182 : vector<16xi1>
                  %eq3A_184 = arith.constant dense<true> : vector<16xi1>
                  %eq3A_185 = arith.xori %eq3A_183, %eq3A_184 : vector<16xi1>
                  %min3A = arith.minimumf %while3A_162, %gather3A : vector<16xf32>
                  %max3A = arith.maximumf %while3A_162, %gather3A : vector<16xf32>
                  %select_n3A_186 = arith.select %eq3A_185, %min3A, %max3A : vector<16xi1>, vector<16xf32>
                  scf.yield %select_n3A_186 : vector<16xf32>
                }
                scf.yield %while3A_160 : vector<16xf32>
              }
              %while3A_138 = arith.constant 1 : i32
              %while3A_139 = scf.for %while3A_146 = %while3A_135 to %while3A_131 step %while3A_138 iter_args(%while3A_147 = %while3A_137) -> (vector<16xf32>)  : i32 {
                %shift_left3A_148 = arith.constant 1 : i32
                %shift_left3A_149 = arith.shli %shift_left3A_148, %while3A_146 : i32
                %while3A_150 = arith.constant 0 : i32
                %while3A_151 = arith.subi %while3A_146, %while3A_150 : i32
                %while3A_152 = arith.addi %while3A_150, %while3A_151 : i32
                %while3A_153 = arith.constant 1 : i32
                %while3A_154 = arith.divsi %while3A_151, %while3A_153 : i32
                %while3A_155 = arith.muli %while3A_154, %while3A_153 : i32
                %while3A_156 = arith.addi %while3A_150, %while3A_155 : i32
                %while3A_157 = arith.constant 1 : i32
                %while3A_158 = scf.for %while3A_161 = %while3A_150 to %while3A_156 step %while3A_157 iter_args(%while3A_162 = %while3A_147) -> (vector<16xf32>)  : i32 {
                  %sub3A_163 = arith.constant 1 : i32
                  %sub3A_164 = arith.subi %while3A_146, %sub3A_163 : i32
                  %sub3A_165 = arith.subi %sub3A_164, %while3A_161 : i32
                  %shift_left3A_166 = arith.constant 1 : i32
                  %shift_left3A_167 = arith.shli %shift_left3A_166, %sub3A_165 : i32
                  %swap3A_168 = arith.index_cast %mul3A_125 : i32 to index
                  %swap3A_169 = tpu.vector_load %arg9[%swap3A_168] {strides = array<i32>} : memref<2048xf32, #tpu.memory_space<vmem>>, vector<16xf32>,
                  tpu.vector_store %arg9[%swap3A_168], %while3A_162 {strides = array<i32>} : memref<2048xf32, #tpu.memory_space<vmem>>, vector<16xf32>,
                  %xor3A = vector.broadcast %shift_left3A_167 : i32 to vector<16xi32>
                  %xor3A_170 = arith.xori %iota3A, %xor3A : vector<16xi32>
                  %add3A_171 = vector.broadcast %mul3A_125 : i32 to vector<16xi32>
                  %add3A_172 = arith.addi %add3A_171, %xor3A_170 : vector<16xi32>
                  %gather3A = tpu.vector_load_idx %arg9[%add3A_172] : memref<2048xf32, #tpu.memory_space<vmem>>[vector<16xi32>], vector<16xf32>,
                  %and3A = vector.broadcast %shift_left3A_167 : i32 to vector<16xi32>
                  %and3A_173 = arith.andi %iota3A, %and3A : vector<16xi32>
                  %eq3A = arith.constant 0 : i32
                  %eq3A_174 = vector.broadcast %eq3A : i32 to vector<16xi32>
                  %eq3A_175 = arith.cmpi eq, %and3A_173, %eq3A_174 : vector<16xi32>
                  %and3A_176 = vector.broadcast %shift_left3A_149 : i32 to vector<16xi32>
                  %and3A_177 = arith.andi %iota3A, %and3A_176 : vector<16xi32>
                  %eq3A_178 = arith.constant 0 : i32
                  %eq3A_179 = vector.broadcast %eq3A_178 : i32 to vector<16xi32>
                  %eq3A_180 = arith.cmpi eq, %and3A_177, %eq3A_179 : vector<16xi32>
                  %eq3A_181 = arith.cmpi eq, %shift_left3A_149, %shift_left3A_105 : i32
                  %or3A = vector.broadcast %eq3A_181 : i1 to vector<16xi1>
                  %or3A_182 = arith.ori %eq3A_180, %or3A : vector<16xi1>
                  %eq3A_183 = arith.xori %eq3A_175, %or3A_182 : vector<16xi1>
                  %eq3A_184 = arith.constant dense<true> : vector<16xi1>
                  %eq3A_185 = arith.xori %eq3A_183, %eq3A_184 : vector<16xi1>
                  %min3A = arith.minimumf %while3A_162, %gather3A : vector<16xf32>
                  %max3A = arith.maximumf %while3A_162, %gather3A : vector<16xf32>
                  %select_n3A_186 = arith.select %eq3A_185, %min3A, %max3A : vector<16xi1>, vector<16xf32>
                  scf.yield %select_n3A_186 : vector<16xf32>
                }
                %while3A_159 = arith.constant 1 : i32
                %while3A_160 = scf.for %while3A_161 = %while3A_156 to %while3A_152 step %while3A_159 iter_args(%while3A_162 = %while3A_158) -> (vector<16xf32>)  : i32 {
                  %sub3A_163 = arith.constant 1 : i32
                  %sub3A_164 = arith.subi %while3A_146, %sub3A_163 : i32
                  %sub3A_165 = arith.subi %sub3A_164, %while3A_161 : i32
                  %shift_left3A_166 = arith.constant 1 : i32
                  %shift_left3A_167 = arith.shli %shift_left3A_166, %sub3A_165 : i32
                  %swap3A_168 = arith.index_cast %mul3A_125 : i32 to index
                  %swap3A_169 = tpu.vector_load %arg9[%swap3A_168] {strides = array<i32>} : memref<2048xf32, #tpu.memory_space<vmem>>, vector<16xf32>,
                  tpu.vector_store %arg9[%swap3A_168], %while3A_162 {strides = array<i32>} : memref<2048xf32, #tpu.memory_space<vmem>>, vector<16xf32>,
                  %xor3A = vector.broadcast %shift_left3A_167 : i32 to vector<16xi32>
                  %xor3A_170 = arith.xori %iota3A, %xor3A : vector<16xi32>
                  %add3A_171 = vector.broadcast %mul3A_125 : i32 to vector<16xi32>
                  %add3A_172 = arith.addi %add3A_171, %xor3A_170 : vector<16xi32>
                  %gather3A = tpu.vector_load_idx %arg9[%add3A_172] : memref<2048xf32, #tpu.memory_space<vmem>>[vector<16xi32>], vector<16xf32>,
                  %and3A = vector.broadcast %shift_left3A_167 : i32 to vector<16xi32>
                  %and3A_173 = arith.andi %iota3A, %and3A : vector<16xi32>
                  %eq3A = arith.constant 0 : i32
                  %eq3A_174 = vector.broadcast %eq3A : i32 to vector<16xi32>
                  %eq3A_175 = arith.cmpi eq, %and3A_173, %eq3A_174 : vector<16xi32>
                  %and3A_176 = vector.broadcast %shift_left3A_149 : i32 to vector<16xi32>
                  %and3A_177 = arith.andi %iota3A, %and3A_176 : vector<16xi32>
                  %eq3A_178 = arith.constant 0 : i32
                  %eq3A_179 = vector.broadcast %eq3A_178 : i32 to vector<16xi32>
                  %eq3A_180 = arith.cmpi eq, %and3A_177, %eq3A_179 : vector<16xi32>
                  %eq3A_181 = arith.cmpi eq, %shift_left3A_149, %shift_left3A_105 : i32
                  %or3A = vector.broadcast %eq3A_181 : i1 to vector<16xi1>
                  %or3A_182 = arith.ori %eq3A_180, %or3A : vector<16xi1>
                  %eq3A_183 = arith.xori %eq3A_175, %or3A_182 : vector<16xi1>
                  %eq3A_184 = arith.constant dense<true> : vector<16xi1>
                  %eq3A_185 = arith.xori %eq3A_183, %eq3A_184 : vector<16xi1>
                  %min3A = arith.minimumf %while3A_162, %gather3A : vector<16xf32>
                  %max3A = arith.maximumf %while3A_162, %gather3A : vector<16xf32>
                  %select_n3A_186 = arith.select %eq3A_185, %min3A, %max3A : vector<16xi1>, vector<16xf32>
                  scf.yield %select_n3A_186 : vector<16xf32>
                }
                scf.yield %while3A_160 : vector<16xf32>
              }
              %swap3A = arith.index_cast %mul3A_125 : i32 to index
              %swap3A_140 = tpu.vector_load %arg10[%swap3A] {strides = array<i32>} : memref<2048xf32, #tpu.memory_space<vmem>>, vector<16xf32>,
              tpu.vector_store %arg10[%swap3A], %while3A_139 {strides = array<i32>} : memref<2048xf32, #tpu.memory_space<vmem>>, vector<16xf32>,
              %broadcast_in_dim3A_141 = arith.constant 0.000000e+00 : f32
              %broadcast_in_dim3A_142 = vector.broadcast %broadcast_in_dim3A_141 : f32 to vector<16xf32>
              %swap3A_143 = arith.index_cast %mul3A_125 : i32 to index
              %swap3A_144 = tpu.vector_load %arg9[%swap3A_143] {strides = array<i32>} : memref<2048xf32, #tpu.memory_space<vmem>>, vector<16xf32>,
              tpu.vector_store %arg9[%swap3A_143], %broadcast_in_dim3A_142 {strides = array<i32>} : memref<2048xf32, #tpu.memory_space<vmem>>, vector<16xf32>,
              %scan3A_145 = arith.constant 0 : i32
              scf.yield %scan3A_145 : i32
            }
            %scan3A_121 = arith.constant 128 : i32
          } else {
          }
        } else {
        }
        %add3A_59 = arith.constant 15 : i32
        %add3A_60 = arith.addi %shift_right_logical3A_54, %add3A_59 : i32
        %shift_right_arithmetic3A = arith.constant 4 : i32
        %shift_right_arithmetic3A_61 = arith.shrsi %add3A_60, %shift_right_arithmetic3A : i32
        %while3A = arith.constant 0 : i32
        %while3A_62 = arith.constant 0 : i32
        %while3A_63 = arith.subi %shift_right_arithmetic3A_61, %while3A : i32
        %while3A_64 = arith.addi %while3A, %while3A_63 : i32
        %while3A_65 = arith.constant 1 : i32
        %while3A_66 = arith.divsi %while3A_63, %while3A_65 : i32
        %while3A_67 = arith.muli %while3A_66, %while3A_65 : i32
        %while3A_68 = arith.addi %while3A, %while3A_67 : i32
        %while3A_69 = arith.constant 1 : i32
        %while3A_70 = scf.for %while3A_104 = %while3A to %while3A_68 step %while3A_69 iter_args(%while3A_105 = %while3A_62) -> (i32)  : i32 {
          %mul3A_106 = arith.constant 16 : i32
          %mul3A_107 = arith.muli %while3A_104, %mul3A_106 : i32
          %add3A_108 = vector.broadcast %mul3A_107 : i32 to vector<16xi32>
          %add3A_109 = arith.addi %iota3A, %add3A_108 : vector<16xi32>
          %sub3A_110 = arith.constant 1 : i32
          %sub3A_111 = arith.subi %shift_right_logical3A_54, %sub3A_110 : i32
          %min3A = vector.broadcast %sub3A_111 : i32 to vector<16xi32>
          %min3A_112 = arith.minsi %add3A_109, %min3A : vector<16xi32>
          %mul3A_113 = vector.broadcast %shift_left3A_49 : i32 to vector<16xi32>
          %mul3A_114 = arith.muli %min3A_112, %mul3A_113 : vector<16xi32>
          %add3A_115 = vector.broadcast %shift_right_logical3A_52 : i32 to vector<16xi32>
          %add3A_116 = arith.addi %mul3A_114, %add3A_115 : vector<16xi32>
          %sub3A_117 = arith.constant 1 : i32
          %sub3A_118 = vector.broadcast %sub3A_117 : i32 to vector<16xi32>
          %sub3A_119 = arith.subi %add3A_116, %sub3A_118 : vector<16xi32>
          %gather3A = tpu.vector_load_idx %arg10[%sub3A_119] : memref<2048xf32, #tpu.memory_space<vmem>>[vector<16xi32>], vector<16xf32>,
          %add3A_120 = arith.constant 1 : i32
          %add3A_121 = vector.broadcast %add3A_120 : i32 to vector<16xi32>
          %add3A_122 = arith.addi %sub3A_119, %add3A_121 : vector<16xi32>
          %gather3A_123 = tpu.vector_load_idx %arg10[%add3A_122] : memref<2048xf32, #tpu.memory_space<vmem>>[vector<16xi32>], vector<16xf32>,
          %add3A_124 = arith.addf %gather3A, %gather3A_123 : vector<16xf32>
          %mul3A_125 = arith.constant 5.000000e-01 : f32
          %mul3A_126 = vector.broadcast %mul3A_125 : f32 to vector<16xf32>
          %mul3A_127 = arith.mulf %add3A_124, %mul3A_126 : vector<16xf32>
          %mul3A_128 = arith.constant 16 : i32
          %mul3A_129 = arith.muli %while3A_104, %mul3A_128 : i32
          %swap3A = arith.index_cast %mul3A_129 : i32 to index
          %swap3A_130 = tpu.vector_load %arg13[%swap3A] {strides = array<i32>} : memref<1024xf32, #tpu.memory_space<vmem>>, vector<16xf32>,
          tpu.vector_store %arg13[%swap3A], %mul3A_127 {strides = array<i32>} : memref<1024xf32, #tpu.memory_space<vmem>>, vector<16xf32>,
          %while3A_131 = arith.constant 0 : i32
          scf.yield %while3A_131 : i32
        }
        %while3A_71 = arith.constant 1 : i32
        %while3A_72 = scf.for %while3A_104 = %while3A_68 to %while3A_64 step %while3A_71 iter_args(%while3A_105 = %while3A_70) -> (i32)  : i32 {
          %mul3A_106 = arith.constant 16 : i32
          %mul3A_107 = arith.muli %while3A_104, %mul3A_106 : i32
          %add3A_108 = vector.broadcast %mul3A_107 : i32 to vector<16xi32>
          %add3A_109 = arith.addi %iota3A, %add3A_108 : vector<16xi32>
          %sub3A_110 = arith.constant 1 : i32
          %sub3A_111 = arith.subi %shift_right_logical3A_54, %sub3A_110 : i32
          %min3A = vector.broadcast %sub3A_111 : i32 to vector<16xi32>
          %min3A_112 = arith.minsi %add3A_109, %min3A : vector<16xi32>
          %mul3A_113 = vector.broadcast %shift_left3A_49 : i32 to vector<16xi32>
          %mul3A_114 = arith.muli %min3A_112, %mul3A_113 : vector<16xi32>
          %add3A_115 = vector.broadcast %shift_right_logical3A_52 : i32 to vector<16xi32>
          %add3A_116 = arith.addi %mul3A_114, %add3A_115 : vector<16xi32>
          %sub3A_117 = arith.constant 1 : i32
          %sub3A_118 = vector.broadcast %sub3A_117 : i32 to vector<16xi32>
          %sub3A_119 = arith.subi %add3A_116, %sub3A_118 : vector<16xi32>
          %gather3A = tpu.vector_load_idx %arg10[%sub3A_119] : memref<2048xf32, #tpu.memory_space<vmem>>[vector<16xi32>], vector<16xf32>,
          %add3A_120 = arith.constant 1 : i32
          %add3A_121 = vector.broadcast %add3A_120 : i32 to vector<16xi32>
          %add3A_122 = arith.addi %sub3A_119, %add3A_121 : vector<16xi32>
          %gather3A_123 = tpu.vector_load_idx %arg10[%add3A_122] : memref<2048xf32, #tpu.memory_space<vmem>>[vector<16xi32>], vector<16xf32>,
          %add3A_124 = arith.addf %gather3A, %gather3A_123 : vector<16xf32>
          %mul3A_125 = arith.constant 5.000000e-01 : f32
          %mul3A_126 = vector.broadcast %mul3A_125 : f32 to vector<16xf32>
          %mul3A_127 = arith.mulf %add3A_124, %mul3A_126 : vector<16xf32>
          %mul3A_128 = arith.constant 16 : i32
          %mul3A_129 = arith.muli %while3A_104, %mul3A_128 : i32
          %swap3A = arith.index_cast %mul3A_129 : i32 to index
          %swap3A_130 = tpu.vector_load %arg13[%swap3A] {strides = array<i32>} : memref<1024xf32, #tpu.memory_space<vmem>>, vector<16xf32>,
          tpu.vector_store %arg13[%swap3A], %mul3A_127 {strides = array<i32>} : memref<1024xf32, #tpu.memory_space<vmem>>, vector<16xf32>,
          %while3A_131 = arith.constant 0 : i32
          scf.yield %while3A_131 : i32
        }
        %broadcast_in_dim3A = arith.constant 0 : i32
        %broadcast_in_dim3A_73 = vector.broadcast %broadcast_in_dim3A : i32 to vector<16xi32>
        %scan3A_74 = arith.constant 0 : i32
        %scan3A_75 = arith.constant 128 : i32
        %scan3A_76 = arith.addi %scan3A_74, %scan3A_75 : i32
        %scan3A_77 = arith.constant 1 : i32
        %scan3A_78:2 = scf.for %scan3A_104 = %scan3A_74 to %scan3A_76 step %scan3A_77 iter_args(%scan3A_105 = %broadcast_in_dim3A_73, %scan3A_106 = %broadcast_in_dim3A_73) -> (vector<16xi32>, vector<16xi32>)  : i32 {
          %mul3A_107 = arith.constant 16 : i32
          %mul3A_108 = arith.muli %scan3A_104, %mul3A_107 : i32
          %add3A_109 = vector.broadcast %mul3A_108 : i32 to vector<16xi32>
          %add3A_110 = arith.addi %iota3A, %add3A_109 : vector<16xi32>
          %get3A = arith.index_cast %mul3A_108 : i32 to index
          %get3A_111 = tpu.vector_load %arg8[%get3A] {strides = array<i32>} : memref<2048xf32, #tpu.memory_space<vmem>>, vector<16xf32>,
          %shift_right_logical3A_112 = vector.broadcast %sub3A_48 : i32 to vector<16xi32>
          %shift_right_logical3A_113 = arith.shrui %add3A_110, %shift_right_logical3A_112 : vector<16xi32>
          %gather3A = tpu.vector_load_idx %arg13[%shift_right_logical3A_113] : memref<1024xf32, #tpu.memory_space<vmem>>[vector<16xi32>], vector<16xf32>,
          %sub3A_114 = arith.subf %get3A_111, %gather3A : vector<16xf32>
          %mul3A_115 = arith.constant 1.000000e+01 : f32
          %mul3A_116 = vector.broadcast %mul3A_115 : f32 to vector<16xf32>
          %mul3A_117 = arith.mulf %sub3A_114, %mul3A_116 : vector<16xf32>
          %ge3A = arith.constant 3.30518361E-7 : f32
          %ge3A_118 = vector.broadcast %ge3A : f32 to vector<16xf32>
          %ge3A_119 = arith.cmpf oge, %mul3A_117, %ge3A_118 : vector<16xf32>
          %jit3A_120 = arith.constant 1 : i32
          %jit3A_121 = arith.constant 0 : i32
          %broadcast_in_dim3A_122 = vector.broadcast %jit3A_120 : i32 to vector<16xi32>
          %broadcast_in_dim3A_123 = vector.broadcast %jit3A_121 : i32 to vector<16xi32>
          %select_n3A_124 = arith.select %ge3A_119, %broadcast_in_dim3A_122, %broadcast_in_dim3A_123 : vector<16xi1>, vector<16xi32>
          %swap3A = arith.index_cast %mul3A_108 : i32 to index
          %swap3A_125 = tpu.vector_load %arg14[%swap3A] {strides = array<i32>} : memref<2048xi32, #tpu.memory_space<vmem>>, vector<16xi32>,
          tpu.vector_store %arg14[%swap3A], %select_n3A_124 {strides = array<i32>} : memref<2048xi32, #tpu.memory_space<vmem>>, vector<16xi32>,
          %mul3A_126 = arith.constant 16 : i32
          %mul3A_127 = arith.muli %scan3A_104, %mul3A_126 : i32
          %add3A_128 = vector.broadcast %mul3A_127 : i32 to vector<16xi32>
          %add3A_129 = arith.addi %iota3A, %add3A_128 : vector<16xi32>
          %broadcast_in_dim3A_130 = arith.constant true
          %broadcast_in_dim3A_131 = vector.broadcast %broadcast_in_dim3A_130 : i1 to vector<16xi1>
          %masked_cumsum3A = tpu.scan <sum>, %select_n3A_124 masked %broadcast_in_dim3A_131 : vector<16xi32>, vector<16xi1> -> vector<16xi32>
          %and3A = vector.broadcast %sub3A_51 : i32 to vector<16xi32>
          %and3A_132 = arith.andi %add3A_129, %and3A : vector<16xi32>
          %sub3A_133 = arith.subi %add3A_129, %and3A_132 : vector<16xi32>
          %sub3A_134 = vector.broadcast %mul3A_127 : i32 to vector<16xi32>
          %sub3A_135 = arith.subi %sub3A_133, %sub3A_134 : vector<16xi32>
          %max3A = arith.constant 0 : i32
          %max3A_136 = vector.broadcast %max3A : i32 to vector<16xi32>
          %max3A_137 = arith.maxsi %sub3A_135, %max3A_136 : vector<16xi32>
          %sub3A_138 = arith.constant 1 : i32
          %sub3A_139 = vector.broadcast %sub3A_138 : i32 to vector<16xi32>
          %sub3A_140 = arith.subi %max3A_137, %sub3A_139 : vector<16xi32>
          %max3A_141 = arith.constant 0 : i32
          %max3A_142 = vector.broadcast %max3A_141 : i32 to vector<16xi32>
          %max3A_143 = arith.maxsi %sub3A_140, %max3A_142 : vector<16xi32>
          %lt3A_144 = arith.constant 0 : i32
          %lt3A_145 = vector.broadcast %lt3A_144 : i32 to vector<16xi32>
          %lt3A_146 = arith.cmpi slt, %max3A_143, %lt3A_145 : vector<16xi32>
          %add3A_147 = arith.constant 16 : i32
          %add3A_148 = vector.broadcast %add3A_147 : i32 to vector<16xi32>
          %add3A_149 = arith.addi %max3A_143, %add3A_148 : vector<16xi32>
          %select_n3A_150 = arith.select %lt3A_146, %add3A_149, %max3A_143 : vector<16xi1>, vector<16xi32>
          %broadcast_in_dim3A_151 = vector.shape_cast %select_n3A_150 : vector<16xi32> to vector<16x1xi32>
          %gather3A_152 = vector.shape_cast %broadcast_in_dim3A_151 : vector<16x1xi32> to vector<16xi32>
          %gather3A_153 = tpu.dynamic_gather %masked_cumsum3A[%gather3A_152] in [0] : vector<16xi32>, vector<16xi32> -> vector<16xi32>
          %ge3A_154 = arith.constant 0 : i32
          %ge3A_155 = vector.broadcast %ge3A_154 : i32 to vector<16xi32>
          %ge3A_156 = arith.cmpi sge, %sub3A_140, %ge3A_155 : vector<16xi32>
          %jit3A_157 = arith.constant 0 : i32
          %broadcast_in_dim3A_158 = vector.broadcast %jit3A_157 : i32 to vector<16xi32>
          %select_n3A_159 = arith.select %ge3A_156, %gather3A_153, %broadcast_in_dim3A_158 : vector<16xi1>, vector<16xi32>
          %sub3A_160 = arith.subi %masked_cumsum3A, %select_n3A_159 : vector<16xi32>
          %lt3A_161 = vector.broadcast %mul3A_127 : i32 to vector<16xi32>
          %lt3A_162 = arith.cmpi slt, %sub3A_133, %lt3A_161 : vector<16xi32>
          %jit3A_163 = arith.constant 0 : i32
          %broadcast_in_dim3A_164 = vector.broadcast %jit3A_163 : i32 to vector<16xi32>
          %select_n3A_165 = arith.select %lt3A_162, %scan3A_105, %broadcast_in_dim3A_164 : vector<16xi1>, vector<16xi32>
          %add3A_166 = arith.addi %sub3A_160, %select_n3A_165 : vector<16xi32>
          %swap3A_167 = arith.index_cast %mul3A_127 : i32 to index
          %swap3A_168 = tpu.vector_load %arg12[%swap3A_167] {strides = array<i32>} : memref<2048xi32, #tpu.memory_space<vmem>>, vector<16xi32>,
          tpu.vector_store %arg12[%swap3A_167], %add3A_166 {strides = array<i32>} : memref<2048xi32, #tpu.memory_space<vmem>>, vector<16xi32>,
          %broadcast_in_dim3A_169 = arith.constant 15 : i32
          %broadcast_in_dim3A_170 = vector.broadcast %broadcast_in_dim3A_169 : i32 to vector<16xi32>
          %lt3A_171 = arith.constant 0 : i32
          %lt3A_172 = vector.broadcast %lt3A_171 : i32 to vector<16xi32>
          %lt3A_173 = arith.cmpi slt, %broadcast_in_dim3A_170, %lt3A_172 : vector<16xi32>
          %add3A_174 = arith.constant 16 : i32
          %add3A_175 = vector.broadcast %add3A_174 : i32 to vector<16xi32>
          %add3A_176 = arith.addi %broadcast_in_dim3A_170, %add3A_175 : vector<16xi32>
          %select_n3A_177 = arith.select %lt3A_173, %add3A_176, %broadcast_in_dim3A_170 : vector<16xi1>, vector<16xi32>
          %broadcast_in_dim3A_178 = vector.shape_cast %select_n3A_177 : vector<16xi32> to vector<16x1xi32>
          %gather3A_179 = vector.shape_cast %broadcast_in_dim3A_178 : vector<16x1xi32> to vector<16xi32>
          %gather3A_180 = tpu.dynamic_gather %add3A_166[%gather3A_179] in [0] : vector<16xi32>, vector<16xi32> -> vector<16xi32>
          %add3A_181 = arith.constant 1 : i32
          %add3A_182 = vector.broadcast %add3A_181 : i32 to vector<16xi32>
          %add3A_183 = arith.addi %add3A_110, %add3A_182 : vector<16xi32>
          %and3A_184 = vector.broadcast %sub3A_51 : i32 to vector<16xi32>
          %and3A_185 = arith.andi %add3A_183, %and3A_184 : vector<16xi32>
          %eq3A = arith.constant 0 : i32
          %eq3A_186 = vector.broadcast %eq3A : i32 to vector<16xi32>
          %eq3A_187 = arith.cmpi eq, %and3A_185, %eq3A_186 : vector<16xi32>
          %ne3A = vector.broadcast %shift_right_logical3A_52 : i32 to vector<16xi32>
          %ne3A_188 = arith.cmpi ne, %add3A_166, %ne3A : vector<16xi32>
          %and3A_189 = arith.andi %eq3A_187, %ne3A_188 : vector<16xi1>
          %jit3A_190 = arith.constant 1 : i32
          %jit3A_191 = arith.constant 0 : i32
          %broadcast_in_dim3A_192 = vector.broadcast %jit3A_190 : i32 to vector<16xi32>
          %broadcast_in_dim3A_193 = vector.broadcast %jit3A_191 : i32 to vector<16xi32>
          %select_n3A_194 = arith.select %and3A_189, %broadcast_in_dim3A_192, %broadcast_in_dim3A_193 : vector<16xi1>, vector<16xi32>
          %or3A = arith.ori %scan3A_106, %select_n3A_194 : vector<16xi32>
          scf.yield %gather3A_180, %or3A : vector<16xi32>, vector<16xi32>
        }
        %scan3A_79 = arith.constant 128 : i32
        %reduce_max3A = arith.constant true
        %reduce_max3A_80 = vector.broadcast %reduce_max3A : i1 to vector<16xi1>
        %reduce_max3A_81 = arith.constant -2147483648 : i32
        %reduce_max3A_82 = vector.broadcast %reduce_max3A_81 : i32 to vector<16xi32>
        %reduce_max3A_83 = arith.xori %scan3A_78#1, %reduce_max3A_82 : vector<16xi32>
        %reduce_max3A_84 = tpu.scan <max>, %reduce_max3A_83 masked %reduce_max3A_80 : vector<16xi32>, vector<16xi1> -> vector<16xi32>
        %reduce_max3A_85 = arith.xori %reduce_max3A_84, %reduce_max3A_82 : vector<16xi32>
        %reduce_max3A_86 = vector.extract %reduce_max3A_85[15] : i32 from vector<16xi32>
        %gt3A_87 = arith.constant 0 : i32
        %gt3A_88 = arith.cmpi sgt, %reduce_max3A_86, %gt3A_87 : i32
        %jit3A = arith.constant 1 : i32
        %jit3A_89 = arith.constant 0 : i32
        %select_n3A = arith.select %gt3A_88, %jit3A, %jit3A_89 : i32
        %scan3A_90 = arith.constant 0 : i32
        %scan3A_91 = arith.constant 0 : i32
        %scan3A_92 = arith.constant 128 : i32
        %scan3A_93 = arith.addi %scan3A_91, %scan3A_92 : i32
        %scan3A_94 = arith.constant 1 : i32
        %scan3A_95 = scf.for %scan3A_104 = %scan3A_91 to %scan3A_93 step %scan3A_94 iter_args(%scan3A_105 = %scan3A_90) -> (i32)  : i32 {
          %mul3A_106 = arith.constant 16 : i32
          %mul3A_107 = arith.muli %scan3A_104, %mul3A_106 : i32
          %add3A_108 = vector.broadcast %mul3A_107 : i32 to vector<16xi32>
          %add3A_109 = arith.addi %iota3A, %add3A_108 : vector<16xi32>
          %get3A = arith.index_cast %mul3A_107 : i32 to index
          %get3A_110 = tpu.vector_load %arg14[%get3A] {strides = array<i32>} : memref<2048xi32, #tpu.memory_space<vmem>>, vector<16xi32>,
          %get3A_111 = arith.index_cast %mul3A_107 : i32 to index
          %get3A_112 = tpu.vector_load %arg12[%get3A_111] {strides = array<i32>} : memref<2048xi32, #tpu.memory_space<vmem>>, vector<16xi32>,
          %and3A = vector.broadcast %sub3A_51 : i32 to vector<16xi32>
          %and3A_113 = arith.andi %add3A_109, %and3A : vector<16xi32>
          %sub3A_114 = arith.subi %add3A_109, %and3A_113 : vector<16xi32>
          %sub3A_115 = arith.subi %get3A_112, %get3A_110 : vector<16xi32>
          %sub3A_116 = arith.subi %add3A_109, %sub3A_114 : vector<16xi32>
          %sub3A_117 = arith.subi %sub3A_116, %sub3A_115 : vector<16xi32>
          %eq3A = arith.constant 1 : i32
          %eq3A_118 = vector.broadcast %eq3A : i32 to vector<16xi32>
          %eq3A_119 = arith.cmpi eq, %get3A_110, %eq3A_118 : vector<16xi32>
          %add3A_120 = vector.broadcast %shift_right_logical3A_52 : i32 to vector<16xi32>
          %add3A_121 = arith.addi %add3A_120, %sub3A_115 : vector<16xi32>
          %select_n3A_122 = arith.select %eq3A_119, %add3A_121, %sub3A_117 : vector<16xi1>, vector<16xi32>
          %add3A_123 = arith.addi %sub3A_114, %select_n3A_122 : vector<16xi32>
          %swap3A = arith.index_cast %mul3A_107 : i32 to index
          %swap3A_124 = tpu.vector_load %arg16[%swap3A] {strides = array<i32>} : memref<2048xi32, #tpu.memory_space<vmem>>, vector<16xi32>,
          tpu.vector_store %arg16[%swap3A], %add3A_123 {strides = array<i32>} : memref<2048xi32, #tpu.memory_space<vmem>>, vector<16xi32>,
          %get3A_125 = arith.index_cast %mul3A_107 : i32 to index
          %get3A_126 = tpu.vector_load %arg8[%get3A_125] {strides = array<i32>} : memref<2048xf32, #tpu.memory_space<vmem>>, vector<16xf32>,
          %eq3A_127 = arith.constant 0 : i32
          %eq3A_128 = vector.broadcast %eq3A_127 : i32 to vector<16xi32>
          %eq3A_129 = arith.cmpi eq, %get3A_110, %eq3A_128 : vector<16xi32>
          tpu.vector_store_idx %arg9[%add3A_123], %get3A_126 masked %eq3A_129 {add = true} : memref<2048xf32, #tpu.memory_space<vmem>>[vector<16xi32>], vector<16xf32>, vector<16xi1>
          %eq3A_130 = arith.constant 1 : i32
          %eq3A_131 = vector.broadcast %eq3A_130 : i32 to vector<16xi32>
          %eq3A_132 = arith.cmpi eq, %get3A_110, %eq3A_131 : vector<16xi32>
          tpu.vector_store_idx %arg9[%add3A_123], %get3A_126 masked %eq3A_132 {add = true} : memref<2048xf32, #tpu.memory_space<vmem>>[vector<16xi32>], vector<16xf32>, vector<16xi1>
          %scan3A_133 = arith.constant 0 : i32
          scf.yield %scan3A_133 : i32
        }
        %scan3A_96 = arith.constant 128 : i32
        %scan3A_97 = arith.constant 0 : i32
        %scan3A_98 = arith.constant 0 : i32
        %scan3A_99 = arith.constant 128 : i32
        %scan3A_100 = arith.addi %scan3A_98, %scan3A_99 : i32
        %scan3A_101 = arith.constant 1 : i32
        %scan3A_102 = scf.for %scan3A_104 = %scan3A_98 to %scan3A_100 step %scan3A_101 iter_args(%scan3A_105 = %scan3A_97) -> (i32)  : i32 {
          %mul3A_106 = arith.constant 16 : i32
          %mul3A_107 = arith.muli %scan3A_104, %mul3A_106 : i32
          %get3A = arith.index_cast %mul3A_107 : i32 to index
          %get3A_108 = tpu.vector_load %arg9[%get3A] {strides = array<i32>} : memref<2048xf32, #tpu.memory_space<vmem>>, vector<16xf32>,
          %mul3A_109 = arith.constant 16 : i32
          %mul3A_110 = arith.muli %scan3A_104, %mul3A_109 : i32
          %swap3A = arith.index_cast %mul3A_110 : i32 to index
          %swap3A_111 = tpu.vector_load %arg8[%swap3A] {strides = array<i32>} : memref<2048xf32, #tpu.memory_space<vmem>>, vector<16xf32>,
          tpu.vector_store %arg8[%swap3A], %get3A_108 {strides = array<i32>} : memref<2048xf32, #tpu.memory_space<vmem>>, vector<16xf32>,
          %broadcast_in_dim3A_112 = arith.constant 0.000000e+00 : f32
          %broadcast_in_dim3A_113 = vector.broadcast %broadcast_in_dim3A_112 : f32 to vector<16xf32>
          %mul3A_114 = arith.constant 16 : i32
          %mul3A_115 = arith.muli %scan3A_104, %mul3A_114 : i32
          %swap3A_116 = arith.index_cast %mul3A_115 : i32 to index
          %swap3A_117 = tpu.vector_load %arg9[%swap3A_116] {strides = array<i32>} : memref<2048xf32, #tpu.memory_space<vmem>>, vector<16xf32>,
          tpu.vector_store %arg9[%swap3A_116], %broadcast_in_dim3A_113 {strides = array<i32>} : memref<2048xf32, #tpu.memory_space<vmem>>, vector<16xf32>,
          %mul3A_118 = arith.constant 16 : i32
          %mul3A_119 = arith.muli %scan3A_104, %mul3A_118 : i32
          %get3A_120 = arith.index_cast %mul3A_119 : i32 to index
          %get3A_121 = tpu.vector_load %arg15[%get3A_120] {strides = array<i32>} : memref<2048xi32, #tpu.memory_space<vmem>>, vector<16xi32>,
          %gather3A = tpu.vector_load_idx %arg16[%get3A_121] : memref<2048xi32, #tpu.memory_space<vmem>>[vector<16xi32>], vector<16xi32>,
          %mul3A_122 = arith.constant 16 : i32
          %mul3A_123 = arith.muli %scan3A_104, %mul3A_122 : i32
          %swap3A_124 = arith.index_cast %mul3A_123 : i32 to index
          %swap3A_125 = tpu.vector_load %arg15[%swap3A_124] {strides = array<i32>} : memref<2048xi32, #tpu.memory_space<vmem>>, vector<16xi32>,
          tpu.vector_store %arg15[%swap3A_124], %gather3A {strides = array<i32>} : memref<2048xi32, #tpu.memory_space<vmem>>, vector<16xi32>,
          %scan3A_126 = arith.constant 0 : i32
          scf.yield %scan3A_126 : i32
        }
        %scan3A_103 = arith.constant 128 : i32
        scf.yield %select_n3A : i32
      }
      %scan3A_17 = arith.constant 11 : i32
      %scan3A_18 = arith.constant 0 : i32
      %scan3A_19 = arith.constant 0 : i32
      %scan3A_20 = arith.constant 128 : i32
      %scan3A_21 = arith.addi %scan3A_19, %scan3A_20 : i32
      %scan3A_22 = arith.constant 1 : i32
      %scan3A_23 = scf.for %scan3A_46 = %scan3A_19 to %scan3A_21 step %scan3A_22 iter_args(%scan3A_47 = %scan3A_18) -> (i32)  : i32 {
        %broadcast_in_dim3A = arith.constant -1 : i32
        %broadcast_in_dim3A_48 = vector.broadcast %broadcast_in_dim3A : i32 to vector<16xi32>
        %mul3A_49 = arith.constant 16 : i32
        %mul3A_50 = arith.muli %scan3A_46, %mul3A_49 : i32
        %swap3A = arith.index_cast %mul3A_50 : i32 to index
        %swap3A_51 = tpu.vector_load %arg17[%swap3A] {strides = array<i32>} : memref<2048xi32, #tpu.memory_space<vmem>>, vector<16xi32>,
        tpu.vector_store %arg17[%swap3A], %broadcast_in_dim3A_48 {strides = array<i32>} : memref<2048xi32, #tpu.memory_space<vmem>>, vector<16xi32>,
        %scan3A_52 = arith.constant 0 : i32
        scf.yield %scan3A_52 : i32
      }
      %scan3A_24 = arith.constant 128 : i32
      %scan3A_25 = arith.constant 0 : i32
      %scan3A_26 = arith.constant 0 : i32
      %scan3A_27 = arith.constant 128 : i32
      %scan3A_28 = arith.addi %scan3A_26, %scan3A_27 : i32
      %scan3A_29 = arith.constant 1 : i32
      %scan3A_30 = scf.for %scan3A_46 = %scan3A_26 to %scan3A_28 step %scan3A_29 iter_args(%scan3A_47 = %scan3A_25) -> (i32)  : i32 {
        %mul3A_48 = arith.constant 16 : i32
        %mul3A_49 = arith.muli %scan3A_46, %mul3A_48 : i32
        %get3A = arith.index_cast %mul3A_49 : i32 to index
        %get3A_50 = tpu.vector_load %arg15[%get3A] {strides = array<i32>} : memref<2048xi32, #tpu.memory_space<vmem>>, vector<16xi32>,
        %mul3A_51 = arith.constant 16 : i32
        %mul3A_52 = arith.muli %scan3A_46, %mul3A_51 : i32
        %add3A_53 = vector.broadcast %mul3A_52 : i32 to vector<16xi32>
        %add3A_54 = arith.addi %iota3A, %add3A_53 : vector<16xi32>
        tpu.vector_store_idx %arg17[%get3A_50], %add3A_54 : memref<2048xi32, #tpu.memory_space<vmem>>[vector<16xi32>], vector<16xi32>,
        %scan3A_55 = arith.constant 0 : i32
        scf.yield %scan3A_55 : i32
      }
      %scan3A_31 = arith.constant 128 : i32
      %scan3A_32 = arith.constant 0 : i32
      %scan3A_33 = arith.constant 0 : i32
      %scan3A_34 = arith.constant 129 : i32
      %scan3A_35 = arith.addi %scan3A_33, %scan3A_34 : i32
      %scan3A_36 = arith.constant 1 : i32
      %scan3A_37 = scf.for %scan3A_46 = %scan3A_33 to %scan3A_35 step %scan3A_36 iter_args(%scan3A_47 = %scan3A_32) -> (i32)  : i32 {
        %broadcast_in_dim3A = arith.constant 0 : i32
        %broadcast_in_dim3A_48 = vector.broadcast %broadcast_in_dim3A : i32 to vector<16xi32>
        %mul3A_49 = arith.constant 16 : i32
        %mul3A_50 = arith.muli %scan3A_46, %mul3A_49 : i32
        %swap3A = arith.index_cast %mul3A_50 : i32 to index
        %swap3A_51 = tpu.vector_load %arg18[%swap3A] {strides = array<i32>} : memref<2064xi32, #tpu.memory_space<vmem>>, vector<16xi32>,
        tpu.vector_store %arg18[%swap3A], %broadcast_in_dim3A_48 {strides = array<i32>} : memref<2064xi32, #tpu.memory_space<vmem>>, vector<16xi32>,
        %broadcast_in_dim3A_52 = arith.constant 0 : i32
        %broadcast_in_dim3A_53 = vector.broadcast %broadcast_in_dim3A_52 : i32 to vector<16xi32>
        %mul3A_54 = arith.constant 16 : i32
        %mul3A_55 = arith.muli %scan3A_46, %mul3A_54 : i32
        %swap3A_56 = arith.index_cast %mul3A_55 : i32 to index
        %swap3A_57 = tpu.vector_load %arg19[%swap3A_56] {strides = array<i32>} : memref<2064xi32, #tpu.memory_space<vmem>>, vector<16xi32>,
        tpu.vector_store %arg19[%swap3A_56], %broadcast_in_dim3A_53 {strides = array<i32>} : memref<2064xi32, #tpu.memory_space<vmem>>, vector<16xi32>,
        %broadcast_in_dim3A_58 = arith.constant 0.000000e+00 : f32
        %broadcast_in_dim3A_59 = vector.broadcast %broadcast_in_dim3A_58 : f32 to vector<16xf32>
        %mul3A_60 = arith.constant 16 : i32
        %mul3A_61 = arith.muli %scan3A_46, %mul3A_60 : i32
        %swap3A_62 = arith.index_cast %mul3A_61 : i32 to index
        %swap3A_63 = tpu.vector_load %arg20[%swap3A_62] {strides = array<i32>} : memref<2064xf32, #tpu.memory_space<vmem>>, vector<16xf32>,
        tpu.vector_store %arg20[%swap3A_62], %broadcast_in_dim3A_59 {strides = array<i32>} : memref<2064xf32, #tpu.memory_space<vmem>>, vector<16xf32>,
        %scan3A_64 = arith.constant 0 : i32
        scf.yield %scan3A_64 : i32
      }
      %scan3A_38 = arith.constant 129 : i32
      %scan3A_39 = arith.constant 0 : i32
      %scan3A_40 = arith.constant 0 : i32
      %scan3A_41 = arith.constant 128 : i32
      %scan3A_42 = arith.addi %scan3A_40, %scan3A_41 : i32
      %scan3A_43 = arith.constant 1 : i32
      %scan3A_44 = scf.for %scan3A_46 = %scan3A_40 to %scan3A_42 step %scan3A_43 iter_args(%scan3A_47 = %scan3A_39) -> (i32)  : i32 {
        %mul3A_48 = arith.constant 16 : i32
        %mul3A_49 = arith.muli %scan3A_46, %mul3A_48 : i32
        %add3A_50 = vector.broadcast %mul3A_49 : i32 to vector<16xi32>
        %add3A_51 = arith.addi %iota3A, %add3A_50 : vector<16xi32>
        %get3A = arith.index_cast %mul3A_49 : i32 to index
        %get3A_52 = tpu.vector_load %arg17[%get3A] {strides = array<i32>} : memref<2048xi32, #tpu.memory_space<vmem>>, vector<16xi32>,
        %jit3A = arith.constant 0 : i32
        %jit3A_53 = arith.constant 2047 : i32
        %max3A = vector.broadcast %jit3A : i32 to vector<16xi32>
        %max3A_54 = arith.maxsi %max3A, %get3A_52 : vector<16xi32>
        %min3A = vector.broadcast %jit3A_53 : i32 to vector<16xi32>
        %min3A_55 = arith.minsi %min3A, %max3A_54 : vector<16xi32>
        %gather3A = tpu.vector_load_idx %arg15[%min3A_55] : memref<2048xi32, #tpu.memory_space<vmem>>[vector<16xi32>], vector<16xi32>,
        %lt3A_56 = arith.constant 0 : i32
        %lt3A_57 = vector.broadcast %lt3A_56 : i32 to vector<16xi32>
        %lt3A_58 = arith.cmpi slt, %get3A_52, %lt3A_57 : vector<16xi32>
        %ne3A = arith.cmpi ne, %gather3A, %add3A_51 : vector<16xi32>
        %or3A = arith.ori %lt3A_58, %ne3A : vector<16xi1>
        %lt3A_59 = arith.constant 0 : i32
        %lt3A_60 = vector.broadcast %lt3A_59 : i32 to vector<16xi32>
        %lt3A_61 = arith.cmpi slt, %get3A_52, %lt3A_60 : vector<16xi32>
        %jit3A_62 = arith.constant 0 : i32
        %broadcast_in_dim3A = vector.broadcast %jit3A_62 : i32 to vector<16xi32>
        %select_n3A = arith.select %lt3A_61, %broadcast_in_dim3A, %min3A_55 : vector<16xi1>, vector<16xi32>
        %add3A_63 = vector.broadcast %mul3A_4 : i32 to vector<16xi32>
        %add3A_64 = arith.addi %select_n3A, %add3A_63 : vector<16xi32>
        %swap3A = arith.index_cast %mul3A_49 : i32 to index
        %swap3A_65 = tpu.vector_load %arg16[%swap3A] {strides = array<i32>} : memref<2048xi32, #tpu.memory_space<vmem>>, vector<16xi32>,
        tpu.vector_store %arg16[%swap3A], %add3A_64 {strides = array<i32>} : memref<2048xi32, #tpu.memory_space<vmem>>, vector<16xi32>,
        %add3A_66 = vector.broadcast %mul3A_4 : i32 to vector<16xi32>
        %add3A_67 = arith.addi %add3A_51, %add3A_66 : vector<16xi32>
        %swap3A_68 = arith.index_cast %scan3A_47 : i32 to index
        %swap3A_69 = tpu.vector_load %arg18[%swap3A_68] masked %or3A {strides = array<i32>} : memref<2064xi32, #tpu.memory_space<vmem>>, vector<16xi32>, vector<16xi1>
        tpu.vector_store %arg18[%swap3A_68], %add3A_67 masked %or3A {strides = array<i32>} : memref<2064xi32, #tpu.memory_space<vmem>>, vector<16xi32>, vector<16xi1>
        %add3A_70 = vector.broadcast %mul3A_4 : i32 to vector<16xi32>
        %add3A_71 = arith.addi %select_n3A, %add3A_70 : vector<16xi32>
        %swap3A_72 = arith.index_cast %scan3A_47 : i32 to index
        %swap3A_73 = tpu.vector_load %arg19[%swap3A_72] masked %or3A {strides = array<i32>} : memref<2064xi32, #tpu.memory_space<vmem>>, vector<16xi32>, vector<16xi1>
        tpu.vector_store %arg19[%swap3A_72], %add3A_71 masked %or3A {strides = array<i32>} : memref<2064xi32, #tpu.memory_space<vmem>>, vector<16xi32>, vector<16xi1>
        %broadcast_in_dim3A_74 = arith.constant -1.000000e+00 : f32
        %broadcast_in_dim3A_75 = vector.broadcast %broadcast_in_dim3A_74 : f32 to vector<16xf32>
        %swap3A_76 = arith.index_cast %scan3A_47 : i32 to index
        %swap3A_77 = tpu.vector_load %arg20[%swap3A_76] masked %or3A {strides = array<i32>} : memref<2064xf32, #tpu.memory_space<vmem>>, vector<16xf32>, vector<16xi1>
        tpu.vector_store %arg20[%swap3A_76], %broadcast_in_dim3A_75 masked %or3A {strides = array<i32>} : memref<2064xf32, #tpu.memory_space<vmem>>, vector<16xf32>, vector<16xi1>
        %all_reduce_population_count3A = tpu.all_reduce %or3A {dim = 0 : i64, kind = #tpu.reduction_kind<sum>} : vector<16xi1> -> vector<16xi32>
        %reduce_max3A = arith.constant true
        %reduce_max3A_78 = vector.broadcast %reduce_max3A : i1 to vector<16xi1>
        %reduce_max3A_79 = arith.constant -2147483648 : i32
        %reduce_max3A_80 = vector.broadcast %reduce_max3A_79 : i32 to vector<16xi32>
        %reduce_max3A_81 = arith.xori %all_reduce_population_count3A, %reduce_max3A_80 : vector<16xi32>
        %reduce_max3A_82 = tpu.scan <max>, %reduce_max3A_81 masked %reduce_max3A_78 : vector<16xi32>, vector<16xi1> -> vector<16xi32>
        %reduce_max3A_83 = arith.xori %reduce_max3A_82, %reduce_max3A_80 : vector<16xi32>
        %reduce_max3A_84 = vector.extract %reduce_max3A_83[15] : i32 from vector<16xi32>
        %add3A_85 = arith.addi %scan3A_47, %reduce_max3A_84 : i32
        %get3A_86 = arith.index_cast %mul3A_49 : i32 to index
        %get3A_87 = tpu.vector_load %arg15[%get3A_86] {strides = array<i32>} : memref<2048xi32, #tpu.memory_space<vmem>>, vector<16xi32>,
        %gather3A_88 = tpu.vector_load_idx %arg17[%get3A_87] : memref<2048xi32, #tpu.memory_space<vmem>>[vector<16xi32>], vector<16xi32>,
        %ne3A_89 = arith.cmpi ne, %gather3A_88, %add3A_51 : vector<16xi32>
        %add3A_90 = vector.broadcast %mul3A_4 : i32 to vector<16xi32>
        %add3A_91 = arith.addi %get3A_87, %add3A_90 : vector<16xi32>
        %swap3A_92 = arith.index_cast %add3A_85 : i32 to index
        %swap3A_93 = tpu.vector_load %arg18[%swap3A_92] masked %ne3A_89 {strides = array<i32>} : memref<2064xi32, #tpu.memory_space<vmem>>, vector<16xi32>, vector<16xi1>
        tpu.vector_store %arg18[%swap3A_92], %add3A_91 masked %ne3A_89 {strides = array<i32>} : memref<2064xi32, #tpu.memory_space<vmem>>, vector<16xi32>, vector<16xi1>
        %add3A_94 = vector.broadcast %mul3A_4 : i32 to vector<16xi32>
        %add3A_95 = arith.addi %add3A_51, %add3A_94 : vector<16xi32>
        %swap3A_96 = arith.index_cast %add3A_85 : i32 to index
        %swap3A_97 = tpu.vector_load %arg19[%swap3A_96] masked %ne3A_89 {strides = array<i32>} : memref<2064xi32, #tpu.memory_space<vmem>>, vector<16xi32>, vector<16xi1>
        tpu.vector_store %arg19[%swap3A_96], %add3A_95 masked %ne3A_89 {strides = array<i32>} : memref<2064xi32, #tpu.memory_space<vmem>>, vector<16xi32>, vector<16xi1>
        %broadcast_in_dim3A_98 = arith.constant 1.000000e+00 : f32
        %broadcast_in_dim3A_99 = vector.broadcast %broadcast_in_dim3A_98 : f32 to vector<16xf32>
        %swap3A_100 = arith.index_cast %add3A_85 : i32 to index
        %swap3A_101 = tpu.vector_load %arg20[%swap3A_100] masked %ne3A_89 {strides = array<i32>} : memref<2064xf32, #tpu.memory_space<vmem>>, vector<16xf32>, vector<16xi1>
        tpu.vector_store %arg20[%swap3A_100], %broadcast_in_dim3A_99 masked %ne3A_89 {strides = array<i32>} : memref<2064xf32, #tpu.memory_space<vmem>>, vector<16xf32>, vector<16xi1>
        %all_reduce_population_count3A_102 = tpu.all_reduce %ne3A_89 {dim = 0 : i64, kind = #tpu.reduction_kind<sum>} : vector<16xi1> -> vector<16xi32>
        %reduce_max3A_103 = arith.constant true
        %reduce_max3A_104 = vector.broadcast %reduce_max3A_103 : i1 to vector<16xi1>
        %reduce_max3A_105 = arith.constant -2147483648 : i32
        %reduce_max3A_106 = vector.broadcast %reduce_max3A_105 : i32 to vector<16xi32>
        %reduce_max3A_107 = arith.xori %all_reduce_population_count3A_102, %reduce_max3A_106 : vector<16xi32>
        %reduce_max3A_108 = tpu.scan <max>, %reduce_max3A_107 masked %reduce_max3A_104 : vector<16xi32>, vector<16xi1> -> vector<16xi32>
        %reduce_max3A_109 = arith.xori %reduce_max3A_108, %reduce_max3A_106 : vector<16xi32>
        %reduce_max3A_110 = vector.extract %reduce_max3A_109[15] : i32 from vector<16xi32>
        %add3A_111 = arith.addi %add3A_85, %reduce_max3A_110 : i32
        scf.yield %add3A_111 : i32
      }
      %scan3A_45 = arith.constant 128 : i32
      "tpu.region"() ({
        %run_scoped3A = tpu.sem_alloc : memref<!tpu.dma_semaphore, #tpu.memory_space<semaphore_mem>>
        %dma_start3A = arith.constant 0 : i32
        %dma_start3A_46 = tpu.memref_slice %arg3[%add3A, %dma_start3A] : memref<16x2048xf32, #tpu.memory_space<hbm>> -> memref<1x2048xf32, #tpu.memory_space<hbm>>
        %dma_start3A_47 = tpu.memref_squeeze %dma_start3A_46 : memref<1x2048xf32, #tpu.memory_space<hbm>> -> memref<2048xf32, #tpu.memory_space<hbm>>
        %dma_start3A_48 = arith.constant 0 : i32
        %dma_start3A_49 = tpu.memref_slice %arg3[%add3A, %dma_start3A_48] : memref<16x2048xf32, #tpu.memory_space<hbm>> -> memref<1x2048xf32, #tpu.memory_space<hbm>>
        %dma_start3A_50 = tpu.memref_squeeze %dma_start3A_49 : memref<1x2048xf32, #tpu.memory_space<hbm>> -> memref<2048xf32, #tpu.memory_space<hbm>>
        tpu.enqueue_dma source(%arg8 : memref<2048xf32, #tpu.memory_space<vmem>>) target(%dma_start3A_50 : memref<2048xf32, #tpu.memory_space<hbm>>) target_semaphore(%run_scoped3A : memref<!tpu.dma_semaphore, #tpu.memory_space<semaphore_mem>>)
        %dma_wait3A = arith.constant 0 : i32
        %dma_wait3A_51 = tpu.memref_slice %arg3[%add3A, %dma_wait3A] : memref<16x2048xf32, #tpu.memory_space<hbm>> -> memref<1x2048xf32, #tpu.memory_space<hbm>>
        %dma_wait3A_52 = tpu.memref_squeeze %dma_wait3A_51 : memref<1x2048xf32, #tpu.memory_space<hbm>> -> memref<2048xf32, #tpu.memory_space<hbm>>
        %dma_wait3A_53 = arith.constant 0 : i32
        %dma_wait3A_54 = tpu.memref_slice %arg3[%add3A, %dma_wait3A_53] : memref<16x2048xf32, #tpu.memory_space<hbm>> -> memref<1x2048xf32, #tpu.memory_space<hbm>>
        %dma_wait3A_55 = tpu.memref_squeeze %dma_wait3A_54 : memref<1x2048xf32, #tpu.memory_space<hbm>> -> memref<2048xf32, #tpu.memory_space<hbm>>
        tpu.wait_dma2 semaphore(%run_scoped3A : memref<!tpu.dma_semaphore, #tpu.memory_space<semaphore_mem>>) src(%arg8 : memref<2048xf32, #tpu.memory_space<vmem>>) dst(%dma_wait3A_55 : memref<2048xf32, #tpu.memory_space<hbm>>)
        tpu.yield
      }) : () -> ()
      "tpu.region"() ({
        %run_scoped3A = tpu.sem_alloc : memref<!tpu.dma_semaphore, #tpu.memory_space<semaphore_mem>>
        %dma_start3A = arith.constant 0 : i32
        %dma_start3A_46 = tpu.memref_slice %arg4[%add3A, %dma_start3A] : memref<16x2048xi32, #tpu.memory_space<hbm>> -> memref<1x2048xi32, #tpu.memory_space<hbm>>
        %dma_start3A_47 = tpu.memref_squeeze %dma_start3A_46 : memref<1x2048xi32, #tpu.memory_space<hbm>> -> memref<2048xi32, #tpu.memory_space<hbm>>
        %dma_start3A_48 = arith.constant 0 : i32
        %dma_start3A_49 = tpu.memref_slice %arg4[%add3A, %dma_start3A_48] : memref<16x2048xi32, #tpu.memory_space<hbm>> -> memref<1x2048xi32, #tpu.memory_space<hbm>>
        %dma_start3A_50 = tpu.memref_squeeze %dma_start3A_49 : memref<1x2048xi32, #tpu.memory_space<hbm>> -> memref<2048xi32, #tpu.memory_space<hbm>>
        tpu.enqueue_dma source(%arg16 : memref<2048xi32, #tpu.memory_space<vmem>>) target(%dma_start3A_50 : memref<2048xi32, #tpu.memory_space<hbm>>) target_semaphore(%run_scoped3A : memref<!tpu.dma_semaphore, #tpu.memory_space<semaphore_mem>>)
        %dma_wait3A = arith.constant 0 : i32
        %dma_wait3A_51 = tpu.memref_slice %arg4[%add3A, %dma_wait3A] : memref<16x2048xi32, #tpu.memory_space<hbm>> -> memref<1x2048xi32, #tpu.memory_space<hbm>>
        %dma_wait3A_52 = tpu.memref_squeeze %dma_wait3A_51 : memref<1x2048xi32, #tpu.memory_space<hbm>> -> memref<2048xi32, #tpu.memory_space<hbm>>
        %dma_wait3A_53 = arith.constant 0 : i32
        %dma_wait3A_54 = tpu.memref_slice %arg4[%add3A, %dma_wait3A_53] : memref<16x2048xi32, #tpu.memory_space<hbm>> -> memref<1x2048xi32, #tpu.memory_space<hbm>>
        %dma_wait3A_55 = tpu.memref_squeeze %dma_wait3A_54 : memref<1x2048xi32, #tpu.memory_space<hbm>> -> memref<2048xi32, #tpu.memory_space<hbm>>
        tpu.wait_dma2 semaphore(%run_scoped3A : memref<!tpu.dma_semaphore, #tpu.memory_space<semaphore_mem>>) src(%arg16 : memref<2048xi32, #tpu.memory_space<vmem>>) dst(%dma_wait3A_55 : memref<2048xi32, #tpu.memory_space<hbm>>)
        tpu.yield
      }) : () -> ()
      "tpu.region"() ({
        %run_scoped3A = tpu.sem_alloc : memref<!tpu.dma_semaphore, #tpu.memory_space<semaphore_mem>>
        %dma_start3A = arith.constant 0 : i32
        %dma_start3A_46 = tpu.memref_slice %arg18[%dma_start3A] : memref<2064xi32, #tpu.memory_space<vmem>> -> memref<128xi32, #tpu.memory_space<vmem>>
        %dma_start3A_47 = arith.constant 0 : i32
        %dma_start3A_48 = tpu.memref_slice %arg5[%add3A, %dma_start3A_47] : memref<16x128xi32, #tpu.memory_space<hbm>> -> memref<1x128xi32, #tpu.memory_space<hbm>>
        %dma_start3A_49 = tpu.memref_squeeze %dma_start3A_48 : memref<1x128xi32, #tpu.memory_space<hbm>> -> memref<128xi32, #tpu.memory_space<hbm>>
        %dma_start3A_50 = arith.constant 0 : i32
        %dma_start3A_51 = tpu.memref_slice %arg5[%add3A, %dma_start3A_50] : memref<16x128xi32, #tpu.memory_space<hbm>> -> memref<1x128xi32, #tpu.memory_space<hbm>>
        %dma_start3A_52 = tpu.memref_squeeze %dma_start3A_51 : memref<1x128xi32, #tpu.memory_space<hbm>> -> memref<128xi32, #tpu.memory_space<hbm>>
        %dma_start3A_53 = arith.constant 0 : i32
        %dma_start3A_54 = tpu.memref_slice %arg18[%dma_start3A_53] : memref<2064xi32, #tpu.memory_space<vmem>> -> memref<128xi32, #tpu.memory_space<vmem>>
        tpu.enqueue_dma source(%dma_start3A_54 : memref<128xi32, #tpu.memory_space<vmem>>) target(%dma_start3A_52 : memref<128xi32, #tpu.memory_space<hbm>>) target_semaphore(%run_scoped3A : memref<!tpu.dma_semaphore, #tpu.memory_space<semaphore_mem>>)
        %dma_wait3A = arith.constant 0 : i32
        %dma_wait3A_55 = tpu.memref_slice %arg18[%dma_wait3A] : memref<2064xi32, #tpu.memory_space<vmem>> -> memref<128xi32, #tpu.memory_space<vmem>>
        %dma_wait3A_56 = arith.constant 0 : i32
        %dma_wait3A_57 = tpu.memref_slice %arg5[%add3A, %dma_wait3A_56] : memref<16x128xi32, #tpu.memory_space<hbm>> -> memref<1x128xi32, #tpu.memory_space<hbm>>
        %dma_wait3A_58 = tpu.memref_squeeze %dma_wait3A_57 : memref<1x128xi32, #tpu.memory_space<hbm>> -> memref<128xi32, #tpu.memory_space<hbm>>
        %dma_wait3A_59 = arith.constant 0 : i32
        %dma_wait3A_60 = tpu.memref_slice %arg5[%add3A, %dma_wait3A_59] : memref<16x128xi32, #tpu.memory_space<hbm>> -> memref<1x128xi32, #tpu.memory_space<hbm>>
        %dma_wait3A_61 = tpu.memref_squeeze %dma_wait3A_60 : memref<1x128xi32, #tpu.memory_space<hbm>> -> memref<128xi32, #tpu.memory_space<hbm>>
        %dma_wait3A_62 = arith.constant 0 : i32
        %dma_wait3A_63 = tpu.memref_slice %arg18[%dma_wait3A_62] : memref<2064xi32, #tpu.memory_space<vmem>> -> memref<128xi32, #tpu.memory_space<vmem>>
        tpu.wait_dma2 semaphore(%run_scoped3A : memref<!tpu.dma_semaphore, #tpu.memory_space<semaphore_mem>>) src(%dma_wait3A_63 : memref<128xi32, #tpu.memory_space<vmem>>) dst(%dma_wait3A_61 : memref<128xi32, #tpu.memory_space<hbm>>)
        tpu.yield
      }) : () -> ()
      "tpu.region"() ({
        %run_scoped3A = tpu.sem_alloc : memref<!tpu.dma_semaphore, #tpu.memory_space<semaphore_mem>>
        %dma_start3A = arith.constant 0 : i32
        %dma_start3A_46 = tpu.memref_slice %arg19[%dma_start3A] : memref<2064xi32, #tpu.memory_space<vmem>> -> memref<128xi32, #tpu.memory_space<vmem>>
        %dma_start3A_47 = arith.constant 0 : i32
        %dma_start3A_48 = tpu.memref_slice %arg6[%add3A, %dma_start3A_47] : memref<16x128xi32, #tpu.memory_space<hbm>> -> memref<1x128xi32, #tpu.memory_space<hbm>>
        %dma_start3A_49 = tpu.memref_squeeze %dma_start3A_48 : memref<1x128xi32, #tpu.memory_space<hbm>> -> memref<128xi32, #tpu.memory_space<hbm>>
        %dma_start3A_50 = arith.constant 0 : i32
        %dma_start3A_51 = tpu.memref_slice %arg6[%add3A, %dma_start3A_50] : memref<16x128xi32, #tpu.memory_space<hbm>> -> memref<1x128xi32, #tpu.memory_space<hbm>>
        %dma_start3A_52 = tpu.memref_squeeze %dma_start3A_51 : memref<1x128xi32, #tpu.memory_space<hbm>> -> memref<128xi32, #tpu.memory_space<hbm>>
        %dma_start3A_53 = arith.constant 0 : i32
        %dma_start3A_54 = tpu.memref_slice %arg19[%dma_start3A_53] : memref<2064xi32, #tpu.memory_space<vmem>> -> memref<128xi32, #tpu.memory_space<vmem>>
        tpu.enqueue_dma source(%dma_start3A_54 : memref<128xi32, #tpu.memory_space<vmem>>) target(%dma_start3A_52 : memref<128xi32, #tpu.memory_space<hbm>>) target_semaphore(%run_scoped3A : memref<!tpu.dma_semaphore, #tpu.memory_space<semaphore_mem>>)
        %dma_wait3A = arith.constant 0 : i32
        %dma_wait3A_55 = tpu.memref_slice %arg19[%dma_wait3A] : memref<2064xi32, #tpu.memory_space<vmem>> -> memref<128xi32, #tpu.memory_space<vmem>>
        %dma_wait3A_56 = arith.constant 0 : i32
        %dma_wait3A_57 = tpu.memref_slice %arg6[%add3A, %dma_wait3A_56] : memref<16x128xi32, #tpu.memory_space<hbm>> -> memref<1x128xi32, #tpu.memory_space<hbm>>
        %dma_wait3A_58 = tpu.memref_squeeze %dma_wait3A_57 : memref<1x128xi32, #tpu.memory_space<hbm>> -> memref<128xi32, #tpu.memory_space<hbm>>
        %dma_wait3A_59 = arith.constant 0 : i32
        %dma_wait3A_60 = tpu.memref_slice %arg6[%add3A, %dma_wait3A_59] : memref<16x128xi32, #tpu.memory_space<hbm>> -> memref<1x128xi32, #tpu.memory_space<hbm>>
        %dma_wait3A_61 = tpu.memref_squeeze %dma_wait3A_60 : memref<1x128xi32, #tpu.memory_space<hbm>> -> memref<128xi32, #tpu.memory_space<hbm>>
        %dma_wait3A_62 = arith.constant 0 : i32
        %dma_wait3A_63 = tpu.memref_slice %arg19[%dma_wait3A_62] : memref<2064xi32, #tpu.memory_space<vmem>> -> memref<128xi32, #tpu.memory_space<vmem>>
        tpu.wait_dma2 semaphore(%run_scoped3A : memref<!tpu.dma_semaphore, #tpu.memory_space<semaphore_mem>>) src(%dma_wait3A_63 : memref<128xi32, #tpu.memory_space<vmem>>) dst(%dma_wait3A_61 : memref<128xi32, #tpu.memory_space<hbm>>)
        tpu.yield
      }) : () -> ()
      "tpu.region"() ({
        %run_scoped3A = tpu.sem_alloc : memref<!tpu.dma_semaphore, #tpu.memory_space<semaphore_mem>>
        %dma_start3A = arith.constant 0 : i32
        %dma_start3A_46 = tpu.memref_slice %arg20[%dma_start3A] : memref<2064xf32, #tpu.memory_space<vmem>> -> memref<128xf32, #tpu.memory_space<vmem>>
        %dma_start3A_47 = arith.constant 0 : i32
        %dma_start3A_48 = tpu.memref_slice %arg7[%add3A, %dma_start3A_47] : memref<16x128xf32, #tpu.memory_space<hbm>> -> memref<1x128xf32, #tpu.memory_space<hbm>>
        %dma_start3A_49 = tpu.memref_squeeze %dma_start3A_48 : memref<1x128xf32, #tpu.memory_space<hbm>> -> memref<128xf32, #tpu.memory_space<hbm>>
        %dma_start3A_50 = arith.constant 0 : i32
        %dma_start3A_51 = tpu.memref_slice %arg7[%add3A, %dma_start3A_50] : memref<16x128xf32, #tpu.memory_space<hbm>> -> memref<1x128xf32, #tpu.memory_space<hbm>>
        %dma_start3A_52 = tpu.memref_squeeze %dma_start3A_51 : memref<1x128xf32, #tpu.memory_space<hbm>> -> memref<128xf32, #tpu.memory_space<hbm>>
        %dma_start3A_53 = arith.constant 0 : i32
        %dma_start3A_54 = tpu.memref_slice %arg20[%dma_start3A_53] : memref<2064xf32, #tpu.memory_space<vmem>> -> memref<128xf32, #tpu.memory_space<vmem>>
        tpu.enqueue_dma source(%dma_start3A_54 : memref<128xf32, #tpu.memory_space<vmem>>) target(%dma_start3A_52 : memref<128xf32, #tpu.memory_space<hbm>>) target_semaphore(%run_scoped3A : memref<!tpu.dma_semaphore, #tpu.memory_space<semaphore_mem>>)
        %dma_wait3A = arith.constant 0 : i32
        %dma_wait3A_55 = tpu.memref_slice %arg20[%dma_wait3A] : memref<2064xf32, #tpu.memory_space<vmem>> -> memref<128xf32, #tpu.memory_space<vmem>>
        %dma_wait3A_56 = arith.constant 0 : i32
        %dma_wait3A_57 = tpu.memref_slice %arg7[%add3A, %dma_wait3A_56] : memref<16x128xf32, #tpu.memory_space<hbm>> -> memref<1x128xf32, #tpu.memory_space<hbm>>
        %dma_wait3A_58 = tpu.memref_squeeze %dma_wait3A_57 : memref<1x128xf32, #tpu.memory_space<hbm>> -> memref<128xf32, #tpu.memory_space<hbm>>
        %dma_wait3A_59 = arith.constant 0 : i32
        %dma_wait3A_60 = tpu.memref_slice %arg7[%add3A, %dma_wait3A_59] : memref<16x128xf32, #tpu.memory_space<hbm>> -> memref<1x128xf32, #tpu.memory_space<hbm>>
        %dma_wait3A_61 = tpu.memref_squeeze %dma_wait3A_60 : memref<1x128xf32, #tpu.memory_space<hbm>> -> memref<128xf32, #tpu.memory_space<hbm>>
        %dma_wait3A_62 = arith.constant 0 : i32
        %dma_wait3A_63 = tpu.memref_slice %arg20[%dma_wait3A_62] : memref<2064xf32, #tpu.memory_space<vmem>> -> memref<128xf32, #tpu.memory_space<vmem>>
        tpu.wait_dma2 semaphore(%run_scoped3A : memref<!tpu.dma_semaphore, #tpu.memory_space<semaphore_mem>>) src(%dma_wait3A_63 : memref<128xf32, #tpu.memory_space<vmem>>) dst(%dma_wait3A_61 : memref<128xf32, #tpu.memory_space<hbm>>)
        tpu.yield
      }) : () -> ()
    } else {
    }
    return
  }
}

</mosaic_0001>

<sc_bundles>
// kernel: kernel.4.cloned.1.call-start
scs
__scs_entry_jumppad:
0x0: {  	(pc) =	sbr.rel $0x88, $3  }
0x1: {  	(tag) =	ssettag $0x0;
	lr =	simm.s32 $0x1  }
0x2: {  	[smem:$0x3F9F] =	sst lr;
	_ =	strace $0xD0000000  }
0x3: {  	_ = 	snop  }
0x4: {  	_ = 	snop  }
0x5: {  	_ = 	snop  }
0x6: {  	_ = 	snop  }
0x7: {  	_ = 	snop  }
__scs_overlays_trampoline_lowered:
0x8: {  	[smem:$0x3FAE] =	sst s0  }
0x9: {  	[smem:$0x3FAF] =	sst s1  }
0xa: {  	[smem:$0x3FB0] =	sst s2  }
0xb: {  	[smem:$0x3FB1] =	sst s3  }
0xc: {  	[smem:$0x3FB2] =	sst s4  }
0xd: {  	[smem:$0x3FB3] =	sst s5  }
0xe: {  	[smem:$0x3FB4] =	sst s6  }
0xf: {  	[smem:$0x3FB5] =	sst s7  }
0x10: {  	[smem:$0x3FB6] =	sst s8  }
0x11: {  	[smem:$0x3FB7] =	sst s9;
	s0 =	simm.s32 @!p0 $0x0  }
0x12: {  	s1 =	sld [smem:$0x3F9D];
	s0 =	simm.s32 @p0 $0x1  }
0x13: {  	[smem:$0x3FB8] =	sst s0;
	s0 =	simm.s32 @!p1 $0x0  }
0x14: {  	s2 =	sld [smem:$0x3F9C];
	s0 =	simm.s32 @p1 $0x1  }
0x15: {  	[smem:$0x3FB9] =	sst s0;
	s0 =	simm.s32 @!p2 $0x0  }
0x16: {  	s3 =	sld [smem:$0x3FDB];
	s0 =	simm.s32 @p2 $0x1  }
0x17: {  	s4 =	simm.s32 $0x1BF5;
	[smem:$0x3FBB] =	sst s0  }
0x18: {  	s0 =	sld [smem:$0x3F9E];
	_ =	swait.ge [sflag:s4], $0x0  }
0x19: {  	s7 =	sld [smem:$0x3F9F]  }
0x1a: {  	s8 =	sadd.s32 $0xFFFFE003, lr  }
0x1b: {  	s9 =	sadd.s32 $0xFFFFFEF7, lr;
	s5 =	simm.s32 $0xFFFFFFFF;
	p2 =	slt.u32 s8, $0xFFFFF086  }
0x1c: {  	p1 =	slt.u32 s9, $0xF7A;
	s5 =	simm.s32 @!p2 $0x0  }
0x1d: {  	s5 =	simm.s32 @p1 $0x1;
	p0 =	seq.s32 s7, s2  }
0x1e: {  	s7 =	smul.u32 @!p0 $0xF7A, s2;
	p2 =	seq.s32 @!p0 s5, $0x0  }
0x1f: {  	s9 =	smul.u32 $0xF7A, s1;
	s8 =	simm.s32 @!p0 $0x1BF5;
	p2 =	por !p2, p0  }
0x20: {  	[sflag:s8] =	ssyncset.s32 @!p0 $0xFFFFF086;
	s6 =	sadd.s32 @!p0 s3, s7;
	s7 =	simm.s32 @!p0 $0x108  }
0x21: {  	s3 =	sadd.s32 s3, s9;
	s6 =	sadd.s32 @!p0 $0x88, s6;
	s7 =	simm.s32 @p2 $0x1082  }
0x22: {  	[simem:s7], [sflag:s8] =	dma.local @!p0 [hbm:s6], $0xF7A  }
0x23: {  	s9 =	sor.u32 $0xD0000000, s2;
	s6 =	simm.s32 $0x108;
	_ =	swait.ge @!p0 [sflag:s8], $0x0  }
0x24: {  	s3 =	sadd.s32 $0x88, s3;
	s6 =	simm.s32 @!p1 $0x1082;
	[sflag:s4] =	ssyncset.s32 $0xFFFFF086  }
0x25: {  	[simem:s6], [sflag:s4] =	dma.local [hbm:s3], $0xF7A  }
0x26: {  	[smem:$0x3F9F] =	sst s1;
	(tag) =	ssettag s2;
	_ =	strace s9  }
0x27: {  	s1 =	sld [smem:$0x3FAF]  }
0x28: {  	s2 =	sld [smem:$0x3FB0]  }
0x29: {  	s4 =	sld [smem:$0x3FB2]  }
0x2a: {  	p0 =	seq.s32 s5, $0x0;
	s5 =	sld [smem:$0x3FB3]  }
0x2b: {  	s6 =	sld [smem:$0x3FB4]  }
0x2c: {  	s7 =	sld [smem:$0x3FB5]  }
0x2d: {  	s3 =	simm.s32 $0x108;
	s8 =	sld [smem:$0x3FB6]  }
0x2e: {  	s3 =	simm.s32 @!p0 $0x1082;
	s9 =	sld [smem:$0x3FB7]  }
0x2f: {  	lr =	sadd.s32 s0, s3;
	s0 =	sld [smem:$0x3FAE]  }
0x30: {  	s3 =	sld [smem:$0x3FB1]  }
0x31: {  	[smem:$0x3FBA] =	sst s10  }
0x32: {  	s10 =	sld [smem:$0x3FB8];
	_ =	sdelay $0x3  }
0x33: {  	p0 =	seq.s32 s10, $0x1;
	s10 =	sld [smem:$0x3FBA];
	_ =	sdelay $0x3  }
0x34: {  	[smem:$0x3FBA] =	sst s10  }
0x35: {  	s10 =	sld [smem:$0x3FB9];
	_ =	sdelay $0x3  }
0x36: {  	p1 =	seq.s32 s10, $0x1;
	s10 =	sld [smem:$0x3FBA];
	_ =	sdelay $0x3  }
0x37: {  	[smem:$0x3FBA] =	sst s10  }
0x38: {  	s10 =	sld [smem:$0x3FBB]  }
0x39: {  	_ = 	snop;
	(pc) =	sbr.ind lr, $3  }
0x3a: {  	_ = 	snop  }
0x3b: {  	_ = 	snop  }
0x3c: {  	p2 =	seq.s32 s10, $0x1;
	s10 =	sld [smem:$0x3FBA]  }
0x3d: {  	_ =	shalt  }
0x3e: {  	_ =	shalt  }
0x3f: {  	_ =	shalt  }
0x40: {  	_ =	shalt  }
0x41: {  	_ =	shalt  }
0x42: {  	_ =	shalt  }
0x43: {  	_ =	shalt  }
0x44: {  	_ =	shalt  }
0x45: {  	_ =	shalt  }
0x46: {  	_ =	shalt  }
0x47: {  	_ =	shalt  }
0x48: {  	_ =	shalt  }
0x49: {  	_ =	shalt  }
0x4a: {  	_ =	shalt  }
0x4b: {  	_ =	shalt  }
0x4c: {  	_ =	shalt  }
0x4d: {  	_ =	shalt  }
0x4e: {  	_ =	shalt  }
0x4f: {  	_ =	shalt  }
0x50: {  	_ =	shalt  }
0x51: {  	_ =	shalt  }
0x52: {  	_ =	shalt  }
0x53: {  	_ =	shalt  }
0x54: {  	_ =	shalt  }
0x55: {  	_ =	shalt  }
0x56: {  	_ =	shalt  }
0x57: {  	_ =	shalt  }
0x58: {  	_ =	shalt  }
0x59: {  	_ =	shalt  }
0x5a: {  	_ =	shalt  }
0x5b: {  	_ =	shalt  }
0x5c: {  	_ =	shalt  }
0x5d: {  	_ =	shalt  }
0x5e: {  	_ =	shalt  }
0x5f: {  	_ =	shalt  }
0x60: {  	_ =	shalt  }
0x61: {  	_ =	shalt  }
0x62: {  	_ =	shalt  }
0x63: {  	_ =	shalt  }
0x64: {  	_ =	shalt  }
0x65: {  	_ =	shalt  }
0x66: {  	_ =	shalt  }
0x67: {  	_ =	shalt  }
0x68: {  	_ =	shalt  }
0x69: {  	_ =	shalt  }
0x6a: {  	_ =	shalt  }
0x6b: {  	_ =	shalt  }
0x6c: {  	_ =	shalt  }
0x6d: {  	_ =	shalt  }
0x6e: {  	_ =	shalt  }
0x6f: {  	_ =	shalt  }
0x70: {  	_ =	shalt  }
0x71: {  	_ =	shalt  }
0x72: {  	_ =	shalt  }
0x73: {  	_ =	shalt  }
0x74: {  	_ =	shalt  }
0x75: {  	_ =	shalt  }
0x76: {  	_ =	shalt  }
0x77: {  	_ =	shalt  }
0x78: {  	_ =	shalt  }
0x79: {  	_ =	shalt  }
0x7a: {  	_ =	shalt  }
0x7b: {  	_ =	shalt  }
0x7c: {  	_ =	shalt  }
0x7d: {  	_ =	shalt  }
0x7e: {  	_ =	shalt  }
0x7f: {  	_ =	shalt  }
0x80: {  	_ =	shalt  }
0x81: {  	_ =	shalt  }
0x82: {  	_ =	shalt  }
0x83: {  	_ =	shalt  }
0x84: {  	_ =	shalt  }
0x85: {  	_ =	shalt  }
0x86: {  	_ =	shalt  }
0x87: {  	_ =	shalt  }
.Lfunc_end0:
.L_simem_size_0:
called_computation_lowered:
.L_overlay_start_0:
0x88: {  	s2 =	sld [smem:$0x3FD9]  }
0x89: {  	s3 =	sld [smem:$0x3FFE];
	_ =	sdelay $0x1  }
0x8a: {  	s1 =	srdreg.scid  }
0x8b: {  	s0 =	sand.u32 $0x1, s1  }
0x8c: {  	s14 =	sshll.u32 s0, $0xA;
	s2 =	sadd.s32 s3, s2  }
0x8d: {  	s2 =	sadd.s32 s2, s14  }
0x8e: {  	[smem:$0x3FC6] =	sst s2  }
0x8f: {  	_ = 	snop  }
0x90: {  	s2 =	sld [smem:$0x3FD0];
	_ =	sdelay $0x2  }
0x91: {  	s4 =	simm.s32 $0xA;
	s5 =	simm.s32 $0x10;
	s15 =	sld [smem:$0x3FC8]  }
0x92: {  	[smem:s5], [sflag:s4] =	dma.local [hbm:s2], $0x1  }
0x93: {  	_ =	swait.eq [sflag:s4], $0x1  }
0x94: {  	[sflag:s4] =	ssyncset.done $0x0  }
0x95: {  	s16 =	sld [smem:$0x10];
	[sflag:s4] =	ssyncadd.s32 $0xFFFFFFFF  }
0x96: {  	s17 =	sld [smem:$0x11];
	(tm) =	ssettm $0x1  }
0x97: {  	s18 =	sld [smem:$0x3FFB];
	_ =	sdelay $0x3  }
0x98: {  	_ =	strace s18  }
0x99: {  	s5 =	sld [smem:$0x3FFC];
	_ =	sdelay $0x3  }
0x9a: {  	_ =	strace s5  }
0x9b: {  	s5 =	sld [smem:$0x3FFD];
	_ =	sdelay $0x3  }
0x9c: {  	_ =	strace s5  }
0x9d: {  	_ =	strace $0x8FFFFFFF  }
0x9e: {  	s19 =	sld [smem:$0x3FDB];
	_ =	sdelay $0x1  }
0x9f: {  	s6 =	simm.s32 $_scs_section_size  }
0xa0: {  	s7 =	simm.s32 $_size__tile_overlayer_lowered;
	s8 =	simm.s32 $_tile_overlayer_lowered  }
0xa1: {  	s22 =	simm.s32 $0x1BFF;
	s21 =	sshll.u32 s8, $0x1;
	s5 =	sadd.s32 s6, s19  }
0xa2: {  	s9 =	simm.s32 $0x0;
	s20 =	sshll.u32 s7, $0x1;
	s7 =	sadd.s32 s21, s5  }
0xa3: {  	[timem:s9], [sflag:s22] =	dma.local [hbm:s7], s20  }
0xa4: {  	_ =	swait.ge [sflag:s22], s20  }
0xa5: {  	s6 =	ssub.s32 $0x0, s20;
	[sflag:s22] =	ssyncset.done $0x0  }
0xa6: {  	[sflag:s22] =	ssyncadd.s32 s6;
	_ =	sdelay $0x1  }
0xa7: {  	s23 =	simm.s32 $0x1B8B  }
0xa8: {  	_ =	swait.ge [sflag:s23], $0x1  }
0xa9: {  	[sflag:s23] =	ssyncset.done $0x0  }
0xaa: {  	s25 =	simm.s32 $0x1B8E;
	s24 =	sld [smem:$0x3FFE];
	[sflag:s23] =	ssyncadd.s32 $0xFFFFFFFF  }
0xab: {  	s26 =	simm.s32 $execute0_lowered;
	[smem:$0x3FD2] =	sst s25  }
0xac: {  	s7 =	sshll.u32 s26, $0x1;
	_ =	strace $0x80000046;
	[dreg:$0x1] =	wrdreg $0xFFFFFFFF  }
0xad: {  	s28 =	simm.s32 $_size_execute0_lowered;
	s5 =	sadd.s32 s5, s7;
	[dreg:$0x0] =	wrdreg $0x0  }
0xae: {  	s7 =	sshll.u32 s28, $0x1;
	[dreg:$0x2] =	wrdreg s5  }
0xaf: {  	[dreg:$0x3] =	wrdreg s7  }
0xb0: {  	[dreg:$0x4] =	wrdreg $0xC0  }
0xb1: {  	_ =	task [dreg:s9], $0x5FFFF  }
0xb2: {  	[dreg:$0x1] =	wrdreg $0xFFFFFFFF  }
0xb3: {  	[dreg:$0x0] =	wrdreg $0x60  }
0xb4: {  	[dreg:$0x2] =	wrdreg s15  }
0xb5: {  	[dreg:$0x3] =	wrdreg s17  }
0xb6: {  	[dreg:$0x4] =	wrdreg s16  }
0xb7: {  	[dreg:$0x5] =	wrdreg s24  }
0xb8: {  	[dreg:$0x6] =	wrdreg $0x9  }
0xb9: {  	_ =	task.clear_ibuf [dreg:s9], $0x7FFFF;
	_ =	strace $0x90000046  }
0xba: {  	s29 =	simm.s32 $0x9;
	_ =	strace $0x80000048  }
0xbb: {  	_ =	swait.ge [sflag:s29], $0x1  }
0xbc: {  	[sflag:s29] =	ssyncadd.s32 $0xFFFFFFFF  }
0xbd: {  	_ =	strace $0x90000048  }
0xbe: {  	_ =	sfence  }
0xbf: {  	s30 =	sld [smem:$0x0];
	_ =	sdelay $0x2  }
0xc0: {  	s31 =	sshll.u32 s1, $0xD;
	s1 =	sshrl.u32 s1, $0x2  }
0xc1: {  	s3 =	sand.u32 $0x4000, s31;
	s1 =	sadd.s32 s1, s30  }
0xc2: {  	s0 =	sor.u32 s3, s0;
	s1 =	sshll.u32 s1, $0x11  }
0xc3: {  	s0 =	sor.u32 s1, s0  }
0xc4: {  	s0 =	sadd.s32 $0x8F2B, s0  }
0xc5: {  	[sflag:s0] =	ssyncadd.remote.s32 $0x1  }
0xc6: {  	_ =	sfence.sel $0xFFFF  }
0xc7: {  	[dreg:$0x0] =	wrdreg $0xFFFFFFFF;
	(pc) =	sbr.abs _section_cstart, $3  }
0xc8: {  	[dreg:$0x1] =	wrdreg $0xFFFFFFFF  }
0xc9: {  	_ =	task.clear_ibuf [dreg:s9], $0x2FFFF;
	_ =	strace $0x9FFFFFFF  }
0xca: {  	(tm) =	ssettm $0x7FFFFFFF  }
0xcb: {  	_ =	shalt  }
tec
execute0_lowered:
.L_overlay_start_1:
0x0: {  	(tag) =	ssettag $0x1  }
0x1: {  	s2 =	stileid.u32  }
0x2: {  	p0 =	sgt.u32 s2, $0x7  }
.Ltmp0:
0x3: {  	s0 =	rddreg [dreg:$0x0];
	(pc) =	sbr.rel @p0 .LBB2_48-.Ltmp0, $4  }
0x4: {  	s1 =	rddreg [dreg:$0x1]  }
0x5: {  	s3 =	rddreg [dreg:$0x2];
	s5 =	simm.s32 $0x0  }
0x6: {  	[smem:$0x7FF] =	sst s5  }
0x7: {  	s4 =	rddreg [dreg:$0x3];
	_ =	strace $0x80000047  }
0x8: {  	s5 =	srdreg.scid  }
0x9: {  	s2 =	stileid.u32;
	s11 =	simm.s32 $0x400;
	s12 =	simm.s32 $0x1  }
0xa: {  	s13 =	simm.s32 $0x800;
	s5 =	sand.u32 $0x1, s5;
	s6 =	sshll.u32 s2, $0x1  }
0xb: {  	s14 =	simm.s32 $0x1000;
	s15 =	simm.s32 $0x2000;
	s6 =	sor.u32 s5, s6  }
0xc: {  	s16 =	simm.s32 $0x3400;
	s7 =	sshrl.u32 s2, $0x2;
	s8 =	sshll.u32 s6, $0x7  }
0xd: {  	s9 =	sshll.u32 s7, $0xA;
	s7 =	sshll.u32 s7, $0xE;
	s8 =	sand.u32 $0x380, s8  }
0xe: {  	s17 =	simm.s32 $0x3C00;
	s18 =	simm.s32 $0x2C00;
	s7 =	sor.u32 s7, s8  }
0xf: {  	s22 =	simm.s32 $0xFFFFFFFF;
	s23 =	simm.s32 $0x2;
	s7 =	sshrl.u32 s7, $0x3  }
0x10: {  	s31 =	simm.s32 $0x0;
	s9 =	sor.u32 s9, s8;
	s1 =	sadd.s32 s1, s7  }
0x11: {  	s9 =	sshrl.u32 s9, $0x3;
	s24 =	sadd.s32 s3, s7;
	[dreg:$0x5] =	wrdreg s1  }
0x12: {  	s4 =	sadd.s32 s9, s4;
	s0 =	sadd.s32 s0, s7;
	[dreg:$0x6] =	wrdreg s24  }
0x13: {  	s5 =	ssub.s32 $0x2, s5;
	s26 =	sadd.s32 $0xC00, s4;
	[dreg:$0xa] =	wrdreg s0  }
0x14: {  	v1 =	vlaneseq.u32;
	v2 =	vimm.f32 $0.0e+00;
	v3 =	vimm.s32 $0x0;
	s25 =	sshrl.u32 s5, $0x1;
	s28 =	sadd.s32 $0xE00, s4;
	[dreg:$0x7] =	wrdreg s26  }
0x15: {  	v4 =	vimm.s32 $0xF;
	v6 =	vimm.s32 $0xFFFFFFFF;
	v9 =	vmul.u32 $0xFFFFFFFF, v1;
	s1 =	ssub.s32 s5, s25;
	s29 =	sadd.s32 $0x1000, s4;
	[dreg:$0x8] =	wrdreg s28  }
0x16: {  	v7 =	vimm.f32 $-1.000000000e+00;
	v8 =	vimm.f32 $1.000000000e+00;
	vm0 =	vmxor vm0, vm0;
	s6 =	sshll.u32 s6, $0xB;
	[dreg:$0x9] =	wrdreg s29;
	s30 =	smax.u32 s1, $0x1  }
0x17: {  	s2 =	simm.s32 $0x80;
	v5 =	vadd.s32 $0x1, v1;
	v9 =	vadd.s32 $0xF, v9;
	v0 =	vmov s6;
	s24 =	simm.s32 $0x0;
	[dreg:$0xb] =	wrdreg s30  }
.LBB2_2:
0x18: {  	s25 =	simm.s32 $0x0;
	s0 =	rddreg [dreg:$0xa]  }
0x19: {  	[tilespmem:s25], [sflag:$0x1] =	stream.strided.gather [hbm4b:s0+s2], $0x800, s11, s2, $0x38;
	[tilespmem:$0x5D80] =	vst v63  }
0x1a: {  	_ =	swait.ge [sflag:s12], $0x800  }
0x1b: {  	s1 =	simm.s32 $0x2C00;
	[sflag:s12] =	ssyncset.done $0x0  }
0x1c: {  	s3 =	simm.s32 $0x0;
	s0 =	simm.s32 $0x800;
	[sflag:s12] =	ssyncadd.s32 $0xFFFFF800  }
.LBB2_3:
0x1d: {  	p0 =	sne.s32 s3, $0x7F0  }
.Ltmp1:
0x1e: {  	_ = 	snop;
	(pc) =	sbr.rel @p0 .LBB2_3-.Ltmp1, $4  }
0x1f: {  	_ = 	snop  }
0x20: {  	v10 =	vor.u32 s3, v1  }
0x21: {  	[tilespmem:s1+$0x0] =	vst v10  }
0x22: {  	s3 =	sadd.s32 $0x10, s3;
	s1 =	sadd.s32 $0x10, s1;
	[tilespmem:s0+$0x0] =	vst v2;
	s0 =	sadd.s32 $0x10, s0  }
0x23: {  	p0 =	por $0x0, $0x0;
	s26 =	simm.s32 $0x7;
	s28 =	simm.s32 $0xC  }
.LBB2_5:
.Ltmp2:
0x24: {  	(pc) =	sbr.rel @!p0 .LBB2_6-.Ltmp2, $2  }
0x25: {  	_ =	sdelay $0x2  }
0x26: {  	s29 =	sshrl.u32 s13, s25  }
.LBB2_25:
0x27: {  	s3 =	sshll.u32 s12, s25  }
0x28: {  	s4 =	sadd.s32 $0xF, s3  }
0x29: {  	s4 =	sshrl.u32 s4, $0x4  }
0x2a: {  	p2 =	seq.s32 s4, $0x1  }
.Ltmp3:
0x2b: {  	_ = 	snop;
	(pc) =	sbr.rel @p2 .LBB2_26-.Ltmp3, $4  }
0x2c: {  	_ = 	snop  }
0x2d: {  	s2 =	sshrl.u32 s11, s25;
	s5 =	simm.s32 $0x0;
	s3 =	sadd.s32 $0xFFFFFFFF, s3  }
0x2e: {  	s0 =	ssub.s32 $0xB, s25;
	s1 =	sadd.s32 $0xFFFFFFFF, s29;
	p0 =	por $0x0, $0x0;
	v10 =	vmov s2;
	v16 =	vor.u32 s5, v1;
	v12 =	vmov s3  }
0x2f: {  	v13 =	vmov s29;
	p1 =	por $0x0, $0x0;
	v11 =	vadd.s32 $0xFFFFFFFF, v10;
	s3 =	simm.s32 $0x2000;
	vm1 =	vlt.s32 v16, v12;
	s4 =	sadd.s32 $0xFFFFFFFF, s4  }
0x30: {  	v14 =	vsel vm1, v16, v12  }
0x31: {  	v14 =	vmul.u32 v13, v14;
	_ =	sdelay $0x1  }
0x32: {  	v15 =	vadd.s32 v10, v14  }
0x33: {  	p2 =	seq.s32 s4, $0x1;
	v17 =	vadd.s32 v11, v14  }
.Ltmp4:
0x34: {  	_ = 	snop;
	(pc) =	sbr.rel @p2 .LBB2_28-.Ltmp4, $4  }
0x35: {  	_ = 	snop  }
0x36: {  	s2 =	simm.s32 $0x10  }
0x37: {  	v16 =	vor.u32 s2, v1;
	v14 =	vld.idx.msk [tilespmem:v15+s14+$0x0], $0xffff  }
0x38: {  	s4 =	sadd.s32 $0xFFFFFFFF, s4;
	p0 =	por $0x1, $0x1;
	vm1 =	vlt.s32 v16, v12;
	v15 =	vld.idx.msk [tilespmem:v17+s14+$0x0], $0xffff  }
0x39: {  	_ = 	snop  }
0x3a: {  	v16 =	vsel vm1, v16, v12  }
0x3b: {  	v16 =	vmul.u32 v13, v16;
	_ =	sdelay $0x1  }
0x3c: {  	v17 =	vadd.s32 v10, v16;
	v14 =	vadd.f32 v14, v15  }
0x3d: {  	v15 =	vadd.s32 v11, v16  }
0x3e: {  	p2 =	seq.s32 s4, $0x1;
	v14 =	vmul.f32 $5.000000000e-01, v14  }
.Ltmp5:
0x3f: {  	_ = 	snop;
	(pc) =	sbr.rel @p2 .LBB2_30-.Ltmp5, $4  }
0x40: {  	[tilespmem:s3+$0x0] =	vst v14  }
0x41: {  	s5 =	simm.s32 $0x20;
	v14 =	vld.idx.msk [tilespmem:v17+s14+$0x0], $0xffff  }
0x42: {  	v16 =	vor.u32 s5, v1;
	v15 =	vld.idx.msk [tilespmem:v15+s14+$0x0], $0xffff  }
0x43: {  	s6 =	sadd.s32 $0xFFFFFFFF, s4;
	p1 =	por $0x1, $0x1;
	s4 =	simm.s32 $0x2000;
	vm1 =	vlt.s32 v16, v12  }
.LBB2_31:
0x44: {  	p2 =	seq.s32 s6, $0x1;
	v16 =	vsel vm1, v16, v12  }
0x45: {  	v16 =	vmul.u32 v13, v16;
	_ =	sdelay $0x1  }
0x46: {  	v14 =	vadd.f32 v14, v15;
	v17 =	vadd.s32 v10, v16  }
0x47: {  	v15 =	vadd.s32 v11, v16  }
0x48: {  	v14 =	vmul.f32 $5.000000000e-01, v14  }
0x49: {  	s4 =	sadd.s32 $0x10, s4  }
.Ltmp6:
0x4a: {  	[tilespmem:s4+$0x0] =	vst v14;
	(pc) =	sbr.rel @!p2 .LBB2_31-.Ltmp6, $4  }
0x4b: {  	v14 =	vld.idx.msk [tilespmem:v17+s14+$0x0], $0xffff  }
0x4c: {  	s5 =	sadd.s32 $0x10, s5;
	v15 =	vld.idx.msk [tilespmem:v15+s14+$0x0], $0xffff  }
0x4d: {  	v16 =	vor.u32 s5, v1  }
0x4e: {  	s6 =	sadd.s32 $0xFFFFFFFF, s6;
	vm1 =	vlt.s32 v16, v12  }
.LBB2_32:
0x4f: {  	v12 =	vsel vm1, v16, v12  }
0x50: {  	v12 =	vmul.u32 v13, v12;
	_ =	sdelay $0x1  }
0x51: {  	v14 =	vadd.f32 @p0 v14, v15;
	v13 =	vadd.s32 v10, v12  }
0x52: {  	v11 =	vadd.s32 v11, v12  }
0x53: {  	s2 =	sadd.s32 @p1 $0x10, s4;
	s4 =	simm.s32 $0x2000;
	v12 =	vmul.f32 @p0 $5.000000000e-01, v14  }
0x54: {  	s4 =	smov.u32 @p1 s2  }
0x55: {  	[tilespmem:s4+$0x0] =	vst @p0 v12  }
0x56: {  	v12 =	vld.idx.msk [tilespmem:v13+s14+$0x0], $0xffff  }
0x57: {  	v11 =	vld.idx.msk [tilespmem:v11+s14+$0x0], $0xffff;
	_ =	sdelay $0x4  }
0x58: {  	v11 =	vadd.f32 v12, v11;
	_ =	sdelay $0x1  }
0x59: {  	s2 =	sadd.s32 @p0 $0x10, s4;
	v11 =	vmul.f32 $5.000000000e-01, v11  }
0x5a: {  	s3 =	smov.u32 @p0 s2  }
0x5b: {  	[tilespmem:s3+$0x0] =	vst v11;
	v11 =	vmov s1;
	s1 =	simm.s32 $0x0  }
0x5c: {  	v15 =	vmov s0;
	v12 =	vor.u32 s1, v1  }
0x5d: {  	v16 =	vshrl.u32 v12, v15;
	_ =	sdelay $0x3  }
0x5e: {  	v17 =	vld [tilespmem:s1+$0x0]  }
0x5f: {  	v16 =	vld.idx.msk [tilespmem:v16+s15+$0x0], $0xffff;
	_ =	sdelay $0x4  }
0x60: {  	v16 =	vsub.f32 v17, v16;
	_ =	sdelay $0x1  }
0x61: {  	v16 =	vmul.f32 $1.000000000e+01, v16;
	_ =	sdelay $0x1  }
0x62: {  	vm1 =	vge.f32 v16, $3.305183610e-07  }
0x63: {  	v16 =	vsel vm1, $0x1, v3  }
0x64: {  	(xrf0) =	vadd.scan.msk.s32 $0xffff, v16  }
0x65: {  	v13 =	vxor.u32 $0xFFFFFFFF, v11  }
0x66: {  	v18 =	vand.u32 v13, v12;
	v17 =	vmov s1  }
0x67: {  	v17 =	vsub.s32 v18, v17  }
0x68: {  	vm1 =	vgt.s32 v17, $0x1  }
0x69: {  	v17 =	vnsel vm1, $0x1, v17  }
0x6a: {  	s3 =	simm.s32 $0x10;
	v17 =	vadd.s32 $0xFFFFFFFF, v17;
	v19, _, _ =	vpop (xrf0)  }
0x6b: {  	v20 =	vor.u32 s3, v1;
	v17 =	vperm.xlane v19, v17  }
0x6c: {  	v21 =	vshrl.u32 v20, v15;
	vm1 =	vgt.s32 v18, s1  }
0x6d: {  	v14 =	vimm.s32 $0x0;
	vm2 =	vlt.u32 v18, s1;
	v17 =	vnsel vm1, $0x0, v17  }
0x6e: {  	s0 =	simm.s32 $0x2400;
	v18 =	vnsel vm2, $0x0, v14;
	v17 =	vsub.s32 v19, v17  }
0x6f: {  	s29 =	simm.s32 $0x1800;
	[tilespmem:s0+$0x0] =	vst v16;
	v16 =	vadd.s32 v18, v17  }
0x70: {  	[tilespmem:s29+$0x0] =	vst v16  }
0x71: {  	v17 =	vld.idx.msk [tilespmem:v21+s15+$0x0], $0xffff  }
0x72: {  	v18 =	vld [tilespmem:s3+$0x0];
	_ =	sdelay $0x4  }
0x73: {  	v17 =	vsub.f32 v18, v17  }
0x74: {  	v19 =	vadd.s32 s1, v5  }
0x75: {  	v18 =	vand.u32 v11, v19;
	v17 =	vmul.f32 $1.000000000e+01, v17  }
0x76: {  	vm2 =	vne.s32 v16, v10;
	vm1 =	veq.s32 v18, $0x0  }
0x77: {  	vm1 =	vmand vm1, vm2;
	vm2 =	vge.f32 v17, $3.305183610e-07  }
0x78: {  	v17 =	vand.u32 v13, v20;
	v20 =	vsel vm2, $0x1, v3  }
0x79: {  	(xrf0) =	vadd.scan.msk.s32 $0xffff, v20;
	_ =	sdelay $0x1  }
0x7a: {  	v18 =	vmov s3  }
0x7b: {  	s5 =	simm.s32 $0x2410;
	s7 =	simm.s32 $0x30;
	v19 =	vsel vm1, $0x1, v3;
	v18 =	vsub.s32 v17, v18  }
0x7c: {  	s19 =	simm.s32 $0x1800;
	s6 =	simm.s32 $0x10;
	s4 =	simm.s32 $0x20;
	v16 =	vperm.xlane v16, v4;
	v14 =	vor.u32 v19, v14;
	[tilespmem:s5+$0x0] =	vst v20;
	vm1 =	vgt.s32 v18, $0x1  }
.LBB2_33:
0x7d: {  	p0 =	sne.s32 s7, $0x7F0;
	v18 =	vnsel vm1, $0x1, v18  }
0x7e: {  	v18 =	vadd.s32 $0xFFFFFFFF, v18;
	v19, _, _ =	vpop (xrf0)  }
0x7f: {  	v20 =	vor.u32 s4, v1;
	v18 =	vperm.xlane v19, v18  }
0x80: {  	vm1 =	vgt.s32 v17, s3;
	v21 =	vshrl.u32 v20, v15  }
0x81: {  	v18 =	vnsel vm1, $0x0, v18;
	vm1 =	vlt.u32 v17, s3  }
0x82: {  	v17 =	vsub.s32 v19, v18;
	v16 =	vnsel vm1, $0x0, v16;
	v18 =	vadd.s32 s3, v5;
	s3 =	smov.u32 s4;
	s4 =	smov.u32 s7  }
0x83: {  	s19 =	sadd.s32 $0x10, s19;
	v17 =	vadd.s32 v16, v17;
	v18 =	vand.u32 v11, v18  }
0x84: {  	[tilespmem:s19+$0x0] =	vst v17;
	v16 =	vperm.xlane v17, v4;
	vm1 =	veq.s32 v18, $0x0;
	vm2 =	vne.s32 v17, v10  }
0x85: {  	s6 =	sadd.s32 $0x10, s6;
	v17 =	vld.idx.msk [tilespmem:v21+s15+$0x0], $0xffff;
	vm1 =	vmand vm1, vm2  }
0x86: {  	v18 =	vld [tilespmem:s6+$0x0];
	v19 =	vsel vm1, $0x1, v3  }
0x87: {  	v14 =	vor.u32 v19, v14;
	_ =	sdelay $0x3  }
0x88: {  	v17 =	vsub.f32 v18, v17;
	_ =	sdelay $0x1  }
0x89: {  	v17 =	vmul.f32 $1.000000000e+01, v17;
	_ =	sdelay $0x1  }
0x8a: {  	vm1 =	vge.f32 v17, $3.305183610e-07  }
0x8b: {  	s5 =	sadd.s32 $0x10, s5;
	v17 =	vsel vm1, $0x1, v3  }
.Ltmp7:
0x8c: {  	[tilespmem:s5+$0x0] =	vst v17;
	(xrf0) =	vadd.scan.msk.s32 $0xffff, v17;
	(pc) =	sbr.rel @p0 .LBB2_33-.Ltmp7, $4  }
0x8d: {  	_ = 	snop  }
0x8e: {  	v18 =	vmov s3;
	v17 =	vand.u32 v13, v20  }
0x8f: {  	v18 =	vsub.s32 v17, v18  }
0x90: {  	s7 =	sadd.s32 $0x10, s7;
	vm1 =	vgt.s32 v18, $0x1  }
0x91: {  	v18 =	vnsel vm1, $0x1, v18  }
0x92: {  	v18 =	vadd.s32 $0xFFFFFFFF, v18;
	v19, _, _ =	vpop (xrf0)  }
0x93: {  	v20 =	vor.u32 s4, v1;
	v18 =	vperm.xlane v19, v18  }
0x94: {  	vm1 =	vgt.s32 v17, s3;
	v15 =	vshrl.u32 v20, v15  }
0x95: {  	v18 =	vnsel vm1, $0x0, v18;
	vm1 =	vlt.u32 v17, s3  }
0x96: {  	v17 =	vsub.s32 v19, v18;
	v16 =	vnsel vm1, $0x0, v16  }
0x97: {  	s2 =	sadd.s32 $0x10, s19;
	v16 =	vadd.s32 v16, v17  }
0x98: {  	[tilespmem:s2+$0x0] =	vst v16  }
0x99: {  	s6 =	sadd.s32 $0x10, s6;
	v15 =	vld.idx.msk [tilespmem:v15+s15+$0x0], $0xffff  }
0x9a: {  	v17 =	vld [tilespmem:s6+$0x0];
	_ =	sdelay $0x4  }
0x9b: {  	v15 =	vsub.f32 v17, v15;
	_ =	sdelay $0x1  }
0x9c: {  	v15 =	vmul.f32 $1.000000000e+01, v15;
	_ =	sdelay $0x1  }
0x9d: {  	vm1 =	vge.f32 v15, $3.305183610e-07  }
0x9e: {  	v15 =	vsel vm1, $0x1, v3  }
0x9f: {  	(xrf0) =	vadd.scan.msk.s32 $0xffff, v15;
	_ =	sdelay $0x1  }
0xa0: {  	v13 =	vand.u32 v13, v20;
	v17 =	vmov s4  }
0xa1: {  	v17 =	vsub.s32 v13, v17  }
0xa2: {  	vm1 =	vgt.s32 v17, $0x1  }
0xa3: {  	v17 =	vnsel vm1, $0x1, v17  }
0xa4: {  	v17 =	vadd.s32 $0xFFFFFFFF, v17;
	v59, _, _ =	vpop (xrf0)  }
0xa5: {  	v17 =	vperm.xlane v59, v17  }
0xa6: {  	v60 =	vperm.xlane v16, v4;
	vm1 =	vgt.s32 v13, s4  }
0xa7: {  	v17 =	vnsel vm1, $0x0, v17;
	vm1 =	vlt.u32 v13, s4  }
0xa8: {  	s5 =	sadd.s32 $0x10, s5;
	v13 =	vsub.s32 v59, v17;
	v17 =	vnsel vm1, $0x0, v60  }
0xa9: {  	s2 =	sadd.s32 $0x10, s2;
	[tilespmem:s5+$0x0] =	vst v15;
	v17 =	vadd.s32 v17, v13  }
0xaa: {  	[tilespmem:s2+$0x0] =	vst v17  }
0xab: {  	v13 =	vld [tilespmem:s29+$0x0]  }
0xac: {  	v15 =	vld [tilespmem:s0+$0x0];
	_ =	sdelay $0x4  }
0xad: {  	v61 =	vand.u32 v11, v12;
	v13 =	vsub.s32 v13, v15  }
0xae: {  	vm1 =	veq.s32 v15, $0x1;
	v62 =	vsub.s32 v61, v13;
	v13 =	vadd.s32 v10, v13  }
0xaf: {  	v12 =	vsub.s32 v12, v61;
	v13 =	vsel vm1, v13, v62  }
0xb0: {  	s5 =	simm.s32 $0x3400;
	v13 =	vadd.s32 v12, v13  }
0xb1: {  	vm2 =	veq.s32 v15, $0x0;
	v12 =	vadd.s32 s3, v5;
	[tilespmem:s5+$0x0] =	vst v13  }
0xb2: {  	v63 =	vadd.s32 s4, v5;
	v12 =	vand.u32 v11, v12;
	v15 =	vld [tilespmem:s1+$0x0]  }
0xb3: {  	vm4 =	vne.s32 v16, v10;
	vm3 =	veq.s32 v12, $0x0;
	v12 =	vand.u32 v11, v63  }
0xb4: {  	vm5 =	vne.s32 v17, v10;
	vm3 =	vmand vm3, vm4;
	vm15 =	veq.s32 v12, $0x0  }
0xb5: {  	v12 =	vsel vm3, $0x1, v3;
	vm3 =	vmand vm15, vm5  }
0xb6: {  	v16 =	vsel vm3, $0x1, v3;
	v12 =	vor.u32 v12, v14  }
0xb7: {  	s3 =	simm.s32 $0x10;
	s1 =	simm.s32 $0x10;
	v12 =	vor.u32 v16, v12;
	[tilespmem:v13+s13+$0x0] =	vst.idx.add.f32.msk vm2, v15  }
.LBB2_35:
0xb8: {  	[tilespmem:v13+s13+$0x0] =	vst.idx.add.f32.msk vm1, v15;
	s0 =	sadd.s32 $0x10, s0;
	s29 =	sadd.s32 $0x10, s29;
	s5 =	sadd.s32 $0x10, s5  }
0xb9: {  	p0 =	sne.s32 s1, $0x7F0;
	s2 =	smov.u32 s1;
	s1 =	sadd.s32 $0x10, s1;
	v13 =	vld [tilespmem:s29+$0x0]  }
0xba: {  	v14 =	vld [tilespmem:s0+$0x0];
	_ =	sdelay $0x3  }
0xbb: {  	v15 =	vor.u32 s2, v1  }
0xbc: {  	v16 =	vand.u32 v11, v15;
	v13 =	vsub.s32 v13, v14  }
0xbd: {  	vm1 =	veq.s32 v14, $0x1;
	v17 =	vsub.s32 v16, v13;
	v13 =	vadd.s32 v10, v13  }
0xbe: {  	v15 =	vsub.s32 v15, v16;
	v13 =	vsel vm1, v13, v17  }
0xbf: {  	v13 =	vadd.s32 v15, v13  }
0xc0: {  	vm2 =	veq.s32 v14, $0x0;
	[tilespmem:s5+$0x0] =	vst v13  }
0xc1: {  	v15 =	vld [tilespmem:s3+$0x0]  }
.Ltmp8:
0xc2: {  	(pc) =	sbr.rel @p0 .LBB2_35-.Ltmp8, $2  }
0xc3: {  	_ =	sdelay $0x2  }
0xc4: {  	s3 =	sadd.s32 $0x10, s3;
	[tilespmem:v13+s13+$0x0] =	vst.idx.add.f32.msk vm2, v15  }
0xc5: {  	_ =	sdelay $0x4  }
0xc6: {  	[tilespmem:v13+s13+$0x0] =	vst.idx.add.f32.msk vm1, v15;
	s0 =	simm.s32 $0x0  }
0xc7: {  	v10 =	vld [tilespmem:s0+$0x2C00];
	_ =	sdelay $0x1  }
0xc8: {  	v11 =	vld [tilespmem:s0+$0x800];
	_ =	sdelay $0x3  }
0xc9: {  	[tilespmem:s0+$0x800] =	vst v2  }
0xca: {  	[tilespmem:s0+$0x0] =	vst v11  }
0xcb: {  	v10 =	vld.idx.msk [tilespmem:v10+s16+$0x0], $0xffff;
	_ =	sdelay $0x3  }
0xcc: {  	s1 =	simm.s32 $0x40  }
.LBB2_37:
0xcd: {  	p0 =	sne.s32 s1, $0x1FC0;
	[tilespmem:s0+$0x2C00] =	vst v10;
	s0 =	sshra.s32 s1, $0x2  }
0xce: {  	v10 =	vld [tilespmem:s0+$0x2C00];
	_ =	sdelay $0x1  }
0xcf: {  	v11 =	vld [tilespmem:s0+$0x800];
	_ =	sdelay $0x3  }
0xd0: {  	[tilespmem:s0+$0x800] =	vst v2  }
0xd1: {  	[tilespmem:s0+$0x0] =	vst v11  }
0xd2: {  	v10 =	vld.idx.msk [tilespmem:v10+s16+$0x0], $0xffff  }
.Ltmp9:
0xd3: {  	(pc) =	sbr.rel @p0 .LBB2_37-.Ltmp9, $2  }
0xd4: {  	_ =	sdelay $0x2  }
0xd5: {  	s1 =	sadd.s32 $0x40, s1  }
0xd6: {  	v11 =	vxor.u32 $0x80000000, v12  }
0xd7: {  	(xrf0) =	vmax.scan.msk.u32 $0xffff, v11;
	_ =	sdelay $0x5  }
0xd8: {  	v11, _, _ =	vpop (xrf0)  }
0xd9: {  	(v2sf) =	vpush v11, $0xF;
	_ =	sdelay $0x9  }
0xda: {  	s25 =	sadd.s32 $0x1, s25  }
0xdb: {  	p1 =	sne.s32 s25, $0xB  }
.Ltmp10:
0xdc: {  	_ = 	snop;
	(pc) =	sbr.rel @p1 .LBB2_5-.Ltmp10, $4  }
.Ltmp11:
0xdd: {  	_ = 	snop;
	(pc) =	sbr.rel @!p1 .LBB2_39-.Ltmp11, $4  }
0xde: {  	_ = 	snop  }
0xdf: {  	s26 =	sadd.s32 $0xFFFFFFFF, s26;
	s1 =	spop (v2sf)  }
0xe0: {  	[tilespmem:s0+$0x2C00] =	vst v10;
	s28 =	sadd.s32 $0xFFFFFFFF, s28;
	s0 =	simm.s32 $0x0;
	p0 =	slt.u32 s1, $0x80000001  }
0xe1: {  	_ = 	snop  }
.LBB2_6:
0xe2: {  	p0 =	sgt.u32 s25, $0x7  }
.Ltmp12:
0xe3: {  	_ = 	snop;
	(pc) =	sbr.rel @p0 .LBB2_17-.Ltmp12, $2  }
0xe4: {  	_ =	sdelay $0x2  }
0xe5: {  	s0 =	simm.s32 $0x0  }
0xe6: {  	s0 =	simm.s32 $0x0  }
0xe7: {  	v10 =	vld [tilespmem:s0+$0x0]  }
0xe8: {  	s1 =	simm.s32 $0x10  }
0xe9: {  	v11 =	vld [tilespmem:s1+$0x0];
	_ =	sdelay $0x2  }
0xea: {  	(xrf1) =	vsort.ascd.msk.f32 $0xffff, v10, v10;
	_ =	sdelay $0x1  }
0xeb: {  	(xrf1) =	vsort.ascd.msk.f32 $0xffff, v11, v11;
	_ =	sdelay $0x5  }
0xec: {  	s3 =	simm.s32 $0x20  }
0xed: {  	s30 =	smax.u32 s26, $0x1;
	s4 =	simm.s32 $0xC0;
	v10 =	vld [tilespmem:s3+$0x0]  }
.LBB2_8:
0xee: {  	p0 =	sne.s32 s4, $0x1FC0  }
.Ltmp13:
0xef: {  	_ = 	snop;
	(pc) =	sbr.rel @p0 .LBB2_8-.Ltmp13, $3  }
0xf0: {  	_ =	sdelay $0x1  }
0xf1: {  	s5 =	sshra.s32 s4, $0x2;
	s4 =	sadd.s32 $0x40, s4;
	v11, _, _ =	vpop (xrf1);
	_ =	sdelay $0x1  }
0xf2: {  	(xrf1) =	vsort.ascd.msk.f32 $0xffff, v10, v10;
	v10 =	vld [tilespmem:s5+$0x0];
	[tilespmem:s0+$0x1000] =	vst v11;
	s0 =	smov.u32 s1;
	s1 =	smov.u32 s3;
	s3 =	smov.u32 s5  }
0xf3: {  	_ =	sdelay $0x2  }
0xf4: {  	(xrf1) =	vsort.ascd.msk.f32 $0xffff, v10, v10;
	_ =	sdelay $0x9  }
0xf5: {  	p0 =	seq.s32 s25, $0x7  }
.Ltmp14:
0xf6: {  	_ = 	snop;
	(pc) =	sbr.rel @p0 .LBB2_25-.Ltmp14, $4  }
.Ltmp15:
0xf7: {  	v10, _, _ =	vpop (xrf1);
	(pc) =	sbr.rel @!p0 .LBB2_10-.Ltmp15, $4  }
0xf8: {  	[tilespmem:s0+$0x1000] =	vst v10;
	v10, _, _ =	vpop (xrf1)  }
0xf9: {  	[tilespmem:s1+$0x1000] =	vst v10;
	v10, _, _ =	vpop (xrf1)  }
0xfa: {  	s0 =	simm.s32 $0x0;
	[tilespmem:s3+$0x1000] =	vst v10  }
0xfb: {  	_ = 	snop  }
.LBB2_24:
0xfc: {  	s0 =	sadd.s32 $0x1, s0  }
0xfd: {  	p0 =	sne.s32 s0, $0x80  }
.Ltmp16:
0xfe: {  	_ = 	snop;
	(pc) =	sbr.rel @!p0 .LBB2_25-.Ltmp16, $3  }
0xff: {  	_ =	sdelay $0x1  }
0x100: {  	[tilespmem:s1+$0x1000] =	vst v11  }
0x101: {  	[tilespmem:s1+$0x800] =	vst v2  }
.LBB2_17:
0x102: {  	s1 =	sshll.u32 s0, $0x4  }
0x103: {  	s3 =	simm.s32 $0x1;
	s4 =	simm.s32 $0x0;
	v11 =	vld [tilespmem:s1+$0x0];
	v10 =	vmov s1  }
.LBB2_18:
0x104: {  	p1 =	sne.s32 s4, $0x0  }
.Ltmp17:
0x105: {  	_ = 	snop;
	(pc) =	sbr.rel @!p1 .LBB2_19-.Ltmp17, $4  }
0x106: {  	s2 =	sshll.u32 s12, s3  }
0x107: {  	vm1 =	vmmov vm0;
	v12 =	vand.u32 s2, v1;
	p0 =	seq.s32 s2, s29  }
0x108: {  	vm2 =	veq.s32 v12, $0x0;
	vm1 =	vmneg @p0 vm1  }
0x109: {  	s5 =	sshll.u32 s12, s4;
	s7 =	sadd.s32 $0xFFFFFFFF, s4;
	p0 =	por $0x0, $0x0;
	vm1 =	vmor vm1, vm2  }
0x10a: {  	v12 =	vxor.u32 s5, v1  }
0x10b: {  	v12 =	vadd.s32 v10, v12  }
0x10c: {  	p1 =	sne.s32 s7, $0x0  }
.Ltmp18:
0x10d: {  	_ = 	snop;
	(pc) =	sbr.rel @!p1 .LBB2_21-.Ltmp18, $4  }
0x10e: {  	_ = 	snop  }
0x10f: {  	[tilespmem:s1+$0x800] =	vst v11  }
0x110: {  	v12 =	vld.idx.msk [tilespmem:v12+s13+$0x0], $0xffff  }
0x111: {  	s6 =	sshll.u32 s12, s7;
	s7 =	sadd.s32 $0xFFFFFFFF, s7;
	p0 =	por $0x1, $0x1;
	v13 =	vmov v11  }
.LBB2_22:
0x112: {  	p1 =	sne.s32 s7, $0x0;
	v14 =	vxor.u32 s6, v1  }
0x113: {  	v15 =	vand.u32 s5, v1;
	s5 =	smov.u32 s6;
	v14 =	vadd.s32 v10, v14  }
0x114: {  	vm2 =	vne.s32 v15, $0x0  }
0x115: {  	vm2 =	vmxor vm1, vm2;
	v15 =	vmin.f32 v13, v12;
	v12 =	vmax.f32 v13, v12  }
.Ltmp19:
0x116: {  	v13 =	vsel vm2, v15, v12;
	(pc) =	sbr.rel @p1 .LBB2_22-.Ltmp19, $3  }
0x117: {  	[tilespmem:s1+$0x800] =	vst v13  }
0x118: {  	v12 =	vld.idx.msk [tilespmem:v14+s13+$0x0], $0xffff;
	_ =	sdelay $0x1  }
0x119: {  	s6 =	sshll.u32 s12, s7;
	s7 =	sadd.s32 $0xFFFFFFFF, s7  }
.LBB2_23:
0x11a: {  	v14 =	vxor.u32 s6, v1;
	v15 =	vand.u32 @p0 s5, v1  }
0x11b: {  	v14 =	vadd.s32 v10, v14;
	vm2 =	vne.s32 @p0 v15, $0x0  }
0x11c: {  	vm2 =	vmxor @p0 vm1, vm2;
	v15 =	vmin.f32 @p0 v13, v12;
	v12 =	vmax.f32 @p0 v13, v12  }
0x11d: {  	v12 =	vsel @p0 vm2, v15, v12  }
0x11e: {  	v11 =	vpsel p0, v12, v11  }
0x11f: {  	[tilespmem:s1+$0x800] =	vst v11  }
0x120: {  	s3 =	sadd.s32 $0x1, s3;
	v61 =	vld.idx.msk [tilespmem:v14+s13+$0x0], $0xffff  }
0x121: {  	p0 =	sne.s32 s3, s28  }
.Ltmp20:
0x122: {  	_ = 	snop;
	(pc) =	sbr.rel @p0 .LBB2_18-.Ltmp20, $4  }
.Ltmp21:
0x123: {  	v62 =	vand.u32 s6, v1;
	(pc) =	sbr.rel @!p0 .LBB2_24-.Ltmp21, $4  }
0x124: {  	vm2 =	vne.s32 v62, $0x0  }
0x125: {  	vm1 =	vmxor vm1, vm2;
	v63 =	vmin.f32 v11, v61;
	v11 =	vmax.f32 v11, v61  }
0x126: {  	s4 =	sadd.s32 $0x1, s4;
	v11 =	vsel vm1, v63, v11  }
0x127: {  	_ = 	snop  }
.LBB2_19:
.Ltmp22:
0x128: {  	(pc) =	sbr.rel .LBB2_23-.Ltmp22, $2  }
0x129: {  	_ =	sdelay $0x2  }
0x12a: {  	s6 =	smov.u32 s5;
	v13 =	vmov v11  }
.LBB2_21:
.Ltmp23:
0x12b: {  	(pc) =	sbr.rel .LBB2_23-.Ltmp23, $2  }
0x12c: {  	_ =	sdelay $0x2  }
0x12d: {  	v13 =	vmov v11  }
.LBB2_16:
0x12e: {  	s0 =	sadd.s32 $0x1, s0  }
0x12f: {  	p0 =	seq.s32 s0, s30  }
.Ltmp24:
0x130: {  	_ = 	snop;
	(pc) =	sbr.rel @p0 .LBB2_25-.Ltmp24, $1  }
0x131: {  	_ =	sdelay $0x3  }
.LBB2_10:
0x132: {  	s1 =	sshll.u32 s22, s0  }
0x133: {  	s19 =	sxor.u32 $0xFFFFFFFF, s1  }
0x134: {  	s3 =	sshrl.u32 s31, s0;
	s4 =	sand.u32 s19, s31  }
0x135: {  	s1 =	sshll.u32 s23, s0;
	s3 =	sshll.u32 s3, $0x1;
	s5 =	sxor.u32 $0xFFFFFFFF, s4  }
0x136: {  	s3 =	sshll.u32 s3, s0;
	s5 =	sadd.s32 s5, s1  }
0x137: {  	s5 =	sadd.s32 s3, s5  }
0x138: {  	s5 =	sshll.u32 s5, $0x6  }
0x139: {  	s3 =	sadd.s32 s4, s3;
	s2 =	sshra.s32 s5, $0x2  }
0x13a: {  	s3 =	sshll.u32 s3, $0x6;
	v10 =	vld [tilespmem:s2+$0x1000]  }
0x13b: {  	s3 =	sshra.s32 s3, $0x2  }
0x13c: {  	v11 =	vld [tilespmem:s3+$0x1000];
	_ =	sdelay $0x2  }
0x13d: {  	v10 =	vperm.xlane v10, v9;
	_ =	sdelay $0x1  }
0x13e: {  	v12 =	vmin.f32 v11, v10  }
0x13f: {  	v10 =	vmax.f32 v11, v10;
	(xrf1) =	vsort.ascd.msk.f32 $0xffff, v12, v12  }
0x140: {  	(xrf1) =	vsort.ascd.msk.f32 $0xffff, v10, v10;
	_ =	sdelay $0x8  }
0x141: {  	s7 =	simm.s32 $0x20  }
0x142: {  	s6 =	sshrl.u32 s7, s0;
	s5 =	sand.u32 s19, s7  }
0x143: {  	s6 =	sshll.u32 s6, $0x1;
	s7 =	sxor.u32 $0xFFFFFFFF, s5  }
0x144: {  	s6 =	sshll.u32 s6, s0;
	s7 =	sadd.s32 s7, s1  }
0x145: {  	s7 =	sadd.s32 s6, s7;
	v10, _, _ =	vpop (xrf1)  }
0x146: {  	s8 =	sshll.u32 s7, $0x6;
	[tilespmem:s3+$0x1000] =	vst v10;
	v10, _, _ =	vpop (xrf1)  }
0x147: {  	s6 =	sadd.s32 s5, s6;
	s5 =	sshra.s32 s8, $0x2;
	[tilespmem:s2+$0x1000] =	vst v10  }
0x148: {  	s9 =	sshll.u32 s6, $0x6;
	v10 =	vld [tilespmem:s5+$0x1000]  }
0x149: {  	s8 =	sshra.s32 s9, $0x2  }
0x14a: {  	v11 =	vld [tilespmem:s8+$0x1000];
	_ =	sdelay $0x2  }
0x14b: {  	v10 =	vperm.xlane v10, v9;
	_ =	sdelay $0x1  }
0x14c: {  	v63 =	vmin.f32 v11, v10  }
0x14d: {  	v10 =	vmax.f32 v11, v10;
	(xrf1) =	vsort.ascd.msk.f32 $0xffff, v63, v63  }
0x14e: {  	(xrf1) =	vsort.ascd.msk.f32 $0xffff, v10, v10;
	_ =	sdelay $0x8  }
0x14f: {  	s3 =	simm.s32 $0x1  }
0x150: {  	s10 =	sshrl.u32 s3, s0;
	s20 =	sand.u32 s19, s3  }
0x151: {  	s4 =	sshll.u32 s10, $0x1;
	s21 =	sxor.u32 $0xFFFFFFFF, s20  }
0x152: {  	s4 =	sshll.u32 s4, s0;
	s7 =	sadd.s32 s21, s1  }
0x153: {  	s6 =	sadd.s32 s20, s4;
	s7 =	sadd.s32 s4, s7;
	v10, _, _ =	vpop (xrf1)  }
0x154: {  	s4 =	simm.s32 $0x2;
	s6 =	sshll.u32 s6, $0x6;
	s7 =	sshll.u32 s7, $0x6;
	[tilespmem:s8+$0x1000] =	vst v10;
	v10, _, _ =	vpop (xrf1)  }
.LBB2_11:
0x155: {  	p0 =	seq.s32 s4, $0x1F  }
0x156: {  	s7 =	sshra.s32 s7, $0x2;
	[tilespmem:s5+$0x1000] =	vst v10;
	s5 =	smov.u32 s4;
	s4 =	sadd.s32 $0x1, s4  }
0x157: {  	v10 =	vld [tilespmem:s7+$0x1000]  }
0x158: {  	s6 =	sshra.s32 s6, $0x2  }
0x159: {  	v11 =	vld [tilespmem:s6+$0x1000];
	_ =	sdelay $0x2  }
0x15a: {  	v10 =	vperm.xlane v10, v9;
	_ =	sdelay $0x1  }
0x15b: {  	v12 =	vmin.f32 v11, v10;
	v10 =	vmax.f32 v11, v10  }
0x15c: {  	(xrf1) =	vsort.ascd.msk.f32 $0xffff, v12, v12  }
0x15d: {  	(xrf1) =	vsort.ascd.msk.f32 $0xffff, v10, v10;
	_ =	sdelay $0x8  }
0x15e: {  	s8 =	sadd.s32 $0x20, s3;
	s3 =	smov.u32 s5  }
0x15f: {  	s5 =	sshrl.u32 s8, s0;
	s8 =	sand.u32 s19, s8  }
0x160: {  	s5 =	sshll.u32 s5, $0x1;
	s9 =	sxor.u32 $0xFFFFFFFF, s8  }
0x161: {  	s5 =	sshll.u32 s5, s0;
	s9 =	sadd.s32 s9, s1  }
0x162: {  	s8 =	sadd.s32 s8, s5;
	s5 =	sadd.s32 s5, s9;
	v10, _, _ =	vpop (xrf1)  }
0x163: {  	s5 =	sshll.u32 s5, $0x6;
	[tilespmem:s6+$0x1000] =	vst v10;
	s6 =	sshll.u32 s8, $0x6;
	v10, _, _ =	vpop (xrf1)  }
0x164: {  	s5 =	sshra.s32 s5, $0x2;
	[tilespmem:s7+$0x1000] =	vst v10  }
0x165: {  	v10 =	vld [tilespmem:s5+$0x1000]  }
0x166: {  	s8 =	sshra.s32 s6, $0x2  }
0x167: {  	v11 =	vld [tilespmem:s8+$0x1000];
	_ =	sdelay $0x2  }
0x168: {  	v10 =	vperm.xlane v10, v9;
	_ =	sdelay $0x1  }
0x169: {  	v12 =	vmin.f32 v11, v10;
	v10 =	vmax.f32 v11, v10  }
0x16a: {  	(xrf1) =	vsort.ascd.msk.f32 $0xffff, v12, v12  }
0x16b: {  	(xrf1) =	vsort.ascd.msk.f32 $0xffff, v10, v10;
	_ =	sdelay $0x9  }
.Ltmp25:
0x16c: {  	s6 =	sshrl.u32 s3, s0;
	s7 =	sand.u32 s19, s3;
	(pc) =	sbr.rel @!p0 .LBB2_11-.Ltmp25, $4  }
0x16d: {  	s6 =	sshll.u32 s6, $0x1;
	s9 =	sxor.u32 $0xFFFFFFFF, s7  }
0x16e: {  	s6 =	sshll.u32 s6, s0;
	s9 =	sadd.s32 s9, s1  }
0x16f: {  	s7 =	sadd.s32 s7, s6;
	s9 =	sadd.s32 s6, s9;
	v10, _, _ =	vpop (xrf1)  }
0x170: {  	s6 =	sshll.u32 s7, $0x6;
	s7 =	sshll.u32 s9, $0x6;
	[tilespmem:s8+$0x1000] =	vst v10;
	v10, _, _ =	vpop (xrf1)  }
0x171: {  	s4 =	sshra.s32 s7, $0x2;
	[tilespmem:s5+$0x1000] =	vst v10  }
0x172: {  	v10 =	vld [tilespmem:s4+$0x1000]  }
0x173: {  	s10 =	sshra.s32 s6, $0x2  }
0x174: {  	v11 =	vld [tilespmem:s10+$0x1000];
	_ =	sdelay $0x2  }
0x175: {  	v10 =	vperm.xlane v10, v9;
	_ =	sdelay $0x1  }
0x176: {  	v12 =	vmin.f32 v11, v10  }
0x177: {  	v10 =	vmax.f32 v11, v10;
	(xrf1) =	vsort.ascd.msk.f32 $0xffff, v12, v12  }
0x178: {  	(xrf1) =	vsort.ascd.msk.f32 $0xffff, v10, v10;
	_ =	sdelay $0x8  }
0x179: {  	s3 =	sadd.s32 $0x20, s3  }
0x17a: {  	s20 =	sshrl.u32 s3, s0;
	s3 =	sand.u32 s19, s3  }
0x17b: {  	s6 =	sshll.u32 s20, $0x1;
	s21 =	sxor.u32 $0xFFFFFFFF, s3  }
0x17c: {  	s6 =	sshll.u32 s6, s0;
	s1 =	sadd.s32 s21, s1  }
0x17d: {  	s1 =	sadd.s32 s6, s1;
	v10, _, _ =	vpop (xrf1)  }
0x17e: {  	s1 =	sshll.u32 s1, $0x6;
	[tilespmem:s10+$0x1000] =	vst v10;
	v10, _, _ =	vpop (xrf1)  }
0x17f: {  	s3 =	sadd.s32 s3, s6;
	s1 =	sshra.s32 s1, $0x2;
	[tilespmem:s4+$0x1000] =	vst v10  }
0x180: {  	s3 =	sshll.u32 s3, $0x6;
	v10 =	vld [tilespmem:s1+$0x1000]  }
0x181: {  	s3 =	sshra.s32 s3, $0x2  }
0x182: {  	v11 =	vld [tilespmem:s3+$0x1000];
	_ =	sdelay $0x2  }
0x183: {  	v10 =	vperm.xlane v10, v9;
	_ =	sdelay $0x1  }
0x184: {  	v63 =	vmin.f32 v11, v10  }
0x185: {  	v10 =	vmax.f32 v11, v10;
	(xrf1) =	vsort.ascd.msk.f32 $0xffff, v63, v63  }
0x186: {  	(xrf1) =	vsort.ascd.msk.f32 $0xffff, v10, v10;
	_ =	sdelay $0x9  }
0x187: {  	p0 =	seq.s32 s0, $0x0  }
.Ltmp26:
0x188: {  	_ = 	snop;
	(pc) =	sbr.rel @p0 .LBB2_16-.Ltmp26, $4  }
0x189: {  	_ = 	snop  }
0x18a: {  	v10, _, _ =	vpop (xrf1)  }
0x18b: {  	[tilespmem:s3+$0x1000] =	vst v10;
	v10, _, _ =	vpop (xrf1)  }
0x18c: {  	s19 =	simm.s32 $0x0;
	[tilespmem:s1+$0x1000] =	vst v10;
	s1 =	simm.s32 $0x0  }
.LBB2_13:
0x18d: {  	s3 =	sxor.u32 $0xFFFFFFFF, s19  }
0x18e: {  	s21 =	sadd.s32 s3, s0  }
0x18f: {  	s20 =	sshll.u32 s12, s21  }
0x190: {  	s3 =	ssub.s32 s0, s19;
	s5 =	sshrl.u32 s1, s21;
	s4 =	sadd.s32 $0xFFFFFFFF, s20  }
0x191: {  	s5 =	sshll.u32 s5, s3;
	s6 =	sand.u32 s4, s1  }
0x192: {  	s5 =	sor.u32 s6, s5  }
0x193: {  	s6 =	sadd.s32 s20, s5  }
0x194: {  	s6 =	sshll.u32 s6, $0x6  }
0x195: {  	s6 =	sshra.s32 s6, $0x2  }
0x196: {  	s5 =	sshll.u32 s5, $0x6;
	v10 =	vld [tilespmem:s6+$0x1000]  }
0x197: {  	s5 =	sshra.s32 s5, $0x2  }
0x198: {  	v11 =	vld [tilespmem:s5+$0x1000];
	_ =	sdelay $0x2  }
0x199: {  	v10 =	vperm.xlane v10, v9;
	_ =	sdelay $0x1  }
0x19a: {  	v12 =	vmin.f32 v11, v10  }
0x19b: {  	v10 =	vmax.f32 v11, v10;
	(xrf1) =	vsort.ascd.msk.f32 $0xffff, v12, v12  }
0x19c: {  	(xrf1) =	vsort.ascd.msk.f32 $0xffff, v10, v10;
	_ =	sdelay $0x8  }
0x19d: {  	s7 =	simm.s32 $0x20  }
0x19e: {  	s8 =	sshrl.u32 s7, s21  }
0x19f: {  	s8 =	sshll.u32 s8, s3;
	s7 =	sand.u32 s4, s7  }
0x1a0: {  	s8 =	sor.u32 s7, s8  }
0x1a1: {  	s7 =	sadd.s32 s20, s8;
	v10, _, _ =	vpop (xrf1)  }
0x1a2: {  	s2 =	sshll.u32 s7, $0x6;
	[tilespmem:s5+$0x1000] =	vst v10;
	v10, _, _ =	vpop (xrf1)  }
0x1a3: {  	s7 =	sshra.s32 s2, $0x2;
	[tilespmem:s6+$0x1000] =	vst v10  }
0x1a4: {  	s6 =	sshll.u32 s8, $0x6;
	v10 =	vld [tilespmem:s7+$0x1000]  }
0x1a5: {  	s10 =	sshra.s32 s6, $0x2  }
0x1a6: {  	v11 =	vld [tilespmem:s10+$0x1000];
	_ =	sdelay $0x2  }
0x1a7: {  	v10 =	vperm.xlane v10, v9;
	_ =	sdelay $0x1  }
0x1a8: {  	v63 =	vmin.f32 v11, v10  }
0x1a9: {  	v10 =	vmax.f32 v11, v10;
	(xrf1) =	vsort.ascd.msk.f32 $0xffff, v63, v63  }
0x1aa: {  	(xrf1) =	vsort.ascd.msk.f32 $0xffff, v10, v10;
	_ =	sdelay $0x8  }
0x1ab: {  	s5 =	simm.s32 $0x1  }
0x1ac: {  	s8 =	sshrl.u32 s5, s21  }
0x1ad: {  	s9 =	sand.u32 s4, s5;
	s6 =	sshll.u32 s8, s3  }
0x1ae: {  	s8 =	sor.u32 s9, s6  }
0x1af: {  	s9 =	sadd.s32 s20, s8;
	v10, _, _ =	vpop (xrf1)  }
0x1b0: {  	s6 =	simm.s32 $0x2;
	s8 =	sshll.u32 s8, $0x6;
	s9 =	sshll.u32 s9, $0x6;
	[tilespmem:s10+$0x1000] =	vst v10;
	v10, _, _ =	vpop (xrf1)  }
.LBB2_14:
0x1b1: {  	p0 =	sne.s32 s6, $0x1F  }
0x1b2: {  	s9 =	sshra.s32 s9, $0x2;
	[tilespmem:s7+$0x1000] =	vst v10;
	s7 =	smov.u32 s6;
	s6 =	sadd.s32 $0x1, s6  }
0x1b3: {  	v10 =	vld [tilespmem:s9+$0x1000]  }
0x1b4: {  	s8 =	sshra.s32 s8, $0x2  }
0x1b5: {  	v11 =	vld [tilespmem:s8+$0x1000];
	_ =	sdelay $0x2  }
0x1b6: {  	v10 =	vperm.xlane v10, v9;
	_ =	sdelay $0x1  }
0x1b7: {  	v12 =	vmin.f32 v11, v10;
	v10 =	vmax.f32 v11, v10  }
0x1b8: {  	(xrf1) =	vsort.ascd.msk.f32 $0xffff, v12, v12  }
0x1b9: {  	(xrf1) =	vsort.ascd.msk.f32 $0xffff, v10, v10;
	_ =	sdelay $0x8  }
0x1ba: {  	s10 =	sadd.s32 $0x20, s5;
	s5 =	smov.u32 s7  }
0x1bb: {  	s7 =	sshrl.u32 s10, s21  }
0x1bc: {  	s10 =	sand.u32 s4, s10;
	s7 =	sshll.u32 s7, s3  }
0x1bd: {  	s7 =	sor.u32 s10, s7  }
0x1be: {  	s10 =	sadd.s32 s20, s7;
	s2 =	sshll.u32 s7, $0x6;
	v10, _, _ =	vpop (xrf1)  }
0x1bf: {  	s7 =	sshll.u32 s10, $0x6;
	[tilespmem:s8+$0x1000] =	vst v10;
	v10, _, _ =	vpop (xrf1)  }
0x1c0: {  	s7 =	sshra.s32 s7, $0x2;
	[tilespmem:s9+$0x1000] =	vst v10  }
0x1c1: {  	v10 =	vld [tilespmem:s7+$0x1000]  }
0x1c2: {  	s2 =	sshra.s32 s2, $0x2  }
0x1c3: {  	v11 =	vld [tilespmem:s2+$0x1000];
	_ =	sdelay $0x2  }
0x1c4: {  	v10 =	vperm.xlane v10, v9;
	_ =	sdelay $0x1  }
0x1c5: {  	v12 =	vmin.f32 v11, v10;
	v10 =	vmax.f32 v11, v10  }
0x1c6: {  	(xrf1) =	vsort.ascd.msk.f32 $0xffff, v12, v12  }
0x1c7: {  	(xrf1) =	vsort.ascd.msk.f32 $0xffff, v10, v10;
	_ =	sdelay $0x9  }
.Ltmp27:
0x1c8: {  	s8 =	sshrl.u32 s5, s21;
	(pc) =	sbr.rel @p0 .LBB2_14-.Ltmp27, $4  }
0x1c9: {  	s8 =	sshll.u32 s8, s3;
	s9 =	sand.u32 s4, s5  }
0x1ca: {  	s8 =	sor.u32 s9, s8  }
0x1cb: {  	s9 =	sadd.s32 s20, s8;
	s8 =	sshll.u32 s8, $0x6;
	v10, _, _ =	vpop (xrf1)  }
0x1cc: {  	s9 =	sshll.u32 s9, $0x6;
	[tilespmem:s2+$0x1000] =	vst v10;
	v10, _, _ =	vpop (xrf1)  }
0x1cd: {  	s2 =	sshra.s32 s9, $0x2;
	[tilespmem:s7+$0x1000] =	vst v10  }
0x1ce: {  	v10 =	vld [tilespmem:s2+$0x1000]  }
0x1cf: {  	s6 =	sshra.s32 s8, $0x2  }
0x1d0: {  	v11 =	vld [tilespmem:s6+$0x1000];
	_ =	sdelay $0x2  }
0x1d1: {  	v10 =	vperm.xlane v10, v9;
	_ =	sdelay $0x1  }
0x1d2: {  	v12 =	vmin.f32 v11, v10  }
0x1d3: {  	v10 =	vmax.f32 v11, v10;
	(xrf1) =	vsort.ascd.msk.f32 $0xffff, v12, v12  }
0x1d4: {  	(xrf1) =	vsort.ascd.msk.f32 $0xffff, v10, v10;
	_ =	sdelay $0x8  }
0x1d5: {  	s5 =	sadd.s32 $0x20, s5  }
0x1d6: {  	s10 =	sshrl.u32 s5, s21  }
0x1d7: {  	s4 =	sand.u32 s4, s5;
	s3 =	sshll.u32 s10, s3  }
0x1d8: {  	s3 =	sor.u32 s4, s3  }
0x1d9: {  	s4 =	sadd.s32 s20, s3;
	v10, _, _ =	vpop (xrf1)  }
0x1da: {  	s4 =	sshll.u32 s4, $0x6;
	[tilespmem:s6+$0x1000] =	vst v10;
	v10, _, _ =	vpop (xrf1)  }
0x1db: {  	s21 =	sshra.s32 s4, $0x2;
	[tilespmem:s2+$0x1000] =	vst v10  }
0x1dc: {  	s3 =	sshll.u32 s3, $0x6;
	v10 =	vld [tilespmem:s21+$0x1000]  }
0x1dd: {  	s3 =	sshra.s32 s3, $0x2  }
0x1de: {  	v11 =	vld [tilespmem:s3+$0x1000];
	_ =	sdelay $0x2  }
0x1df: {  	v10 =	vperm.xlane v10, v9;
	_ =	sdelay $0x1  }
0x1e0: {  	v63 =	vmin.f32 v11, v10  }
0x1e1: {  	v10 =	vmax.f32 v11, v10;
	(xrf1) =	vsort.ascd.msk.f32 $0xffff, v63, v63  }
0x1e2: {  	(xrf1) =	vsort.ascd.msk.f32 $0xffff, v10, v10;
	_ =	sdelay $0x8  }
0x1e3: {  	s19 =	sadd.s32 $0x1, s19  }
0x1e4: {  	p0 =	sne.s32 s19, s0  }
.Ltmp28:
0x1e5: {  	_ = 	snop;
	(pc) =	sbr.rel @p0 .LBB2_13-.Ltmp28, $4  }
.Ltmp29:
0x1e6: {  	_ = 	snop;
	(pc) =	sbr.rel @!p0 .LBB2_16-.Ltmp29, $4  }
0x1e7: {  	v10, _, _ =	vpop (xrf1)  }
0x1e8: {  	[tilespmem:s3+$0x1000] =	vst v10;
	v10, _, _ =	vpop (xrf1)  }
0x1e9: {  	[tilespmem:s21+$0x1000] =	vst v10  }
0x1ea: {  	_ = 	snop  }
.LBB2_26:
.Ltmp30:
0x1eb: {  	(pc) =	sbr.rel .LBB2_32-.Ltmp30, $2  }
0x1ec: {  	_ =	sdelay $0x2  }
0x1ed: {  	s4 =	simm.s32 $0x2000  }
.LBB2_28:
.Ltmp31:
0x1ee: {  	(pc) =	sbr.rel .LBB2_32-.Ltmp31, $2  }
0x1ef: {  	_ =	sdelay $0x2  }
0x1f0: {  	s4 =	simm.s32 $0x2000  }
.LBB2_30:
.Ltmp32:
0x1f1: {  	(pc) =	sbr.rel .LBB2_32-.Ltmp32, $2  }
0x1f2: {  	_ =	sdelay $0x2  }
0x1f3: {  	s4 =	simm.s32 $0x2000  }
.LBB2_39:
0x1f4: {  	s1 =	simm.s32 $0x0  }
.LBB2_40:
0x1f5: {  	p0 =	sne.s32 s1, $0x1FC0  }
.Ltmp33:
0x1f6: {  	_ = 	snop;
	(pc) =	sbr.rel @p0 .LBB2_40-.Ltmp33, $3  }
0x1f7: {  	_ =	sdelay $0x1  }
0x1f8: {  	s2 =	sshra.s32 s1, $0x2  }
0x1f9: {  	s1 =	sadd.s32 $0x40, s1;
	[tilespmem:s2+$0x3C00] =	vst v6  }
0x1fa: {  	s1 =	simm.s32 $0x2C00  }
0x1fb: {  	s3 =	simm.s32 $0x10;
	v10 =	vld [tilespmem:s1+$0x0]  }
.LBB2_42:
0x1fc: {  	p0 =	sne.s32 s3, $0x7F0;
	_ =	sdelay $0x3  }
.Ltmp34:
0x1fd: {  	(pc) =	sbr.rel @p0 .LBB2_42-.Ltmp34, $4  }
0x1fe: {  	_ = 	snop  }
0x1ff: {  	v11 =	vor.u32 s0, v1;
	s0 =	smov.u32 s3  }
0x200: {  	s1 =	sadd.s32 $0x10, s1;
	[tilespmem:v10+s17+$0x0] =	vst.idx.msk $0xffff, v11  }
0x201: {  	s3 =	sadd.s32 $0x10, s3;
	v10 =	vld [tilespmem:s1+$0x0]  }
0x202: {  	_ =	sdelay $0x6  }
0x203: {  	v11 =	vor.u32 s0, v1  }
0x204: {  	s3 =	simm.s32 $0x0;
	s0 =	simm.s32 $0x0;
	[tilespmem:v10+s17+$0x0] =	vst.idx.msk $0xffff, v11  }
.LBB2_44:
0x205: {  	p0 =	sne.s32 s0, $0x2000  }
.Ltmp35:
0x206: {  	_ = 	snop;
	(pc) =	sbr.rel @p0 .LBB2_44-.Ltmp35, $4  }
0x207: {  	s1 =	sshra.s32 s0, $0x2  }
0x208: {  	[tilespmem:s1+$0x4400] =	vst v3  }
0x209: {  	[tilespmem:s1+$0x4C80] =	vst v3  }
0x20a: {  	s0 =	sadd.s32 $0x40, s0;
	[tilespmem:s1+$0x5500] =	vst v2  }
0x20b: {  	s0 =	simm.s32 $0x3C00  }
0x20c: {  	v10 =	vld [tilespmem:s0+$0x0];
	_ =	sdelay $0x4  }
0x20d: {  	vm1 =	vlt.s32 v10, $0x0  }
0x20e: {  	v10 =	vsel vm1, $0x0, v10  }
0x20f: {  	v10 =	vmin.u32 v10, $0x7FF;
	_ =	sdelay $0x4  }
0x210: {  	v11 =	vld.idx.msk [tilespmem:v10+s18+$0x0], $0xffff;
	_ =	sdelay $0x3  }
0x211: {  	v12 =	vor.u32 s3, v1;
	v10 =	vsel vm1, $0x0, v10  }
0x212: {  	s0 =	simm.s32 $0x3400;
	v10 =	vor.u32 v0, v10;
	vm2 =	vne.s32 v11, v12  }
0x213: {  	[tilespmem:s0+$0x0] =	vst v10;
	v11 =	vor.u32 v0, v12;
	vm1 =	vmor vm1, vm2  }
0x214: {  	[tilespmem:s3+$0x4400] =	vst.msk vm1, v11;
	v13 =	vmpcnt.ones.xlane vm1  }
0x215: {  	[tilespmem:s3+$0x4C80] =	vst.msk vm1, v10  }
0x216: {  	s1 =	simm.s32 $0x2C00;
	[tilespmem:s3+$0x5500] =	vst.msk vm1, v7;
	v10 =	vxor.u32 $0x80000000, v13  }
0x217: {  	v62 =	vld [tilespmem:s1+$0x0];
	(xrf0) =	vmax.scan.msk.u32 $0xffff, v10;
	_ =	sdelay $0x5  }
0x218: {  	v10, _, _ =	vpop (xrf0)  }
0x219: {  	(v2sf) =	vpush v10, $0xF  }
0x21a: {  	v10 =	vld.idx.msk [tilespmem:v62+s17+$0x0], $0xffff;
	_ =	sdelay $0x4  }
0x21b: {  	vm1 =	vne.s32 v10, v12  }
0x21c: {  	v10 =	vmpcnt.ones.xlane vm1;
	_ =	sdelay $0x1  }
0x21d: {  	v10 =	vxor.u32 $0x80000000, v10  }
0x21e: {  	(xrf0) =	vmax.scan.msk.u32 $0xffff, v10;
	_ =	sdelay $0x4  }
0x21f: {  	s2 =	spop (v2sf)  }
0x220: {  	s2 =	sadd.s32 $0x0, s2;
	v10, _, _ =	vpop (xrf0)  }
0x221: {  	v63 =	vadd.s32 v0, v62;
	s2 =	sadd.s32 $0x80000000, s2;
	(v2sf) =	vpush v10, $0xF  }
0x222: {  	[tilespmem:s2+$0x4400] =	vst.msk vm1, v63  }
0x223: {  	[tilespmem:s2+$0x4C80] =	vst.msk vm1, v11  }
0x224: {  	s3 =	simm.s32 $0x3C10;
	[tilespmem:s2+$0x5500] =	vst.msk vm1, v8  }
0x225: {  	v10 =	vld [tilespmem:s3+$0x0];
	_ =	sdelay $0x4  }
0x226: {  	vm1 =	vlt.s32 v10, $0x0  }
0x227: {  	v10 =	vsel vm1, $0x0, v10  }
0x228: {  	v11 =	vmin.u32 v10, $0x7FF;
	_ =	sdelay $0x3  }
0x229: {  	s6 =	spop (v2sf)  }
0x22a: {  	s4 =	simm.s32 $0x10;
	s5 =	simm.s32 $0x20;
	v10 =	vsel vm1, $0x0, v11;
	v11 =	vld.idx.msk [tilespmem:v11+s18+$0x0], $0xffff;
	s6 =	sadd.s32 s6, s2  }
.LBB2_46:
0x22b: {  	s2 =	sadd.s32 $0x80000000, s6;
	s0 =	sadd.s32 $0x10, s0;
	s1 =	sadd.s32 $0x10, s1  }
0x22c: {  	p0 =	sne.s32 s5, $0x7F0;
	s6 =	smov.u32 s5;
	s5 =	sadd.s32 $0x10, s5  }
0x22d: {  	_ = 	snop  }
0x22e: {  	v12 =	vor.u32 s4, v1;
	s4 =	smov.u32 s6  }
0x22f: {  	v10 =	vor.u32 v0, v10;
	vm2 =	vne.s32 v11, v12  }
0x230: {  	v11 =	vor.u32 v0, v12;
	vm1 =	vmor vm1, vm2;
	[tilespmem:s0+$0x0] =	vst v10  }
0x231: {  	v13 =	vmpcnt.ones.xlane vm1;
	[tilespmem:s2+$0x4400] =	vst.msk vm1, v11  }
0x232: {  	[tilespmem:s2+$0x4C80] =	vst.msk vm1, v10  }
0x233: {  	v10 =	vxor.u32 $0x80000000, v13;
	[tilespmem:s2+$0x5500] =	vst.msk vm1, v7  }
0x234: {  	v13 =	vld [tilespmem:s1+$0x0];
	(xrf0) =	vmax.scan.msk.u32 $0xffff, v10;
	_ =	sdelay $0x5  }
0x235: {  	v10, _, _ =	vpop (xrf0)  }
0x236: {  	(v2sf) =	vpush v10, $0xF  }
0x237: {  	v10 =	vld.idx.msk [tilespmem:v13+s17+$0x0], $0xffff;
	_ =	sdelay $0x5  }
0x238: {  	vm1 =	vne.s32 v10, v12  }
0x239: {  	v10 =	vmpcnt.ones.xlane vm1;
	_ =	sdelay $0x1  }
0x23a: {  	v10 =	vxor.u32 $0x80000000, v10  }
0x23b: {  	(xrf0) =	vmax.scan.msk.u32 $0xffff, v10;
	_ =	sdelay $0x3  }
0x23c: {  	s6 =	spop (v2sf)  }
0x23d: {  	s2 =	sadd.s32 s6, s2  }
0x23e: {  	v10 =	vadd.s32 v0, v13;
	s2 =	sadd.s32 $0x80000000, s2;
	v12, _, _ =	vpop (xrf0)  }
0x23f: {  	[tilespmem:s2+$0x4400] =	vst.msk vm1, v10;
	(v2sf) =	vpush v12, $0xF  }
0x240: {  	[tilespmem:s2+$0x4C80] =	vst.msk vm1, v11  }
0x241: {  	s3 =	sadd.s32 $0x10, s3;
	[tilespmem:s2+$0x5500] =	vst.msk vm1, v8  }
0x242: {  	v10 =	vld [tilespmem:s3+$0x0];
	_ =	sdelay $0x4  }
0x243: {  	vm1 =	vlt.s32 v10, $0x0  }
0x244: {  	v10 =	vsel vm1, $0x0, v10  }
0x245: {  	v11 =	vmin.u32 v10, $0x7FF  }
0x246: {  	v10 =	vsel vm1, $0x0, v11  }
.Ltmp36:
0x247: {  	(pc) =	sbr.rel @p0 .LBB2_46-.Ltmp36, $3  }
0x248: {  	_ =	sdelay $0x1  }
0x249: {  	v11 =	vld.idx.msk [tilespmem:v11+s18+$0x0], $0xffff;
	s6 =	spop (v2sf)  }
0x24a: {  	s6 =	sadd.s32 s6, s2  }
0x24b: {  	_ =	sdelay $0x1  }
0x24c: {  	v12 =	vor.u32 s4, v1  }
0x24d: {  	s0 =	sadd.s32 $0x10, s0;
	v10 =	vor.u32 v0, v10;
	vm2 =	vne.s32 v11, v12  }
0x24e: {  	s2 =	sadd.s32 $0x80000000, s6;
	[tilespmem:s0+$0x0] =	vst v10;
	v11 =	vor.u32 v0, v12;
	vm1 =	vmor vm1, vm2  }
0x24f: {  	[tilespmem:s2+$0x4400] =	vst.msk vm1, v11  }
0x250: {  	[tilespmem:s2+$0x4C80] =	vst.msk vm1, v10  }
0x251: {  	s8 =	sadd.s32 $0x10, s1;
	[tilespmem:s2+$0x5500] =	vst.msk vm1, v7  }
0x252: {  	v10 =	vld [tilespmem:s8+$0x0];
	_ =	sdelay $0x6  }
0x253: {  	v14 =	vmpcnt.ones.xlane vm1  }
0x254: {  	v13 =	vld.idx.msk [tilespmem:v10+s17+$0x0], $0xffff  }
0x255: {  	v14 =	vxor.u32 $0x80000000, v14  }
0x256: {  	(xrf0) =	vmax.scan.msk.u32 $0xffff, v14;
	_ =	sdelay $0x2  }
0x257: {  	vm1 =	vne.s32 v13, v12  }
0x258: {  	v12 =	vmpcnt.ones.xlane vm1;
	_ =	sdelay $0x1  }
0x259: {  	v62, _, _ =	vpop (xrf0);
	v12 =	vxor.u32 $0x80000000, v12  }
0x25a: {  	(v2sf) =	vpush v62, $0xF;
	(xrf0) =	vmax.scan.msk.u32 $0xffff, v12;
	_ =	sdelay $0x5  }
0x25b: {  	v63, _, _ =	vpop (xrf0)  }
0x25c: {  	(v2sf) =	vpush v63, $0xF;
	_ =	sdelay $0x7  }
0x25d: {  	s9 =	spop (v2sf)  }
0x25e: {  	s0 =	sadd.s32 s9, s2  }
0x25f: {  	v10 =	vadd.s32 v0, v10;
	s0 =	sadd.s32 $0x80000000, s0  }
0x260: {  	[tilespmem:s0+$0x4400] =	vst.msk vm1, v10  }
0x261: {  	[tilespmem:s0+$0x4C80] =	vst.msk vm1, v11  }
0x262: {  	s19 =	rddreg [dreg:$0x5];
	s2 =	simm.s32 $0x80;
	[tilespmem:s0+$0x5500] =	vst.msk vm1, v8;
	s0 =	simm.s32 $0x0  }
0x263: {  	[hbm4b:s19+s2] =	stream.strided.scatter [tilespmem:s0], [sflag:$0x1], $0x800, s11, s2, $0x38;
	[tilespmem:$0x5D80] =	vst v63  }
0x264: {  	s10 =	spop (v2sf)  }
0x265: {  	_ =	swait.ge [sflag:s12], $0x800  }
0x266: {  	[sflag:s12] =	ssyncset.done $0x0  }
0x267: {  	s20 =	rddreg [dreg:$0x6];
	[sflag:s12] =	ssyncadd.s32 $0xFFFFF800  }
0x268: {  	[hbm4b:s20+s2] =	stream.strided.scatter [tilespmem:s16], [sflag:$0x1], $0x800, s11, s2, $0x38;
	[tilespmem:$0x5D80] =	vst v63  }
0x269: {  	_ =	swait.ge [sflag:s12], $0x800  }
0x26a: {  	[sflag:s12] =	ssyncset.done $0x0  }
0x26b: {  	s3 =	simm.s32 $0x4400;
	s21 =	rddreg [dreg:$0x7];
	[sflag:s12] =	ssyncadd.s32 $0xFFFFF800  }
0x26c: {  	[hbm4b:s21+s0] =	stream.linear.scatter [tilespmem:s3], [sflag:$0x1], $0x80, $0x38;
	[tilespmem:$0x5D80] =	vst v63  }
0x26d: {  	_ =	swait.ge [sflag:s12], $0x80  }
0x26e: {  	[sflag:s12] =	ssyncset.done $0x0  }
0x26f: {  	s26 =	simm.s32 $0x4C80;
	s25 =	rddreg [dreg:$0x8];
	[sflag:s12] =	ssyncadd.s32 $0xFFFFFF80  }
0x270: {  	[hbm4b:s25+s0] =	stream.linear.scatter [tilespmem:s26], [sflag:$0x1], $0x80, $0x38;
	[tilespmem:$0x5D80] =	vst v63  }
0x271: {  	_ =	swait.ge [sflag:s12], $0x80  }
0x272: {  	[sflag:s12] =	ssyncset.done $0x0  }
0x273: {  	s29 =	simm.s32 $0x5500;
	s28 =	rddreg [dreg:$0x9];
	[sflag:s12] =	ssyncadd.s32 $0xFFFFFF80  }
0x274: {  	[hbm4b:s28+s0] =	stream.linear.scatter [tilespmem:s29], [sflag:$0x1], $0x80, $0x38;
	[tilespmem:$0x5D80] =	vst v63  }
0x275: {  	_ =	swait.ge [sflag:s12], $0x80  }
0x276: {  	s24 =	sadd.s32 $0x1, s24;
	s30 =	rddreg [dreg:$0xb]  }
0x277: {  	p0 =	sne.s32 s24, s30  }
.Ltmp37:
0x278: {  	_ = 	snop;
	(pc) =	sbr.rel @p0 .LBB2_2-.Ltmp37, $3  }
0x279: {  	_ =	sdelay $0x1  }
0x27a: {  	[sflag:s12] =	ssyncset.done $0x0  }
0x27b: {  	[sflag:s12] =	ssyncadd.s32 $0xFFFFFF80  }
.LBB2_48:
0x27c: {  	_ =	sfence.sel $0x180000  }
0x27d: {  	[bflag:$0x0] =	sbarrier.arrive $0xFFFF  }
0x27e: {  	_ =	strace $0x90000047  }
0x27f: {  	s0 =	stileid.u32;
	[bflag:$0x2] =	sbarrier.arrive $0xFFFF  }
0x280: {  	p0 =	sne.s32 s0, $0x0;
	s0 =	rddreg [dreg:$0x4]  }
0x281: {  	s0 =	sadd.s32 @!p0 $0x100000, s0  }
0x282: {  	[sflag:s0] =	ssyncadd.tile.s32 @!p0 $0x1;
	_ =	shalt  }
.Lfunc_end2:
_tile_overlayer_lowered:
.L_overlay_start_2:
0x283: {  	(tag) =	ssettag $0x2  }
0x284: {  	s0 =	rddreg [dreg:$0x0];
	s2 =	stileid.u32  }
0x285: {  	s1 =	rddreg [dreg:$0x1];
	p0 =	sne.s32 s2, $0x0  }
0x286: {  	s3 =	rddreg [dreg:$0x2];
	[bflag:$0x3] =	sbarrier.arrive $0xFFFF;
	s2 =	simm.s32 @!p0 $0x1C01  }
0x287: {  	[timem:s3], [sflag:s2] =	dma.local @!p0 [hbm:s0], s1  }
0x288: {  	s0 =	simm.s32 @!p0 $0x1  }
0x289: {  	_ =	swait.ge @!p0 [sflag:s0], s1  }
0x28a: {  	s1 =	ssub.s32 @!p0 $0x0, s1;
	[sflag:s0] =	ssyncset.done @!p0 $0x0  }
0x28b: {  	[sflag:s0] =	ssyncadd.s32 @!p0 s1  }
0x28c: {  	[bflag:$0x3] =	sbarrier.arrive $0xFFFF  }
0x28d: {  	_ =	shalt  }

// kernel: kernel.7.cloned.1.call-start
scs
__scs_entry_jumppad:
0x0: {  	(pc) =	sbr.rel $0x88, $3  }
0x1: {  	(tag) =	ssettag $0x0;
	lr =	simm.s32 $0x1  }
0x2: {  	[smem:$0x3F9F] =	sst lr;
	_ =	strace $0xD0000000  }
0x3: {  	_ = 	snop  }
0x4: {  	_ = 	snop  }
0x5: {  	_ = 	snop  }
0x6: {  	_ = 	snop  }
0x7: {  	_ = 	snop  }
__scs_overlays_trampoline_lowered:
0x8: {  	[smem:$0x3FAE] =	sst s0  }
0x9: {  	[smem:$0x3FAF] =	sst s1  }
0xa: {  	[smem:$0x3FB0] =	sst s2  }
0xb: {  	[smem:$0x3FB1] =	sst s3  }
0xc: {  	[smem:$0x3FB2] =	sst s4  }
0xd: {  	[smem:$0x3FB3] =	sst s5  }
0xe: {  	[smem:$0x3FB4] =	sst s6  }
0xf: {  	[smem:$0x3FB5] =	sst s7  }
0x10: {  	[smem:$0x3FB6] =	sst s8  }
0x11: {  	[smem:$0x3FB7] =	sst s9;
	s0 =	simm.s32 @!p0 $0x0  }
0x12: {  	s1 =	sld [smem:$0x3F9D];
	s0 =	simm.s32 @p0 $0x1  }
0x13: {  	[smem:$0x3FB8] =	sst s0;
	s0 =	simm.s32 @!p1 $0x0  }
0x14: {  	s2 =	sld [smem:$0x3F9C];
	s0 =	simm.s32 @p1 $0x1  }
0x15: {  	[smem:$0x3FB9] =	sst s0;
	s0 =	simm.s32 @!p2 $0x0  }
0x16: {  	s3 =	sld [smem:$0x3FDB];
	s0 =	simm.s32 @p2 $0x1  }
0x17: {  	s4 =	simm.s32 $0x1BF5;
	[smem:$0x3FBB] =	sst s0  }
0x18: {  	s0 =	sld [smem:$0x3F9E];
	_ =	swait.ge [sflag:s4], $0x0  }
0x19: {  	s7 =	sld [smem:$0x3F9F]  }
0x1a: {  	s8 =	sadd.s32 $0xFFFFE003, lr  }
0x1b: {  	s9 =	sadd.s32 $0xFFFFFEF7, lr;
	s5 =	simm.s32 $0xFFFFFFFF;
	p2 =	slt.u32 s8, $0xFFFFF086  }
0x1c: {  	p1 =	slt.u32 s9, $0xF7A;
	s5 =	simm.s32 @!p2 $0x0  }
0x1d: {  	s5 =	simm.s32 @p1 $0x1;
	p0 =	seq.s32 s7, s2  }
0x1e: {  	s7 =	smul.u32 @!p0 $0xF7A, s2;
	p2 =	seq.s32 @!p0 s5, $0x0  }
0x1f: {  	s9 =	smul.u32 $0xF7A, s1;
	s8 =	simm.s32 @!p0 $0x1BF5;
	p2 =	por !p2, p0  }
0x20: {  	[sflag:s8] =	ssyncset.s32 @!p0 $0xFFFFF086;
	s6 =	sadd.s32 @!p0 s3, s7;
	s7 =	simm.s32 @!p0 $0x108  }
0x21: {  	s3 =	sadd.s32 s3, s9;
	s6 =	sadd.s32 @!p0 $0x88, s6;
	s7 =	simm.s32 @p2 $0x1082  }
0x22: {  	[simem:s7], [sflag:s8] =	dma.local @!p0 [hbm:s6], $0xF7A  }
0x23: {  	s9 =	sor.u32 $0xD0000000, s2;
	s6 =	simm.s32 $0x108;
	_ =	swait.ge @!p0 [sflag:s8], $0x0  }
0x24: {  	s3 =	sadd.s32 $0x88, s3;
	s6 =	simm.s32 @!p1 $0x1082;
	[sflag:s4] =	ssyncset.s32 $0xFFFFF086  }
0x25: {  	[simem:s6], [sflag:s4] =	dma.local [hbm:s3], $0xF7A  }
0x26: {  	[smem:$0x3F9F] =	sst s1;
	(tag) =	ssettag s2;
	_ =	strace s9  }
0x27: {  	s1 =	sld [smem:$0x3FAF]  }
0x28: {  	s2 =	sld [smem:$0x3FB0]  }
0x29: {  	s4 =	sld [smem:$0x3FB2]  }
0x2a: {  	p0 =	seq.s32 s5, $0x0;
	s5 =	sld [smem:$0x3FB3]  }
0x2b: {  	s6 =	sld [smem:$0x3FB4]  }
0x2c: {  	s7 =	sld [smem:$0x3FB5]  }
0x2d: {  	s3 =	simm.s32 $0x108;
	s8 =	sld [smem:$0x3FB6]  }
0x2e: {  	s3 =	simm.s32 @!p0 $0x1082;
	s9 =	sld [smem:$0x3FB7]  }
0x2f: {  	lr =	sadd.s32 s0, s3;
	s0 =	sld [smem:$0x3FAE]  }
0x30: {  	s3 =	sld [smem:$0x3FB1]  }
0x31: {  	[smem:$0x3FBA] =	sst s10  }
0x32: {  	s10 =	sld [smem:$0x3FB8];
	_ =	sdelay $0x3  }
0x33: {  	p0 =	seq.s32 s10, $0x1;
	s10 =	sld [smem:$0x3FBA];
	_ =	sdelay $0x3  }
0x34: {  	[smem:$0x3FBA] =	sst s10  }
0x35: {  	s10 =	sld [smem:$0x3FB9];
	_ =	sdelay $0x3  }
0x36: {  	p1 =	seq.s32 s10, $0x1;
	s10 =	sld [smem:$0x3FBA];
	_ =	sdelay $0x3  }
0x37: {  	[smem:$0x3FBA] =	sst s10  }
0x38: {  	s10 =	sld [smem:$0x3FBB]  }
0x39: {  	_ = 	snop;
	(pc) =	sbr.ind lr, $3  }
0x3a: {  	_ = 	snop  }
0x3b: {  	_ = 	snop  }
0x3c: {  	p2 =	seq.s32 s10, $0x1;
	s10 =	sld [smem:$0x3FBA]  }
0x3d: {  	_ =	shalt  }
0x3e: {  	_ =	shalt  }
0x3f: {  	_ =	shalt  }
0x40: {  	_ =	shalt  }
0x41: {  	_ =	shalt  }
0x42: {  	_ =	shalt  }
0x43: {  	_ =	shalt  }
0x44: {  	_ =	shalt  }
0x45: {  	_ =	shalt  }
0x46: {  	_ =	shalt  }
0x47: {  	_ =	shalt  }
0x48: {  	_ =	shalt  }
0x49: {  	_ =	shalt  }
0x4a: {  	_ =	shalt  }
0x4b: {  	_ =	shalt  }
0x4c: {  	_ =	shalt  }
0x4d: {  	_ =	shalt  }
0x4e: {  	_ =	shalt  }
0x4f: {  	_ =	shalt  }
0x50: {  	_ =	shalt  }
0x51: {  	_ =	shalt  }
0x52: {  	_ =	shalt  }
0x53: {  	_ =	shalt  }
0x54: {  	_ =	shalt  }
0x55: {  	_ =	shalt  }
0x56: {  	_ =	shalt  }
0x57: {  	_ =	shalt  }
0x58: {  	_ =	shalt  }
0x59: {  	_ =	shalt  }
0x5a: {  	_ =	shalt  }
0x5b: {  	_ =	shalt  }
0x5c: {  	_ =	shalt  }
0x5d: {  	_ =	shalt  }
0x5e: {  	_ =	shalt  }
0x5f: {  	_ =	shalt  }
0x60: {  	_ =	shalt  }
0x61: {  	_ =	shalt  }
0x62: {  	_ =	shalt  }
0x63: {  	_ =	shalt  }
0x64: {  	_ =	shalt  }
0x65: {  	_ =	shalt  }
0x66: {  	_ =	shalt  }
0x67: {  	_ =	shalt  }
0x68: {  	_ =	shalt  }
0x69: {  	_ =	shalt  }
0x6a: {  	_ =	shalt  }
0x6b: {  	_ =	shalt  }
0x6c: {  	_ =	shalt  }
0x6d: {  	_ =	shalt  }
0x6e: {  	_ =	shalt  }
0x6f: {  	_ =	shalt  }
0x70: {  	_ =	shalt  }
0x71: {  	_ =	shalt  }
0x72: {  	_ =	shalt  }
0x73: {  	_ =	shalt  }
0x74: {  	_ =	shalt  }
0x75: {  	_ =	shalt  }
0x76: {  	_ =	shalt  }
0x77: {  	_ =	shalt  }
0x78: {  	_ =	shalt  }
0x79: {  	_ =	shalt  }
0x7a: {  	_ =	shalt  }
0x7b: {  	_ =	shalt  }
0x7c: {  	_ =	shalt  }
0x7d: {  	_ =	shalt  }
0x7e: {  	_ =	shalt  }
0x7f: {  	_ =	shalt  }
0x80: {  	_ =	shalt  }
0x81: {  	_ =	shalt  }
0x82: {  	_ =	shalt  }
0x83: {  	_ =	shalt  }
0x84: {  	_ =	shalt  }
0x85: {  	_ =	shalt  }
0x86: {  	_ =	shalt  }
0x87: {  	_ =	shalt  }
.Lfunc_end0:
.L_simem_size_0:
called_computation.1_lowered:
.L_overlay_start_0:
0x88: {  	s2 =	sld [smem:$0x3FD9]  }
0x89: {  	s3 =	sld [smem:$0x3FFE];
	_ =	sdelay $0x1  }
0x8a: {  	s1 =	srdreg.scid  }
0x8b: {  	s0 =	sand.u32 $0x1, s1  }
0x8c: {  	s14 =	sshll.u32 s0, $0xA;
	s2 =	sadd.s32 s3, s2  }
0x8d: {  	s2 =	sadd.s32 s2, s14  }
0x8e: {  	[smem:$0x3FC6] =	sst s2  }
0x8f: {  	_ = 	snop  }
0x90: {  	s2 =	sld [smem:$0x3FD0];
	_ =	sdelay $0x2  }
0x91: {  	s4 =	simm.s32 $0xA;
	s5 =	simm.s32 $0x10;
	s15 =	sld [smem:$0x3FC9]  }
0x92: {  	[smem:s5], [sflag:s4] =	dma.local [hbm:s2], $0x1  }
0x93: {  	_ =	swait.eq [sflag:s4], $0x1  }
0x94: {  	[sflag:s4] =	ssyncset.done $0x0  }
0x95: {  	[sflag:s4] =	ssyncadd.s32 $0xFFFFFFFF  }
0x96: {  	s16 =	sld [smem:$0x10];
	(tm) =	ssettm $0x1  }
0x97: {  	s17 =	sld [smem:$0x3FFB];
	_ =	sdelay $0x3  }
0x98: {  	_ =	strace s17  }
0x99: {  	s4 =	sld [smem:$0x3FFC];
	_ =	sdelay $0x3  }
0x9a: {  	_ =	strace s4  }
0x9b: {  	s4 =	sld [smem:$0x3FFD];
	_ =	sdelay $0x3  }
0x9c: {  	_ =	strace s4  }
0x9d: {  	_ =	strace $0x8FFFFFFF  }
0x9e: {  	s18 =	sld [smem:$0x3FDB];
	_ =	sdelay $0x1  }
0x9f: {  	s19 =	simm.s32 $_scs_section_size  }
0xa0: {  	s6 =	simm.s32 $_size__tile_overlayer_lowered;
	s7 =	simm.s32 $_tile_overlayer_lowered  }
0xa1: {  	s22 =	simm.s32 $0x1BFF;
	s21 =	sshll.u32 s7, $0x1;
	s4 =	sadd.s32 s19, s18  }
0xa2: {  	s8 =	simm.s32 $0x0;
	s20 =	sshll.u32 s6, $0x1;
	s6 =	sadd.s32 s21, s4  }
0xa3: {  	[timem:s8], [sflag:s22] =	dma.local [hbm:s6], s20  }
0xa4: {  	_ =	swait.ge [sflag:s22], s20  }
0xa5: {  	s5 =	ssub.s32 $0x0, s20;
	[sflag:s22] =	ssyncset.done $0x0  }
0xa6: {  	[sflag:s22] =	ssyncadd.s32 s5;
	_ =	sdelay $0x1  }
0xa7: {  	s23 =	simm.s32 $0x1B8B  }
0xa8: {  	_ =	swait.ge [sflag:s23], $0x1  }
0xa9: {  	[sflag:s23] =	ssyncset.done $0x0  }
0xaa: {  	s25 =	simm.s32 $0x1B8E;
	s24 =	sld [smem:$0x3FFE];
	[sflag:s23] =	ssyncadd.s32 $0xFFFFFFFF  }
0xab: {  	s26 =	simm.s32 $execute0_lowered;
	[smem:$0x3FD2] =	sst s25  }
0xac: {  	s6 =	sshll.u32 s26, $0x1;
	_ =	strace $0x80000049;
	[dreg:$0x1] =	wrdreg $0xFFFFFFFF  }
0xad: {  	s28 =	simm.s32 $_size_execute0_lowered;
	s4 =	sadd.s32 s4, s6;
	[dreg:$0x0] =	wrdreg $0x0  }
0xae: {  	s6 =	sshll.u32 s28, $0x1;
	[dreg:$0x2] =	wrdreg s4  }
0xaf: {  	[dreg:$0x3] =	wrdreg s6  }
0xb0: {  	[dreg:$0x4] =	wrdreg $0xC0  }
0xb1: {  	_ =	task [dreg:s8], $0x5FFFF  }
0xb2: {  	[dreg:$0x1] =	wrdreg $0xFFFFFFFF  }
0xb3: {  	[dreg:$0x0] =	wrdreg $0x60  }
0xb4: {  	[dreg:$0x2] =	wrdreg s15  }
0xb5: {  	[dreg:$0x3] =	wrdreg s24  }
0xb6: {  	[dreg:$0x4] =	wrdreg s16  }
0xb7: {  	[dreg:$0x5] =	wrdreg $0x9  }
0xb8: {  	_ =	task.clear_ibuf [dreg:s8], $0x6FFFF;
	_ =	strace $0x90000049  }
0xb9: {  	s29 =	simm.s32 $0x9;
	_ =	strace $0x8000004B  }
0xba: {  	_ =	swait.ge [sflag:s29], $0x1  }
0xbb: {  	[sflag:s29] =	ssyncadd.s32 $0xFFFFFFFF  }
0xbc: {  	_ =	strace $0x9000004B  }
0xbd: {  	_ =	sfence  }
0xbe: {  	s30 =	sld [smem:$0x0];
	_ =	sdelay $0x2  }
0xbf: {  	s31 =	sshll.u32 s1, $0xD;
	s1 =	sshrl.u32 s1, $0x2  }
0xc0: {  	s3 =	sand.u32 $0x4000, s31;
	s1 =	sadd.s32 s1, s30  }
0xc1: {  	s0 =	sor.u32 s3, s0;
	s1 =	sshll.u32 s1, $0x11  }
0xc2: {  	s0 =	sor.u32 s1, s0  }
0xc3: {  	s0 =	sadd.s32 $0x8F2B, s0  }
0xc4: {  	[sflag:s0] =	ssyncadd.remote.s32 $0x1  }
0xc5: {  	_ =	sfence.sel $0xFFFF  }
0xc6: {  	[dreg:$0x0] =	wrdreg $0xFFFFFFFF;
	(pc) =	sbr.abs _section_cstart, $3  }
0xc7: {  	[dreg:$0x1] =	wrdreg $0xFFFFFFFF  }
0xc8: {  	_ =	task.clear_ibuf [dreg:s8], $0x2FFFF;
	_ =	strace $0x9FFFFFFF  }
0xc9: {  	(tm) =	ssettm $0x7FFFFFFF  }
tec
execute0_lowered:
.L_overlay_start_1:
0x0: {  	(tag) =	ssettag $0x1  }
0x1: {  	s1 =	srdreg.scid;
	s5 =	rddreg [dreg:$0x1]  }
0x2: {  	s0 =	stileid.u32;
	s10 =	rddreg [dreg:$0x2];
	s4 =	simm.s32 $0x1  }
0x3: {  	s3 =	simm.s32 $0x0;
	s12 =	simm.s32 $0x10400;
	s13 =	simm.s32 $0x2  }
0x4: {  	s14 =	simm.s32 $0x10480;
	s15 =	simm.s32 $0x10500;
	s16 =	simm.s32 $0x10  }
0x5: {  	s17 =	simm.s32 $0x10580;
	s18 =	simm.s32 $0x80;
	s19 =	simm.s32 $0x400  }
0x6: {  	s20 =	simm.s32 $0x4400;
	s23 =	simm.s32 $0x180;
	s24 =	simm.s32 $0xC400  }
0x7: {  	s28 =	simm.s32 $0x300;
	s29 =	simm.s32 $0x380;
	s30 =	simm.s32 $0x0  }
0x8: {  	s2 =	sand.u32 $0x1, s1;
	s25 =	sshll.u32 s0, $0x1;
	s1 =	rddreg [dreg:$0x0]  }
0x9: {  	[smem:$0x7FF] =	sst s3;
	s9 =	sor.u32 s2, s25;
	p1 =	seq.s32 s2, $0x1  }
0xa: {  	_ =	strace $0x8000004A;
	s2 =	ssub.s32 $0x2, s2;
	s25 =	simm.s32 $0x200  }
0xb: {  	p0 =	seq.s32 s9, $0x0;
	s6 =	sshll.u32 s9, $0x7;
	s31 =	sshrl.u32 s2, $0x1  }
0xc: {  	s21 =	sshll.u32 s9, $0xA;
	s9 =	sshll.u32 s9, $0xE;
	p0 =	por !p0, !p1  }
0xd: {  	s8 =	sadd.s32 s6, s5;
	s2 =	ssub.s32 s2, s31;
	p0 =	por !p0, !p0  }
0xe: {  	s22 =	sor.u32 $0x200, s21;
	s9 =	sadd.s32 s10, s9;
	s4 =	simm.s32 @!p0 $0x0  }
0xf: {  	v1 =	vmov s21;
	s21 =	simm.s32 $0x100;
	s8 =	sadd.s32 $0x1200, s8;
	s4 =	ssub.s32 s0, s4  }
0x10: {  	v0 =	vlaneseq.u32;
	s11 =	sshll.u32 s22, $0x4;
	v2 =	vmov s22;
	s22 =	simm.s32 $0x8400;
	s4 =	sshll.u32 s4, $0x4  }
0x11: {  	v3 =	vor.u32 $0x10, v0;
	s10 =	sadd.s32 s10, s11;
	s11 =	smax.u32 s2, $0x1;
	s26 =	sand.u32 $0x1FFFFFF0, s4  }
0x12: {  	v4 =	vor.u32 $0x20, v0;
	v5 =	vor.u32 $0x30, v0;
	v6 =	vor.u32 $0x40, v0;
	s4 =	simm.s32 $0x1;
	s7 =	sadd.s32 s26, s5;
	s26 =	simm.s32 $0x280  }
0x13: {  	v7 =	vor.u32 $0x50, v0;
	v8 =	vor.u32 $0x60, v0;
	v9 =	vor.u32 $0x70, v0;
	s5 =	sadd.s32 $0xC00, s7;
	s6 =	sadd.s32 $0xE00, s7;
	s7 =	sadd.s32 $0x1000, s7  }
.LBB2_1:
0x14: {  	[tilespmem:s12], [sflag:$0x2] =	stream.linear.gather [hbm4b:s5+s3], $0x80, $0x38;
	[tilespmem:$0x10D80] =	vst v63  }
0x15: {  	_ =	swait.ge [sflag:s13], $0x80  }
0x16: {  	[sflag:s13] =	ssyncset.done $0x0  }
0x17: {  	[sflag:s13] =	ssyncadd.s32 $0xFFFFFF80  }
0x18: {  	[tilespmem:s14], [sflag:$0x2] =	stream.linear.gather [hbm4b:s6+s3], $0x80, $0x38;
	[tilespmem:$0x10D80] =	vst v63  }
0x19: {  	_ =	swait.ge [sflag:s13], $0x80  }
0x1a: {  	[sflag:s13] =	ssyncset.done $0x0  }
0x1b: {  	[sflag:s13] =	ssyncadd.s32 $0xFFFFFF80  }
0x1c: {  	[tilespmem:s15], [sflag:$0x2] =	stream.linear.gather [hbm4b:s7+s3], $0x80, $0x38;
	[tilespmem:$0x10D80] =	vst v63  }
0x1d: {  	_ =	swait.ge [sflag:s13], $0x80  }
0x1e: {  	[sflag:s13] =	ssyncset.done $0x0  }
0x1f: {  	[sflag:s13] =	ssyncadd.s32 $0xFFFFFF80  }
0x20: {  	[tilespmem:s17], [sflag:$0x1] =	stream.indirect.gather [hbm4b:s1+s16], $0x80, s14, s16, $0xb8;
	[tilespmem:$0x10D80] =	vst v63  }
0x21: {  	_ =	swait.ge [sflag:s4], $0x800  }
0x22: {  	[sflag:s4] =	ssyncset.done $0x0  }
0x23: {  	[sflag:s4] =	ssyncadd.s32 $0xFFFFF800  }
0x24: {  	[tilespmem:s3], [sflag:$0x2] =	stream.linear.gather [hbm4b:s8+s3], $0x400, $0x38;
	[tilespmem:$0x10D80] =	vst v63  }
0x25: {  	_ =	swait.ge [sflag:s13], $0x400  }
0x26: {  	[sflag:s13] =	ssyncset.done $0x0  }
0x27: {  	[sflag:s13] =	ssyncadd.s32 $0xFFFFFC00  }
0x28: {  	[tilespmem:s19], [sflag:$0x1] =	stream.indirect.gather [hbm4b:s1+s18], $0x80, s3, s18, $0xb8;
	[tilespmem:$0x10D80] =	vst v63  }
0x29: {  	_ = 	snop  }
0x2a: {  	[tilespmem:s20], [sflag:$0x1] =	stream.indirect.gather [hbm4b:s1+s18], $0x80, s18, s18, $0xb8;
	[tilespmem:$0x10D80] =	vst v63  }
0x2b: {  	_ = 	snop  }
0x2c: {  	[tilespmem:s22], [sflag:$0x1] =	stream.indirect.gather [hbm4b:s1+s18], $0x80, s21, s18, $0xb8;
	[tilespmem:$0x10D80] =	vst v63  }
0x2d: {  	_ = 	snop  }
0x2e: {  	[tilespmem:s24], [sflag:$0x1] =	stream.indirect.gather [hbm4b:s1+s18], $0x80, s23, s18, $0xb8;
	[tilespmem:$0x10D80] =	vst v63  }
0x2f: {  	_ =	swait.ge [sflag:s4], $0x4000  }
0x30: {  	[sflag:s4] =	ssyncset.done $0x0  }
0x31: {  	[sflag:s4] =	ssyncadd.s32 $0xFFFFC000  }
0x32: {  	_ =	swait.ge [sflag:s4], $0x4000  }
0x33: {  	[sflag:s4] =	ssyncset.done $0x0  }
0x34: {  	[sflag:s4] =	ssyncadd.s32 $0xFFFFC000  }
0x35: {  	_ =	swait.ge [sflag:s4], $0x4000  }
0x36: {  	v10 =	vmov s3;
	[sflag:s4] =	ssyncset.done $0x0  }
0x37: {  	[sflag:s4] =	ssyncadd.s32 $0xFFFFC000  }
0x38: {  	_ =	swait.ge [sflag:s4], $0x4000  }
0x39: {  	[sflag:s4] =	ssyncset.done $0x0  }
0x3a: {  	[sflag:s4] =	ssyncadd.s32 $0xFFFFC000  }
0x3b: {  	v11 =	vld.idx.msk [tilespmem:v10+s12+$0x0], $0xffff;
	_ =	sdelay $0x1  }
0x3c: {  	v12 =	vshll.u32 v10, $0x7  }
0x3d: {  	v13 =	vor.u32 v0, v12;
	_ =	sdelay $0x1  }
0x3e: {  	v11 =	vsub.s32 v11, v1  }
0x3f: {  	vm0 =	vgt.s32 v11, $0x0  }
0x40: {  	v10 =	vld.idx.msk [tilespmem:v10+s15+$0x0], $0xffff;
	v14 =	vnsel vm0, $0x0, v11  }
0x41: {  	v13 =	vld.idx.msk [tilespmem:v13+s17+$0x0], $0xffff;
	v14 =	vmin.u32 v14, $0x1FF  }
0x42: {  	v14 =	vshll.u32 v14, $0x7  }
0x43: {  	v15 =	vor.u32 v0, v14  }
0x44: {  	vm15 =	vlt.u32 v11, $0x200;
	v11 =	vor.u32 v3, v12  }
0x45: {  	v16 =	vnsel vm15, $0x0, v10  }
0x46: {  	v10 =	vmul.f32 v16, v13;
	_ =	sdelay $0x1  }
0x47: {  	[tilespmem:v15+s19+$0x0] =	vst.idx.add.f32.msk $0xffff, v10  }
0x48: {  	v10 =	vld.idx.msk [tilespmem:v11+s17+$0x0], $0xffff;
	_ =	sdelay $0x1  }
0x49: {  	v11 =	vor.u32 v3, v14  }
0x4a: {  	v13 =	vor.u32 v4, v12;
	_ =	sdelay $0x1  }
0x4b: {  	v10 =	vmul.f32 v10, v16;
	_ =	sdelay $0x1  }
0x4c: {  	[tilespmem:v11+s19+$0x0] =	vst.idx.add.f32.msk $0xffff, v10  }
0x4d: {  	v10 =	vld.idx.msk [tilespmem:v13+s17+$0x0], $0xffff;
	_ =	sdelay $0x1  }
0x4e: {  	v11 =	vor.u32 v4, v14  }
0x4f: {  	v13 =	vor.u32 v5, v12;
	_ =	sdelay $0x1  }
0x50: {  	v10 =	vmul.f32 v10, v16;
	_ =	sdelay $0x1  }
0x51: {  	[tilespmem:v11+s19+$0x0] =	vst.idx.add.f32.msk $0xffff, v10  }
0x52: {  	v10 =	vld.idx.msk [tilespmem:v13+s17+$0x0], $0xffff;
	_ =	sdelay $0x1  }
0x53: {  	v11 =	vor.u32 v5, v14  }
0x54: {  	v13 =	vor.u32 v6, v12;
	_ =	sdelay $0x1  }
0x55: {  	v10 =	vmul.f32 v10, v16;
	_ =	sdelay $0x1  }
0x56: {  	[tilespmem:v11+s19+$0x0] =	vst.idx.add.f32.msk $0xffff, v10  }
0x57: {  	v10 =	vld.idx.msk [tilespmem:v13+s17+$0x0], $0xffff;
	_ =	sdelay $0x1  }
0x58: {  	v11 =	vor.u32 v6, v14  }
0x59: {  	v13 =	vor.u32 v7, v12;
	_ =	sdelay $0x1  }
0x5a: {  	v10 =	vmul.f32 v10, v16;
	_ =	sdelay $0x1  }
0x5b: {  	[tilespmem:v11+s19+$0x0] =	vst.idx.add.f32.msk $0xffff, v10  }
0x5c: {  	v10 =	vld.idx.msk [tilespmem:v13+s17+$0x0], $0xffff;
	_ =	sdelay $0x1  }
0x5d: {  	v11 =	vor.u32 v7, v14  }
0x5e: {  	v13 =	vor.u32 v8, v12;
	_ =	sdelay $0x1  }
0x5f: {  	v10 =	vmul.f32 v10, v16;
	_ =	sdelay $0x1  }
0x60: {  	[tilespmem:v11+s19+$0x0] =	vst.idx.add.f32.msk $0xffff, v10  }
0x61: {  	v10 =	vld.idx.msk [tilespmem:v13+s17+$0x0], $0xffff;
	_ =	sdelay $0x1  }
0x62: {  	v11 =	vor.u32 v8, v14  }
0x63: {  	v12 =	vor.u32 v9, v12;
	_ =	sdelay $0x1  }
0x64: {  	v10 =	vmul.f32 v10, v16;
	_ =	sdelay $0x1  }
0x65: {  	[tilespmem:v11+s19+$0x0] =	vst.idx.add.f32.msk $0xffff, v10  }
0x66: {  	v15 =	vld.idx.msk [tilespmem:v12+s17+$0x0], $0xffff;
	_ =	sdelay $0x1  }
0x67: {  	s2 =	simm.s32 $0x1;
	v13 =	vor.u32 v9, v14  }
0x68: {  	v11 =	vmov s2  }
0x69: {  	v10 =	vshll.u32 v11, $0x7  }
0x6a: {  	s31 =	simm.s32 $0x2;
	v12 =	vor.u32 v0, v10;
	v14 =	vmul.f32 v15, v16  }
.LBB2_2:
0x6b: {  	_ = 	snop  }
0x6c: {  	p0 =	sne.s32 s31, $0xF;
	s2 =	smov.u32 s31;
	s31 =	sadd.s32 $0x1, s31;
	[tilespmem:v13+s19+$0x0] =	vst.idx.add.f32.msk $0xffff, v14  }
0x6d: {  	v13 =	vld.idx.msk [tilespmem:v11+s12+$0x0], $0xffff;
	_ =	sdelay $0x5  }
0x6e: {  	v13 =	vsub.s32 v13, v1  }
0x6f: {  	vm0 =	vlt.u32 v13, $0x200;
	vm1 =	vgt.s32 v13, $0x0;
	v11 =	vld.idx.msk [tilespmem:v11+s15+$0x0], $0xffff  }
0x70: {  	v13 =	vnsel vm1, $0x0, v13;
	v12 =	vld.idx.msk [tilespmem:v12+s17+$0x0], $0xffff  }
0x71: {  	v13 =	vmin.u32 v13, $0x1FF  }
0x72: {  	v13 =	vshll.u32 v13, $0x7  }
0x73: {  	v14 =	vor.u32 v0, v13  }
0x74: {  	v15 =	vor.u32 v3, v10  }
0x75: {  	v16 =	vnsel vm0, $0x0, v11  }
0x76: {  	v11 =	vmul.f32 v16, v12;
	_ =	sdelay $0x1  }
0x77: {  	[tilespmem:v14+s19+$0x0] =	vst.idx.add.f32.msk $0xffff, v11  }
0x78: {  	v11 =	vld.idx.msk [tilespmem:v15+s17+$0x0], $0xffff;
	_ =	sdelay $0x2  }
0x79: {  	v12 =	vor.u32 v3, v13  }
0x7a: {  	v14 =	vor.u32 v4, v10;
	_ =	sdelay $0x1  }
0x7b: {  	v11 =	vmul.f32 v11, v16;
	_ =	sdelay $0x1  }
0x7c: {  	[tilespmem:v12+s19+$0x0] =	vst.idx.add.f32.msk $0xffff, v11  }
0x7d: {  	v11 =	vld.idx.msk [tilespmem:v14+s17+$0x0], $0xffff;
	_ =	sdelay $0x2  }
0x7e: {  	v12 =	vor.u32 v4, v13  }
0x7f: {  	v14 =	vor.u32 v5, v10;
	_ =	sdelay $0x1  }
0x80: {  	v11 =	vmul.f32 v11, v16;
	_ =	sdelay $0x1  }
0x81: {  	[tilespmem:v12+s19+$0x0] =	vst.idx.add.f32.msk $0xffff, v11  }
0x82: {  	v11 =	vld.idx.msk [tilespmem:v14+s17+$0x0], $0xffff;
	_ =	sdelay $0x2  }
0x83: {  	v12 =	vor.u32 v5, v13  }
0x84: {  	v14 =	vor.u32 v6, v10;
	_ =	sdelay $0x1  }
0x85: {  	v11 =	vmul.f32 v11, v16;
	_ =	sdelay $0x1  }
0x86: {  	[tilespmem:v12+s19+$0x0] =	vst.idx.add.f32.msk $0xffff, v11  }
0x87: {  	v11 =	vld.idx.msk [tilespmem:v14+s17+$0x0], $0xffff;
	_ =	sdelay $0x2  }
0x88: {  	v12 =	vor.u32 v6, v13  }
0x89: {  	v14 =	vor.u32 v7, v10;
	_ =	sdelay $0x1  }
0x8a: {  	v11 =	vmul.f32 v11, v16;
	_ =	sdelay $0x1  }
0x8b: {  	[tilespmem:v12+s19+$0x0] =	vst.idx.add.f32.msk $0xffff, v11  }
0x8c: {  	v11 =	vld.idx.msk [tilespmem:v14+s17+$0x0], $0xffff;
	_ =	sdelay $0x2  }
0x8d: {  	v12 =	vor.u32 v7, v13  }
0x8e: {  	v14 =	vor.u32 v8, v10;
	_ =	sdelay $0x1  }
0x8f: {  	v11 =	vmul.f32 v11, v16;
	_ =	sdelay $0x1  }
0x90: {  	[tilespmem:v12+s19+$0x0] =	vst.idx.add.f32.msk $0xffff, v11  }
0x91: {  	v11 =	vld.idx.msk [tilespmem:v14+s17+$0x0], $0xffff;
	_ =	sdelay $0x2  }
0x92: {  	v12 =	vor.u32 v8, v13  }
0x93: {  	v10 =	vor.u32 v9, v10;
	_ =	sdelay $0x1  }
0x94: {  	v11 =	vmul.f32 v11, v16;
	_ =	sdelay $0x1  }
0x95: {  	[tilespmem:v12+s19+$0x0] =	vst.idx.add.f32.msk $0xffff, v11  }
0x96: {  	v14 =	vld.idx.msk [tilespmem:v10+s17+$0x0], $0xffff;
	_ =	sdelay $0x1  }
.Ltmp0:
0x97: {  	(pc) =	sbr.rel @p0 .LBB2_2-.Ltmp0, $4  }
0x98: {  	v13 =	vor.u32 v9, v13  }
0x99: {  	v11 =	vmov s2  }
0x9a: {  	v10 =	vshll.u32 v11, $0x7  }
0x9b: {  	v12 =	vor.u32 v0, v10;
	v14 =	vmul.f32 v14, v16  }
0x9c: {  	_ =	sdelay $0x3  }
0x9d: {  	[tilespmem:v13+s19+$0x0] =	vst.idx.add.f32.msk $0xffff, v14  }
0x9e: {  	v13 =	vld.idx.msk [tilespmem:v11+s12+$0x0], $0xffff;
	_ =	sdelay $0x4  }
0x9f: {  	v13 =	vsub.s32 v13, v1  }
0xa0: {  	vm0 =	vgt.s32 v13, $0x0  }
0xa1: {  	v11 =	vld.idx.msk [tilespmem:v11+s15+$0x0], $0xffff;
	v14 =	vnsel vm0, $0x0, v13  }
0xa2: {  	v12 =	vld.idx.msk [tilespmem:v12+s17+$0x0], $0xffff;
	v14 =	vmin.u32 v14, $0x1FF  }
0xa3: {  	v14 =	vshll.u32 v14, $0x7  }
0xa4: {  	v15 =	vor.u32 v0, v14  }
0xa5: {  	vm13 =	vlt.u32 v13, $0x200;
	v13 =	vor.u32 v3, v10  }
0xa6: {  	v11 =	vnsel vm13, $0x0, v11  }
0xa7: {  	v12 =	vmul.f32 v11, v12;
	_ =	sdelay $0x1  }
0xa8: {  	[tilespmem:v15+s19+$0x0] =	vst.idx.add.f32.msk $0xffff, v12  }
0xa9: {  	v12 =	vld.idx.msk [tilespmem:v13+s17+$0x0], $0xffff;
	_ =	sdelay $0x1  }
0xaa: {  	v13 =	vor.u32 v3, v14  }
0xab: {  	v15 =	vor.u32 v4, v10;
	_ =	sdelay $0x1  }
0xac: {  	v12 =	vmul.f32 v12, v11;
	_ =	sdelay $0x1  }
0xad: {  	[tilespmem:v13+s19+$0x0] =	vst.idx.add.f32.msk $0xffff, v12  }
0xae: {  	v12 =	vld.idx.msk [tilespmem:v15+s17+$0x0], $0xffff;
	_ =	sdelay $0x1  }
0xaf: {  	v13 =	vor.u32 v4, v14  }
0xb0: {  	v15 =	vor.u32 v5, v10;
	_ =	sdelay $0x1  }
0xb1: {  	v12 =	vmul.f32 v12, v11;
	_ =	sdelay $0x1  }
0xb2: {  	[tilespmem:v13+s19+$0x0] =	vst.idx.add.f32.msk $0xffff, v12  }
0xb3: {  	v12 =	vld.idx.msk [tilespmem:v15+s17+$0x0], $0xffff;
	_ =	sdelay $0x1  }
0xb4: {  	v13 =	vor.u32 v5, v14  }
0xb5: {  	v15 =	vor.u32 v6, v10;
	_ =	sdelay $0x1  }
0xb6: {  	v12 =	vmul.f32 v12, v11;
	_ =	sdelay $0x1  }
0xb7: {  	[tilespmem:v13+s19+$0x0] =	vst.idx.add.f32.msk $0xffff, v12  }
0xb8: {  	v12 =	vld.idx.msk [tilespmem:v15+s17+$0x0], $0xffff;
	_ =	sdelay $0x1  }
0xb9: {  	v13 =	vor.u32 v6, v14  }
0xba: {  	v15 =	vor.u32 v7, v10;
	_ =	sdelay $0x1  }
0xbb: {  	v12 =	vmul.f32 v12, v11;
	_ =	sdelay $0x1  }
0xbc: {  	[tilespmem:v13+s19+$0x0] =	vst.idx.add.f32.msk $0xffff, v12  }
0xbd: {  	v12 =	vld.idx.msk [tilespmem:v15+s17+$0x0], $0xffff;
	_ =	sdelay $0x1  }
0xbe: {  	v13 =	vor.u32 v7, v14  }
0xbf: {  	v15 =	vor.u32 v8, v10;
	_ =	sdelay $0x1  }
0xc0: {  	v12 =	vmul.f32 v12, v11;
	_ =	sdelay $0x1  }
0xc1: {  	[tilespmem:v13+s19+$0x0] =	vst.idx.add.f32.msk $0xffff, v12  }
0xc2: {  	v12 =	vld.idx.msk [tilespmem:v15+s17+$0x0], $0xffff;
	_ =	sdelay $0x1  }
0xc3: {  	v13 =	vor.u32 v8, v14  }
0xc4: {  	v10 =	vor.u32 v9, v10;
	_ =	sdelay $0x1  }
0xc5: {  	v12 =	vmul.f32 v12, v11;
	_ =	sdelay $0x1  }
0xc6: {  	[tilespmem:v13+s19+$0x0] =	vst.idx.add.f32.msk $0xffff, v12  }
0xc7: {  	v10 =	vld.idx.msk [tilespmem:v10+s17+$0x0], $0xffff;
	_ =	sdelay $0x1  }
0xc8: {  	v12 =	vor.u32 v9, v14;
	_ =	sdelay $0x2  }
0xc9: {  	v10 =	vmul.f32 v10, v11;
	_ =	sdelay $0x1  }
0xca: {  	s2 =	simm.s32 $0x0;
	[tilespmem:v12+s19+$0x0] =	vst.idx.add.f32.msk $0xffff, v10  }
0xcb: {  	[hbm4b:s9+s2] =	stream.linear.scatter [tilespmem:s19], [sflag:$0x2], $0x10000, $0x38;
	[tilespmem:$0x10D80] =	vst v63  }
0xcc: {  	_ =	swait.ge [sflag:s13], $0x10000  }
0xcd: {  	[sflag:s13] =	ssyncset.done $0x0  }
0xce: {  	[sflag:s13] =	ssyncadd.s32 $0xFFFF0000  }
0xcf: {  	[tilespmem:s19], [sflag:$0x1] =	stream.indirect.gather [hbm4b:s1+s18], $0x80, s25, s18, $0xb8;
	[tilespmem:$0x10D80] =	vst v63  }
0xd0: {  	_ = 	snop  }
0xd1: {  	[tilespmem:s20], [sflag:$0x1] =	stream.indirect.gather [hbm4b:s1+s18], $0x80, s26, s18, $0xb8;
	[tilespmem:$0x10D80] =	vst v63  }
0xd2: {  	_ = 	snop  }
0xd3: {  	[tilespmem:s22], [sflag:$0x1] =	stream.indirect.gather [hbm4b:s1+s18], $0x80, s28, s18, $0xb8;
	[tilespmem:$0x10D80] =	vst v63  }
0xd4: {  	_ = 	snop  }
0xd5: {  	[tilespmem:s24], [sflag:$0x1] =	stream.indirect.gather [hbm4b:s1+s18], $0x80, s29, s18, $0xb8;
	[tilespmem:$0x10D80] =	vst v63  }
0xd6: {  	_ =	swait.ge [sflag:s4], $0x4000  }
0xd7: {  	[sflag:s4] =	ssyncset.done $0x0  }
0xd8: {  	[sflag:s4] =	ssyncadd.s32 $0xFFFFC000  }
0xd9: {  	_ =	swait.ge [sflag:s4], $0x4000  }
0xda: {  	[sflag:s4] =	ssyncset.done $0x0  }
0xdb: {  	[sflag:s4] =	ssyncadd.s32 $0xFFFFC000  }
0xdc: {  	_ =	swait.ge [sflag:s4], $0x4000  }
0xdd: {  	v10 =	vmov s2;
	[sflag:s4] =	ssyncset.done $0x0  }
0xde: {  	[sflag:s4] =	ssyncadd.s32 $0xFFFFC000  }
0xdf: {  	_ =	swait.ge [sflag:s4], $0x4000  }
0xe0: {  	[sflag:s4] =	ssyncset.done $0x0  }
0xe1: {  	[sflag:s4] =	ssyncadd.s32 $0xFFFFC000  }
0xe2: {  	v11 =	vld.idx.msk [tilespmem:v10+s12+$0x0], $0xffff;
	_ =	sdelay $0x1  }
0xe3: {  	v12 =	vshll.u32 v10, $0x7  }
0xe4: {  	v13 =	vor.u32 v0, v12;
	_ =	sdelay $0x1  }
0xe5: {  	v11 =	vsub.s32 v11, v2  }
0xe6: {  	vm14 =	vgt.s32 v11, $0x0  }
0xe7: {  	v10 =	vld.idx.msk [tilespmem:v10+s15+$0x0], $0xffff;
	v14 =	vnsel vm14, $0x0, v11  }
0xe8: {  	v13 =	vld.idx.msk [tilespmem:v13+s17+$0x0], $0xffff;
	v14 =	vmin.u32 v14, $0x1FF  }
0xe9: {  	v14 =	vshll.u32 v14, $0x7  }
0xea: {  	v15 =	vor.u32 v0, v14  }
0xeb: {  	vm15 =	vlt.u32 v11, $0x200;
	v11 =	vor.u32 v3, v12  }
0xec: {  	v16 =	vnsel vm15, $0x0, v10  }
0xed: {  	v10 =	vmul.f32 v16, v13;
	_ =	sdelay $0x1  }
0xee: {  	[tilespmem:v15+s19+$0x0] =	vst.idx.add.f32.msk $0xffff, v10  }
0xef: {  	v10 =	vld.idx.msk [tilespmem:v11+s17+$0x0], $0xffff;
	_ =	sdelay $0x1  }
0xf0: {  	v11 =	vor.u32 v3, v14  }
0xf1: {  	v13 =	vor.u32 v4, v12;
	_ =	sdelay $0x1  }
0xf2: {  	v10 =	vmul.f32 v10, v16;
	_ =	sdelay $0x1  }
0xf3: {  	[tilespmem:v11+s19+$0x0] =	vst.idx.add.f32.msk $0xffff, v10  }
0xf4: {  	v10 =	vld.idx.msk [tilespmem:v13+s17+$0x0], $0xffff;
	_ =	sdelay $0x1  }
0xf5: {  	v11 =	vor.u32 v4, v14  }
0xf6: {  	v13 =	vor.u32 v5, v12;
	_ =	sdelay $0x1  }
0xf7: {  	v10 =	vmul.f32 v10, v16;
	_ =	sdelay $0x1  }
0xf8: {  	[tilespmem:v11+s19+$0x0] =	vst.idx.add.f32.msk $0xffff, v10  }
0xf9: {  	v10 =	vld.idx.msk [tilespmem:v13+s17+$0x0], $0xffff;
	_ =	sdelay $0x1  }
0xfa: {  	v11 =	vor.u32 v5, v14  }
0xfb: {  	v13 =	vor.u32 v6, v12;
	_ =	sdelay $0x1  }
0xfc: {  	v10 =	vmul.f32 v10, v16;
	_ =	sdelay $0x1  }
0xfd: {  	[tilespmem:v11+s19+$0x0] =	vst.idx.add.f32.msk $0xffff, v10  }
0xfe: {  	v10 =	vld.idx.msk [tilespmem:v13+s17+$0x0], $0xffff;
	_ =	sdelay $0x1  }
0xff: {  	v11 =	vor.u32 v6, v14  }
0x100: {  	v13 =	vor.u32 v7, v12;
	_ =	sdelay $0x1  }
0x101: {  	v10 =	vmul.f32 v10, v16;
	_ =	sdelay $0x1  }
0x102: {  	[tilespmem:v11+s19+$0x0] =	vst.idx.add.f32.msk $0xffff, v10  }
0x103: {  	v10 =	vld.idx.msk [tilespmem:v13+s17+$0x0], $0xffff;
	_ =	sdelay $0x1  }
0x104: {  	v11 =	vor.u32 v7, v14  }
0x105: {  	v13 =	vor.u32 v8, v12;
	_ =	sdelay $0x1  }
0x106: {  	v10 =	vmul.f32 v10, v16;
	_ =	sdelay $0x1  }
0x107: {  	[tilespmem:v11+s19+$0x0] =	vst.idx.add.f32.msk $0xffff, v10  }
0x108: {  	v10 =	vld.idx.msk [tilespmem:v13+s17+$0x0], $0xffff;
	_ =	sdelay $0x1  }
0x109: {  	v11 =	vor.u32 v8, v14  }
0x10a: {  	v12 =	vor.u32 v9, v12;
	_ =	sdelay $0x1  }
0x10b: {  	v10 =	vmul.f32 v10, v16;
	_ =	sdelay $0x1  }
0x10c: {  	[tilespmem:v11+s19+$0x0] =	vst.idx.add.f32.msk $0xffff, v10  }
0x10d: {  	v15 =	vld.idx.msk [tilespmem:v12+s17+$0x0], $0xffff;
	_ =	sdelay $0x1  }
0x10e: {  	s2 =	simm.s32 $0x1;
	v13 =	vor.u32 v9, v14  }
0x10f: {  	v11 =	vmov s2  }
0x110: {  	v10 =	vshll.u32 v11, $0x7  }
0x111: {  	s31 =	simm.s32 $0x2;
	v12 =	vor.u32 v0, v10;
	v14 =	vmul.f32 v15, v16  }
.LBB2_4:
0x112: {  	_ = 	snop  }
0x113: {  	p0 =	sne.s32 s31, $0xF;
	s2 =	smov.u32 s31;
	s31 =	sadd.s32 $0x1, s31;
	[tilespmem:v13+s19+$0x0] =	vst.idx.add.f32.msk $0xffff, v14  }
0x114: {  	v13 =	vld.idx.msk [tilespmem:v11+s12+$0x0], $0xffff;
	_ =	sdelay $0x5  }
0x115: {  	v13 =	vsub.s32 v13, v2  }
0x116: {  	vm0 =	vlt.u32 v13, $0x200;
	vm1 =	vgt.s32 v13, $0x0;
	v11 =	vld.idx.msk [tilespmem:v11+s15+$0x0], $0xffff  }
0x117: {  	v13 =	vnsel vm1, $0x0, v13;
	v12 =	vld.idx.msk [tilespmem:v12+s17+$0x0], $0xffff  }
0x118: {  	v13 =	vmin.u32 v13, $0x1FF  }
0x119: {  	v13 =	vshll.u32 v13, $0x7  }
0x11a: {  	v14 =	vor.u32 v0, v13  }
0x11b: {  	v15 =	vor.u32 v3, v10  }
0x11c: {  	v16 =	vnsel vm0, $0x0, v11  }
0x11d: {  	v11 =	vmul.f32 v16, v12;
	_ =	sdelay $0x1  }
0x11e: {  	[tilespmem:v14+s19+$0x0] =	vst.idx.add.f32.msk $0xffff, v11  }
0x11f: {  	v11 =	vld.idx.msk [tilespmem:v15+s17+$0x0], $0xffff;
	_ =	sdelay $0x2  }
0x120: {  	v12 =	vor.u32 v3, v13  }
0x121: {  	v14 =	vor.u32 v4, v10;
	_ =	sdelay $0x1  }
0x122: {  	v11 =	vmul.f32 v11, v16;
	_ =	sdelay $0x1  }
0x123: {  	[tilespmem:v12+s19+$0x0] =	vst.idx.add.f32.msk $0xffff, v11  }
0x124: {  	v11 =	vld.idx.msk [tilespmem:v14+s17+$0x0], $0xffff;
	_ =	sdelay $0x2  }
0x125: {  	v12 =	vor.u32 v4, v13  }
0x126: {  	v14 =	vor.u32 v5, v10;
	_ =	sdelay $0x1  }
0x127: {  	v11 =	vmul.f32 v11, v16;
	_ =	sdelay $0x1  }
0x128: {  	[tilespmem:v12+s19+$0x0] =	vst.idx.add.f32.msk $0xffff, v11  }
0x129: {  	v11 =	vld.idx.msk [tilespmem:v14+s17+$0x0], $0xffff;
	_ =	sdelay $0x2  }
0x12a: {  	v12 =	vor.u32 v5, v13  }
0x12b: {  	v14 =	vor.u32 v6, v10;
	_ =	sdelay $0x1  }
0x12c: {  	v11 =	vmul.f32 v11, v16;
	_ =	sdelay $0x1  }
0x12d: {  	[tilespmem:v12+s19+$0x0] =	vst.idx.add.f32.msk $0xffff, v11  }
0x12e: {  	v11 =	vld.idx.msk [tilespmem:v14+s17+$0x0], $0xffff;
	_ =	sdelay $0x2  }
0x12f: {  	v12 =	vor.u32 v6, v13  }
0x130: {  	v14 =	vor.u32 v7, v10;
	_ =	sdelay $0x1  }
0x131: {  	v11 =	vmul.f32 v11, v16;
	_ =	sdelay $0x1  }
0x132: {  	[tilespmem:v12+s19+$0x0] =	vst.idx.add.f32.msk $0xffff, v11  }
0x133: {  	v11 =	vld.idx.msk [tilespmem:v14+s17+$0x0], $0xffff;
	_ =	sdelay $0x2  }
0x134: {  	v12 =	vor.u32 v7, v13  }
0x135: {  	v14 =	vor.u32 v8, v10;
	_ =	sdelay $0x1  }
0x136: {  	v11 =	vmul.f32 v11, v16;
	_ =	sdelay $0x1  }
0x137: {  	[tilespmem:v12+s19+$0x0] =	vst.idx.add.f32.msk $0xffff, v11  }
0x138: {  	v11 =	vld.idx.msk [tilespmem:v14+s17+$0x0], $0xffff;
	_ =	sdelay $0x2  }
0x139: {  	v12 =	vor.u32 v8, v13  }
0x13a: {  	v10 =	vor.u32 v9, v10;
	_ =	sdelay $0x1  }
0x13b: {  	v11 =	vmul.f32 v11, v16;
	_ =	sdelay $0x1  }
0x13c: {  	[tilespmem:v12+s19+$0x0] =	vst.idx.add.f32.msk $0xffff, v11  }
0x13d: {  	v14 =	vld.idx.msk [tilespmem:v10+s17+$0x0], $0xffff;
	_ =	sdelay $0x1  }
.Ltmp1:
0x13e: {  	(pc) =	sbr.rel @p0 .LBB2_4-.Ltmp1, $4  }
0x13f: {  	v13 =	vor.u32 v9, v13  }
0x140: {  	v11 =	vmov s2  }
0x141: {  	v10 =	vshll.u32 v11, $0x7  }
0x142: {  	v12 =	vor.u32 v0, v10;
	v14 =	vmul.f32 v14, v16  }
0x143: {  	_ =	sdelay $0x3  }
0x144: {  	[tilespmem:v13+s19+$0x0] =	vst.idx.add.f32.msk $0xffff, v14  }
0x145: {  	v13 =	vld.idx.msk [tilespmem:v11+s12+$0x0], $0xffff;
	_ =	sdelay $0x4  }
0x146: {  	v13 =	vsub.s32 v13, v2  }
0x147: {  	vm0 =	vgt.s32 v13, $0x0  }
0x148: {  	v11 =	vld.idx.msk [tilespmem:v11+s15+$0x0], $0xffff;
	v50 =	vnsel vm0, $0x0, v13  }
0x149: {  	v12 =	vld.idx.msk [tilespmem:v12+s17+$0x0], $0xffff;
	v14 =	vmin.u32 v50, $0x1FF  }
0x14a: {  	v14 =	vshll.u32 v14, $0x7  }
0x14b: {  	v15 =	vor.u32 v0, v14  }
0x14c: {  	v51 =	vor.u32 v3, v10;
	vm15 =	vlt.u32 v13, $0x200  }
0x14d: {  	v11 =	vnsel vm15, $0x0, v11  }
0x14e: {  	v12 =	vmul.f32 v11, v12;
	_ =	sdelay $0x1  }
0x14f: {  	[tilespmem:v15+s19+$0x0] =	vst.idx.add.f32.msk $0xffff, v12  }
0x150: {  	v12 =	vld.idx.msk [tilespmem:v51+s17+$0x0], $0xffff;
	_ =	sdelay $0x1  }
0x151: {  	v52 =	vor.u32 v3, v14  }
0x152: {  	v53 =	vor.u32 v4, v10;
	_ =	sdelay $0x1  }
0x153: {  	v12 =	vmul.f32 v12, v11;
	_ =	sdelay $0x1  }
0x154: {  	[tilespmem:v52+s19+$0x0] =	vst.idx.add.f32.msk $0xffff, v12  }
0x155: {  	v12 =	vld.idx.msk [tilespmem:v53+s17+$0x0], $0xffff;
	_ =	sdelay $0x1  }
0x156: {  	v54 =	vor.u32 v4, v14  }
0x157: {  	v55 =	vor.u32 v5, v10;
	_ =	sdelay $0x1  }
0x158: {  	v12 =	vmul.f32 v12, v11;
	_ =	sdelay $0x1  }
0x159: {  	[tilespmem:v54+s19+$0x0] =	vst.idx.add.f32.msk $0xffff, v12  }
0x15a: {  	v12 =	vld.idx.msk [tilespmem:v55+s17+$0x0], $0xffff;
	_ =	sdelay $0x1  }
0x15b: {  	v56 =	vor.u32 v5, v14  }
0x15c: {  	v57 =	vor.u32 v6, v10;
	_ =	sdelay $0x1  }
0x15d: {  	v12 =	vmul.f32 v12, v11;
	_ =	sdelay $0x1  }
0x15e: {  	[tilespmem:v56+s19+$0x0] =	vst.idx.add.f32.msk $0xffff, v12  }
0x15f: {  	v12 =	vld.idx.msk [tilespmem:v57+s17+$0x0], $0xffff;
	_ =	sdelay $0x1  }
0x160: {  	v58 =	vor.u32 v6, v14  }
0x161: {  	v59 =	vor.u32 v7, v10;
	_ =	sdelay $0x1  }
0x162: {  	v12 =	vmul.f32 v12, v11;
	_ =	sdelay $0x1  }
0x163: {  	[tilespmem:v58+s19+$0x0] =	vst.idx.add.f32.msk $0xffff, v12  }
0x164: {  	v12 =	vld.idx.msk [tilespmem:v59+s17+$0x0], $0xffff;
	_ =	sdelay $0x1  }
0x165: {  	v60 =	vor.u32 v7, v14  }
0x166: {  	v61 =	vor.u32 v8, v10;
	_ =	sdelay $0x1  }
0x167: {  	v12 =	vmul.f32 v12, v11;
	_ =	sdelay $0x1  }
0x168: {  	[tilespmem:v60+s19+$0x0] =	vst.idx.add.f32.msk $0xffff, v12  }
0x169: {  	v12 =	vld.idx.msk [tilespmem:v61+s17+$0x0], $0xffff;
	_ =	sdelay $0x1  }
0x16a: {  	v62 =	vor.u32 v8, v14  }
0x16b: {  	v10 =	vor.u32 v9, v10;
	_ =	sdelay $0x1  }
0x16c: {  	v12 =	vmul.f32 v12, v11;
	_ =	sdelay $0x1  }
0x16d: {  	[tilespmem:v62+s19+$0x0] =	vst.idx.add.f32.msk $0xffff, v12  }
0x16e: {  	v10 =	vld.idx.msk [tilespmem:v10+s17+$0x0], $0xffff;
	_ =	sdelay $0x1  }
0x16f: {  	v63 =	vor.u32 v9, v14;
	_ =	sdelay $0x2  }
0x170: {  	s30 =	sadd.s32 $0x1, s30;
	v10 =	vmul.f32 v10, v11  }
0x171: {  	p0 =	sne.s32 s30, s11  }
.Ltmp2:
0x172: {  	[tilespmem:v63+s19+$0x0] =	vst.idx.add.f32.msk $0xffff, v10;
	(pc) =	sbr.rel @p0 .LBB2_1-.Ltmp2, $4  }
0x173: {  	[hbm4b:s10+s3] =	stream.linear.scatter [tilespmem:s19], [sflag:$0x2], $0x10000, $0x38;
	[tilespmem:$0x10D80] =	vst v63  }
0x174: {  	_ =	swait.ge [sflag:s13], $0x10000  }
0x175: {  	[sflag:s13] =	ssyncset.done $0x0  }
0x176: {  	[sflag:s13] =	ssyncadd.s32 $0xFFFF0000  }
0x177: {  	_ =	sfence.sel $0x180000  }
0x178: {  	[bflag:$0x0] =	sbarrier.arrive $0xFFFF  }
0x179: {  	_ =	strace $0x9000004A  }
0x17a: {  	[bflag:$0x2] =	sbarrier.arrive $0xFFFF  }
0x17b: {  	p0 =	sne.s32 s0, $0x0;
	s0 =	rddreg [dreg:$0x3]  }
0x17c: {  	s0 =	sadd.s32 @!p0 $0x100000, s0  }
0x17d: {  	[sflag:s0] =	ssyncadd.tile.s32 @!p0 $0x1;
	_ =	shalt  }
.Lfunc_end2:
_tile_overlayer_lowered:
.L_overlay_start_2:
0x17e: {  	(tag) =	ssettag $0x2  }
0x17f: {  	s0 =	rddreg [dreg:$0x0];
	s2 =	stileid.u32  }
0x180: {  	s1 =	rddreg [dreg:$0x1];
	p0 =	sne.s32 s2, $0x0  }
0x181: {  	s3 =	rddreg [dreg:$0x2];
	[bflag:$0x3] =	sbarrier.arrive $0xFFFF;
	s2 =	simm.s32 @!p0 $0x1C02  }
0x182: {  	[timem:s3], [sflag:s2] =	dma.local @!p0 [hbm:s0], s1  }
0x183: {  	s0 =	simm.s32 @!p0 $0x2  }
0x184: {  	_ =	swait.ge @!p0 [sflag:s0], s1  }
0x185: {  	s1 =	ssub.s32 @!p0 $0x0, s1;
	[sflag:s0] =	ssyncset.done @!p0 $0x0  }
0x186: {  	[sflag:s0] =	ssyncadd.s32 @!p0 s1  }
0x187: {  	[bflag:$0x3] =	sbarrier.arrive $0xFFFF  }
0x188: {  	_ =	shalt  }

</sc_bundles>
